<compile_context>
chip_gen: v7x
topology: tpu7x:2x2x1
jax: 0.10.2.dev20260603
libtpu: 0.0.44.dev20260713+nightly
codegen_flags: <defaults>
</compile_context>

<pallas_src>
import functools

import jax
import jax.numpy as jnp
from jax import lax
from jax.experimental import pallas as pl
from jax.experimental.pallas import tpu as pltpu
from jax.experimental.pallas import tpu_sc as plsc

N = 10000
E = 320000
D_IN = 128
D_H = 256
DH2 = 128
N_CLASSES = 10
N_GRAPHS = 64
EPS = 1e-5

NP = 10112
NT = 16
NC = 2
RPT = NP // NT
CH = 128
K = 160
E_PAD = NT * K * CH
K_DEG = E_PAD // (NC * NT * CH)


def _mesh():
    return plsc.VectorSubcoreMesh(core_axis_name="c", subcore_axis_name="s")


def _deg_body(dsts_hbm, ones_hbm, zeros_hbm, deg_hbm,
              dst_v, ones_v, dacc, sem):
    c = lax.axis_index("c")
    s = lax.axis_index("s")
    w = c * NT + s
    pltpu.sync_copy(dsts_hbm.at[pl.ds(w * K_DEG, K_DEG)], dst_v)
    pltpu.sync_copy(ones_hbm, ones_v)
    r0 = s * RPT
    pltpu.sync_copy(zeros_hbm.at[pl.ds(r0, RPT)], dacc.at[pl.ds(r0, RPT)])
    plsc.subcore_barrier()

    def step(j, carry):
        pltpu.sync_copy(ones_v, dacc.at[dst_v.at[j]], add=True)
        return carry

    lax.fori_loop(0, K_DEG, step, 0)
    plsc.subcore_barrier()
    pltpu.sync_copy(dacc.at[pl.ds(r0, RPT)], deg_hbm.at[pl.ds(c * NP + r0, RPT)])


@functools.partial(jax.jit, static_argnums=())
def _deg_call(dsts, ones_d, zeros_d):
    f = pl.kernel(
        _deg_body,
        out_type=jax.ShapeDtypeStruct((NC * NP, 16), jnp.float32),
        mesh=_mesh(),
        scratch_types=[
            pltpu.VMEM((K_DEG, CH), jnp.int32),
            pltpu.VMEM((CH, 16), jnp.float32),
            pltpu.VMEM_SHARED((NP, 16), jnp.float32),
            pltpu.SemaphoreType.DMA,
        ],
    )
    return f(dsts, ones_d, zeros_d)


G = 8
NGRP = K // G
NPAIR = NGRP // 2


def _agg_body(hs_hbm, srcs_hbm, dsts_hbm, out_hbm,
              src_a, dst_a, src_b, dst_b, buf0, buf1, acc,
              sem_a, sem_b, sem0, sem1):
    c = lax.axis_index("c")
    s = lax.axis_index("s")
    w = c * NT + s
    base_s = w * K
    base_d = s * K
    r0 = s * RPT
    pltpu.sync_copy(hs_hbm.at[pl.ds(c * NP + r0, RPT)], acc.at[pl.ds(r0, RPT)])
    pltpu.async_copy(srcs_hbm.at[pl.ds(base_s, G)], src_a, sem_a)
    pltpu.async_copy(dsts_hbm.at[pl.ds(base_d, G)], dst_a, sem_a)
    pltpu.async_copy(srcs_hbm.at[pl.ds(base_s + G, G)], src_b, sem_b)
    pltpu.async_copy(dsts_hbm.at[pl.ds(base_d + G, G)], dst_b, sem_b)
    plsc.subcore_barrier()

    def wait_idx(src_v, dst_v, sem):
        pltpu.make_async_copy(srcs_hbm.at[pl.ds(base_s, G)], src_v, sem).wait()
        pltpu.make_async_copy(dsts_hbm.at[pl.ds(base_d, G)], dst_v, sem).wait()

    def gather(idx_row, buf, sem):
        pltpu.async_copy(hs_hbm.at[idx_row], buf, sem)

    def wait_gather(buf, sem):
        pltpu.make_async_copy(hs_hbm.at[src_a.at[0]], buf, sem).wait()

    wait_idx(src_a, dst_a, sem_a)
    gather(src_a.at[0], buf0, sem0)

    def pair(p, carry):
        for k in range(2 * G):
            drow = (dst_a if k < G else dst_b).at[k % G]
            buf, sem = (buf0, sem0) if k % 2 == 0 else (buf1, sem1)
            nbuf, nsem = (buf1, sem1) if k % 2 == 0 else (buf0, sem0)
            if k + 1 == G:
                wait_idx(src_b, dst_b, sem_b)
            if k + 1 < 2 * G:
                nrow = (src_a if k + 1 < G else src_b).at[(k + 1) % G]
                gather(nrow, nbuf, nsem)
            else:
                @pl.when(p < NPAIR - 1)
                def _():
                    wait_idx(src_a, dst_a, sem_a)
                    gather(src_a.at[0], nbuf, nsem)
            wait_gather(buf, sem)
            pltpu.sync_copy(buf, acc.at[drow], add=True)
            if k == G - 1:
                @pl.when(p < NPAIR - 1)
                def _():
                    g2 = (2 * p + 2) * G
                    pltpu.async_copy(srcs_hbm.at[pl.ds(base_s + g2, G)], src_a, sem_a)
                    pltpu.async_copy(dsts_hbm.at[pl.ds(base_d + g2, G)], dst_a, sem_a)
            if k == 2 * G - 1:
                @pl.when(p < NPAIR - 1)
                def _():
                    g3 = (2 * p + 3) * G
                    pltpu.async_copy(srcs_hbm.at[pl.ds(base_s + g3, G)], src_b, sem_b)
                    pltpu.async_copy(dsts_hbm.at[pl.ds(base_d + g3, G)], dst_b, sem_b)
        return carry

    lax.fori_loop(0, NPAIR, pair, 0)
    plsc.subcore_barrier()
    pltpu.sync_copy(acc.at[pl.ds(r0, RPT)], out_hbm.at[pl.ds(c * NP + r0, RPT)])


def _agg_call(hs_flat, srcs, dsts):
    f = pl.kernel(
        _agg_body,
        out_type=jax.ShapeDtypeStruct((NC * NP, DH2), jnp.float32),
        mesh=_mesh(),
        scratch_types=[
            pltpu.VMEM((G, CH), jnp.int32),
            pltpu.VMEM((G, CH), jnp.int32),
            pltpu.VMEM((G, CH), jnp.int32),
            pltpu.VMEM((G, CH), jnp.int32),
            pltpu.VMEM((CH, DH2), jnp.float32),
            pltpu.VMEM((CH, DH2), jnp.float32),
            pltpu.VMEM_SHARED((NP, DH2), jnp.float32),
            pltpu.SemaphoreType.DMA,
            pltpu.SemaphoreType.DMA,
            pltpu.SemaphoreType.DMA,
            pltpu.SemaphoreType.DMA,
        ],
    )
    return f(hs_flat, srcs, dsts)


def _dinv_from_parts(degp_ref):
    deg = degp_ref[0] + degp_ref[1] + 1.0
    rows = lax.broadcasted_iota(jnp.int32, (NP, 1), 0)
    return jnp.where(rows < N, lax.rsqrt(deg[:, :1]), 0.0)


def _tc1_body(x_ref, w1_ref, degp_ref, hs_ref):
    dinv = _dinv_from_parts(degp_ref)
    h = jnp.dot(x_ref[...], w1_ref[...], preferred_element_type=jnp.float32)
    hs = h * dinv
    hs_ref[0] = hs[:, :DH2]
    hs_ref[1] = hs[:, DH2:]


def _bn_relu(z, g, be):
    m = jnp.sum(z, axis=0, keepdims=True) * (1.0 / N)
    v = jnp.sum(z * z, axis=0, keepdims=True) * (1.0 / N) - m * m
    return jnp.maximum((z - m) * lax.rsqrt(v + EPS) * g + be, 0.0)


def _tc2_body(acc_ref, degp_ref, g_ref, be_ref, w2_ref, hs2_ref):
    dinv = _dinv_from_parts(degp_ref)
    r0 = _bn_relu(acc_ref[0] * dinv, g_ref[:, :DH2], be_ref[:, :DH2])
    r1 = _bn_relu(acc_ref[1] * dinv, g_ref[:, DH2:], be_ref[:, DH2:])
    h2 = (jnp.dot(r0, w2_ref[:DH2, :], preferred_element_type=jnp.float32)
          + jnp.dot(r1, w2_ref[DH2:, :], preferred_element_type=jnp.float32))
    hs2 = h2 * dinv
    hs2_ref[0] = hs2[:, :DH2]
    hs2_ref[1] = hs2[:, DH2:]


def _tc3_body(acc_ref, degp_ref, g_ref, be_ref, batch_ref, wc_ref, bc_ref,
              out_ref):
    dinv = _dinv_from_parts(degp_ref)
    r0 = _bn_relu(acc_ref[0] * dinv, g_ref[:, :DH2], be_ref[:, :DH2])
    r1 = _bn_relu(acc_ref[1] * dinv, g_ref[:, DH2:], be_ref[:, DH2:])
    gids = lax.broadcasted_iota(jnp.int32, (N_GRAPHS, NP), 0)
    m = jnp.where(batch_ref[...] == gids, 1.0, 0.0)
    p0 = jnp.dot(m, r0, preferred_element_type=jnp.float32)
    p1 = jnp.dot(m, r1, preferred_element_type=jnp.float32)
    out_ref[...] = (jnp.dot(p0, wc_ref[:DH2, :], preferred_element_type=jnp.float32)
                    + jnp.dot(p1, wc_ref[DH2:, :], preferred_element_type=jnp.float32)
                    + bc_ref[...])


def _tc1_call(x_pad, w1, degp):
    return pl.pallas_call(
        _tc1_body,
        out_shape=jax.ShapeDtypeStruct((NC, NP, DH2), jnp.float32),
    )(x_pad, w1, degp)


def _tc2_call(acc, degp, g, be, w2):
    return pl.pallas_call(
        _tc2_body,
        out_shape=jax.ShapeDtypeStruct((NC, NP, DH2), jnp.float32),
    )(acc, degp, g, be, w2)


def _tc3_call(acc, degp, g, be, batch2d, wc, bc):
    return pl.pallas_call(
        _tc3_body,
        out_shape=jax.ShapeDtypeStruct((N_GRAPHS, N_CLASSES), jnp.float32),
    )(acc, degp, g, be, batch2d, wc, bc)


def kernel(x, edge_index, batch, W1, b1, g1, be1, W2, b2, g2, be2, Wc, bc):
    src = edge_index[0]
    dst = edge_index[1]
    pad = E_PAD - E
    srcp = jnp.concatenate([src, jnp.full((pad,), N, jnp.int32)])
    dstp = jnp.concatenate([dst, jnp.full((pad,), N, jnp.int32)])
    srcs = jnp.stack([srcp, srcp + NP]).reshape(NC * NT * K, CH)
    dsts = dstp.reshape(NT * K, CH)
    dstd = dstp.reshape(NC * NT * K_DEG, CH)
    x_pad = jnp.pad(x, ((0, NP - N), (0, 0)))
    batch2d = jnp.pad(batch, (0, NP - N), constant_values=N_GRAPHS).reshape(1, NP)
    ones_d = jnp.ones((CH, 16), jnp.float32)
    zeros_d = jnp.zeros((NP, 16), jnp.float32)

    cnt = jnp.zeros((NP,), jnp.float32).at[dst].add(1.0)
    degp = jnp.stack([jnp.broadcast_to(cnt[:, None], (NP, 16)),
                      jnp.zeros((NP, 16), jnp.float32)])
    hs1 = _tc1_call(x_pad, W1, degp)
    acc1 = _agg_call(hs1.reshape(NC * NP, DH2), srcs, dsts).reshape(NC, NP, DH2)
    hs2 = _tc2_call(acc1, degp, g1.reshape(1, D_H), be1.reshape(1, D_H), W2)
    acc2 = _agg_call(hs2.reshape(NC * NP, DH2), srcs, dsts).reshape(NC, NP, DH2)
    return _tc3_call(acc2, degp, g2.reshape(1, D_H), be2.reshape(1, D_H),
                     batch2d, Wc, bc.reshape(1, N_CLASSES))

# --- scband reference (transcript-rebuilt; emitter-appended) ---
"""Pipeline reference for scband-graph-classifier-gcn2-38517266711099 (READ-ONLY COPY).

The authoritative reference and input builder live on the scoring server;
editing this copy changes nothing except your own understanding.
"""

import jax, jax.numpy as jnp
import numpy as np

N = 10000
E = 320000
D_IN = 128
D_H = 256
N_CLASSES = 10
N_GRAPHS = 64
EPS = 1e-5


def setup_inputs(seed: int = 0) -> dict:
    key = jax.random.key(seed)
    ks = jax.random.split(key, 16)
    x = jax.random.normal(ks[0], (N, D_IN), dtype=jnp.float32)
    edge_index = jax.random.randint(ks[1], (2, E), 0, N, dtype=jnp.int32)
    batch = jnp.sort(jax.random.randint(ks[2], (N,), 0, N_GRAPHS, dtype=jnp.int32))
    # GCNConv glorot weights + zero bias (PyG default)
    W1 = jax.random.normal(ks[3], (D_IN, D_H), dtype=jnp.float32) * jnp.sqrt(2.0 / (D_IN + D_H))
    b1 = jnp.zeros((D_H,), dtype=jnp.float32)
    g1 = jnp.ones((D_H,), dtype=jnp.float32)
    be1 = jnp.zeros((D_H,), dtype=jnp.float32)
    W2 = jax.random.normal(ks[4], (D_H, D_H), dtype=jnp.float32) * jnp.sqrt(2.0 / (D_H + D_H))
    b2 = jnp.zeros((D_H,), dtype=jnp.float32)
    g2 = jnp.ones((D_H,), dtype=jnp.float32)
    be2 = jnp.zeros((D_H,), dtype=jnp.float32)
    Wc = jax.random.normal(ks[5], (D_H, N_CLASSES), dtype=jnp.float32) * jnp.sqrt(1.0 / D_H)
    bc = jnp.zeros((N_CLASSES,), dtype=jnp.float32)
    return {"x": x, "edge_index": edge_index, "batch": batch,
            "W1": W1, "b1": b1, "g1": g1, "be1": be1,
            "W2": W2, "b2": b2, "g2": g2, "be2": be2,
            "Wc": Wc, "bc": bc}


def _gcn_conv(x, src, dst, W, b):
    # GCNConv with self-loops and symmetric normalization: D^-1/2 (A+I) D^-1/2 X W + b
    loop = jnp.arange(N, dtype=src.dtype)
    src_f = jnp.concatenate([src, loop])
    dst_f = jnp.concatenate([dst, loop])
    deg = jnp.zeros((N,), dtype=jnp.float32).at[dst_f].add(1.0)
    dinv = jnp.where(deg > 0, jax.lax.rsqrt(deg), 0.0)
    norm = dinv[src_f] * dinv[dst_f]
    h = x @ W
    msg = h[src_f] * norm[:, None]
    out = jnp.zeros((N, h.shape[1]), dtype=jnp.float32).at[dst_f].add(msg)
    return out + b


def _batchnorm(h, gamma, beta):
    mean = jnp.mean(h, axis=0, keepdims=True)
    var = jnp.var(h, axis=0, keepdims=True)
    return (h - mean) * jax.lax.rsqrt(var + EPS) * gamma + beta


def reference(x, edge_index, batch, W1, b1, g1, be1, W2, b2, g2, be2, Wc, bc):
    src, dst = edge_index[0], edge_index[1]
    h = _gcn_conv(x, src, dst, W1, b1)
    h = jax.nn.relu(_batchnorm(h, g1, be1))
    # dropout is identity in eval / deterministic reference
    h = _gcn_conv(h, src, dst, W2, b2)
    h = jax.nn.relu(_batchnorm(h, g2, be2))
    pooled = jax.ops.segment_sum(h, batch, num_segments=N_GRAPHS)
    logits = pooled @ Wc + bc
    return logits

if __name__ == "__main__":
    import jax
    _d = setup_inputs()
    print(jax.jit(kernel)(*tuple(_d.values())))

</pallas_src>

<mosaic_0001>
#map = affine_map<(d0, d1) -> (0, 0)>
module attributes {stable_mosaic.version = 14 : i64} {
  func.func @_agg_body(%arg0: i32, %arg1: i32, %arg2: memref<20224x128xf32, #tpu.memory_space<hbm>>, %arg3: memref<5120x128xi32, #tpu.memory_space<hbm>>, %arg4: memref<2560x128xi32, #tpu.memory_space<hbm>>, %arg5: memref<20224x128xf32, #tpu.memory_space<hbm>>, %arg6: memref<8x128xi32, #tpu.memory_space<vmem>>, %arg7: memref<8x128xi32, #tpu.memory_space<vmem>>, %arg8: memref<8x128xi32, #tpu.memory_space<vmem>>, %arg9: memref<8x128xi32, #tpu.memory_space<vmem>>, %arg10: memref<128x128xf32, #tpu.memory_space<vmem>>, %arg11: memref<128x128xf32, #tpu.memory_space<vmem>>, %arg12: memref<10112x128xf32, #tpu.memory_space<vmem_shared>>, %arg13: memref<!tpu.dma_semaphore, #tpu.memory_space<semaphore_mem>>, %arg14: memref<!tpu.dma_semaphore, #tpu.memory_space<semaphore_mem>>, %arg15: memref<!tpu.dma_semaphore, #tpu.memory_space<semaphore_mem>>, %arg16: memref<!tpu.dma_semaphore, #tpu.memory_space<semaphore_mem>>) attributes {dimension_semantics = [#tpu.dimension_semantics<core_parallel>, #tpu.dimension_semantics<subcore_parallel>], iteration_bounds = array<i64: 2, 16>, scalar_prefetch = 0 : i64, scratch_operands = 11 : i64, tpu.core_type = #tpu.core_type<sc_vector_subcore>, window_params = [{transform_indices = #map}, {transform_indices = #map}, {transform_indices = #map}, {transform_indices = #map}]} {
    %mul3A = arith.constant 16 : i32
    %mul3A_0 = arith.muli %arg0, %mul3A : i32
    %add3A = arith.addi %mul3A_0, %arg1 : i32
    %mul3A_1 = arith.constant 160 : i32
    %mul3A_2 = arith.muli %add3A, %mul3A_1 : i32
    %mul3A_3 = arith.constant 160 : i32
    %mul3A_4 = arith.muli %arg1, %mul3A_3 : i32
    %mul3A_5 = arith.constant 632 : i32
    %mul3A_6 = arith.muli %arg1, %mul3A_5 : i32
    %mul3A_7 = arith.constant 10112 : i32
    %mul3A_8 = arith.muli %arg0, %mul3A_7 : i32
    %add3A_9 = arith.addi %mul3A_8, %mul3A_6 : i32
    "tpu.region"() ({
      %run_scoped3A = tpu.sem_alloc : memref<!tpu.dma_semaphore, #tpu.memory_space<semaphore_mem>>
      %dma_start3A_52 = arith.constant 0 : i32
      %dma_start3A_53 = tpu.memref_slice %arg12[%mul3A_6, %dma_start3A_52] : memref<10112x128xf32, #tpu.memory_space<vmem_shared>> -> memref<632x128xf32, #tpu.memory_space<vmem_shared>>
      %dma_start3A_54 = arith.constant 0 : i32
      %dma_start3A_55 = tpu.memref_slice %arg2[%add3A_9, %dma_start3A_54] : memref<20224x128xf32, #tpu.memory_space<hbm>> -> memref<632x128xf32, #tpu.memory_space<hbm>>
      tpu.enqueue_dma source(%dma_start3A_55 : memref<632x128xf32, #tpu.memory_space<hbm>>) target(%dma_start3A_53 : memref<632x128xf32, #tpu.memory_space<vmem_shared>>) target_semaphore(%run_scoped3A : memref<!tpu.dma_semaphore, #tpu.memory_space<semaphore_mem>>)
      %dma_wait3A_56 = arith.constant 0 : i32
      %dma_wait3A_57 = tpu.memref_slice %arg12[%mul3A_6, %dma_wait3A_56] : memref<10112x128xf32, #tpu.memory_space<vmem_shared>> -> memref<632x128xf32, #tpu.memory_space<vmem_shared>>
      %dma_wait3A_58 = arith.constant 0 : i32
      %dma_wait3A_59 = tpu.memref_slice %arg2[%add3A_9, %dma_wait3A_58] : memref<20224x128xf32, #tpu.memory_space<hbm>> -> memref<632x128xf32, #tpu.memory_space<hbm>>
      tpu.wait_dma2 semaphore(%run_scoped3A : memref<!tpu.dma_semaphore, #tpu.memory_space<semaphore_mem>>) src(%dma_wait3A_59 : memref<632x128xf32, #tpu.memory_space<hbm>>) dst(%dma_wait3A_57 : memref<632x128xf32, #tpu.memory_space<vmem_shared>>)
      tpu.yield
    }) : () -> ()
    %dma_start3A = arith.constant 0 : i32
    %dma_start3A_10 = tpu.memref_slice %arg3[%mul3A_2, %dma_start3A] : memref<5120x128xi32, #tpu.memory_space<hbm>> -> memref<8x128xi32, #tpu.memory_space<hbm>>
    %dma_start3A_11 = arith.constant 0 : i32
    %dma_start3A_12 = tpu.memref_slice %arg3[%mul3A_2, %dma_start3A_11] : memref<5120x128xi32, #tpu.memory_space<hbm>> -> memref<8x128xi32, #tpu.memory_space<hbm>>
    tpu.enqueue_dma source(%dma_start3A_12 : memref<8x128xi32, #tpu.memory_space<hbm>>) target(%arg6 : memref<8x128xi32, #tpu.memory_space<vmem>>) target_semaphore(%arg13 : memref<!tpu.dma_semaphore, #tpu.memory_space<semaphore_mem>>)
    %dma_start3A_13 = arith.constant 0 : i32
    %dma_start3A_14 = tpu.memref_slice %arg4[%mul3A_4, %dma_start3A_13] : memref<2560x128xi32, #tpu.memory_space<hbm>> -> memref<8x128xi32, #tpu.memory_space<hbm>>
    %dma_start3A_15 = arith.constant 0 : i32
    %dma_start3A_16 = tpu.memref_slice %arg4[%mul3A_4, %dma_start3A_15] : memref<2560x128xi32, #tpu.memory_space<hbm>> -> memref<8x128xi32, #tpu.memory_space<hbm>>
    tpu.enqueue_dma source(%dma_start3A_16 : memref<8x128xi32, #tpu.memory_space<hbm>>) target(%arg7 : memref<8x128xi32, #tpu.memory_space<vmem>>) target_semaphore(%arg13 : memref<!tpu.dma_semaphore, #tpu.memory_space<semaphore_mem>>)
    %add3A_17 = arith.constant 8 : i32
    %add3A_18 = arith.addi %mul3A_2, %add3A_17 : i32
    %dma_start3A_19 = arith.constant 0 : i32
    %dma_start3A_20 = tpu.memref_slice %arg3[%add3A_18, %dma_start3A_19] : memref<5120x128xi32, #tpu.memory_space<hbm>> -> memref<8x128xi32, #tpu.memory_space<hbm>>
    %dma_start3A_21 = arith.constant 0 : i32
    %dma_start3A_22 = tpu.memref_slice %arg3[%add3A_18, %dma_start3A_21] : memref<5120x128xi32, #tpu.memory_space<hbm>> -> memref<8x128xi32, #tpu.memory_space<hbm>>
    tpu.enqueue_dma source(%dma_start3A_22 : memref<8x128xi32, #tpu.memory_space<hbm>>) target(%arg8 : memref<8x128xi32, #tpu.memory_space<vmem>>) target_semaphore(%arg14 : memref<!tpu.dma_semaphore, #tpu.memory_space<semaphore_mem>>)
    %add3A_23 = arith.constant 8 : i32
    %add3A_24 = arith.addi %mul3A_4, %add3A_23 : i32
    %dma_start3A_25 = arith.constant 0 : i32
    %dma_start3A_26 = tpu.memref_slice %arg4[%add3A_24, %dma_start3A_25] : memref<2560x128xi32, #tpu.memory_space<hbm>> -> memref<8x128xi32, #tpu.memory_space<hbm>>
    %dma_start3A_27 = arith.constant 0 : i32
    %dma_start3A_28 = tpu.memref_slice %arg4[%add3A_24, %dma_start3A_27] : memref<2560x128xi32, #tpu.memory_space<hbm>> -> memref<8x128xi32, #tpu.memory_space<hbm>>
    tpu.enqueue_dma source(%dma_start3A_28 : memref<8x128xi32, #tpu.memory_space<hbm>>) target(%arg9 : memref<8x128xi32, #tpu.memory_space<vmem>>) target_semaphore(%arg14 : memref<!tpu.dma_semaphore, #tpu.memory_space<semaphore_mem>>)
    %barrier3A = arith.constant 0 : index
    tpu.barrier barrier_id(%barrier3A)
    %dma_wait3A = arith.constant 0 : i32
    %dma_wait3A_29 = tpu.memref_slice %arg3[%mul3A_2, %dma_wait3A] : memref<5120x128xi32, #tpu.memory_space<hbm>> -> memref<8x128xi32, #tpu.memory_space<hbm>>
    %dma_wait3A_30 = arith.constant 0 : i32
    %dma_wait3A_31 = tpu.memref_slice %arg3[%mul3A_2, %dma_wait3A_30] : memref<5120x128xi32, #tpu.memory_space<hbm>> -> memref<8x128xi32, #tpu.memory_space<hbm>>
    tpu.wait_dma2 semaphore(%arg13 : memref<!tpu.dma_semaphore, #tpu.memory_space<semaphore_mem>>) src(%dma_wait3A_31 : memref<8x128xi32, #tpu.memory_space<hbm>>) dst(%arg6 : memref<8x128xi32, #tpu.memory_space<vmem>>)
    %dma_wait3A_32 = arith.constant 0 : i32
    %dma_wait3A_33 = tpu.memref_slice %arg4[%mul3A_4, %dma_wait3A_32] : memref<2560x128xi32, #tpu.memory_space<hbm>> -> memref<8x128xi32, #tpu.memory_space<hbm>>
    %dma_wait3A_34 = arith.constant 0 : i32
    %dma_wait3A_35 = tpu.memref_slice %arg4[%mul3A_4, %dma_wait3A_34] : memref<2560x128xi32, #tpu.memory_space<hbm>> -> memref<8x128xi32, #tpu.memory_space<hbm>>
    tpu.wait_dma2 semaphore(%arg13 : memref<!tpu.dma_semaphore, #tpu.memory_space<semaphore_mem>>) src(%dma_wait3A_35 : memref<8x128xi32, #tpu.memory_space<hbm>>) dst(%arg7 : memref<8x128xi32, #tpu.memory_space<vmem>>)
    %dma_start3A_36 = arith.constant 0 : i32
    %dma_start3A_37 = arith.constant 0 : i32
    %dma_start3A_38 = tpu.memref_slice %arg6[%dma_start3A_36, %dma_start3A_37] : memref<8x128xi32, #tpu.memory_space<vmem>> -> memref<1x128xi32, #tpu.memory_space<vmem>>
    %dma_start3A_39 = tpu.memref_squeeze %dma_start3A_38 : memref<1x128xi32, #tpu.memory_space<vmem>> -> memref<128xi32, #tpu.memory_space<vmem>>
    %dma_start3A_40 = arith.constant 0 : i32
    %dma_start3A_41 = arith.constant 0 : i32
    %dma_start3A_42 = tpu.memref_slice %arg2[%dma_start3A_40, %dma_start3A_41] : memref<20224x128xf32, #tpu.memory_space<hbm>> -> memref<20224x128xf32, #tpu.memory_space<hbm>>
    tpu.enqueue_indirect_dma source(%dma_start3A_42 : memref<20224x128xf32, #tpu.memory_space<hbm>>) target(%arg10 : memref<128x128xf32, #tpu.memory_space<vmem>>) offsets(%dma_start3A_39 : memref<128xi32, #tpu.memory_space<vmem>>) semaphore(%arg15 : memref<!tpu.dma_semaphore, #tpu.memory_space<semaphore_mem>>)
    %scan3A = arith.constant 0 : i32
    %scan3A_43 = arith.constant 0 : i32
    %scan3A_44 = arith.constant 10 : i32
    %scan3A_45 = arith.addi %scan3A_43, %scan3A_44 : i32
    %scan3A_46 = arith.constant 1 : i32
    scf.for %scan3A_52 = %scan3A_43 to %scan3A_45 step %scan3A_46  : i32 {
      %dma_start3A_53 = arith.constant 1 : i32
      %dma_start3A_54 = arith.constant 0 : i32
      %dma_start3A_55 = tpu.memref_slice %arg6[%dma_start3A_53, %dma_start3A_54] : memref<8x128xi32, #tpu.memory_space<vmem>> -> memref<1x128xi32, #tpu.memory_space<vmem>>
      %dma_start3A_56 = tpu.memref_squeeze %dma_start3A_55 : memref<1x128xi32, #tpu.memory_space<vmem>> -> memref<128xi32, #tpu.memory_space<vmem>>
      %dma_start3A_57 = arith.constant 0 : i32
      %dma_start3A_58 = arith.constant 0 : i32
      %dma_start3A_59 = tpu.memref_slice %arg2[%dma_start3A_57, %dma_start3A_58] : memref<20224x128xf32, #tpu.memory_space<hbm>> -> memref<20224x128xf32, #tpu.memory_space<hbm>>
      tpu.enqueue_indirect_dma source(%dma_start3A_59 : memref<20224x128xf32, #tpu.memory_space<hbm>>) target(%arg11 : memref<128x128xf32, #tpu.memory_space<vmem>>) offsets(%dma_start3A_56 : memref<128xi32, #tpu.memory_space<vmem>>) semaphore(%arg16 : memref<!tpu.dma_semaphore, #tpu.memory_space<semaphore_mem>>)
      %dma_wait3A_60 = arith.constant 0 : i32
      %dma_wait3A_61 = arith.constant 0 : i32
      %dma_wait3A_62 = tpu.memref_slice %arg6[%dma_wait3A_60, %dma_wait3A_61] : memref<8x128xi32, #tpu.memory_space<vmem>> -> memref<1x128xi32, #tpu.memory_space<vmem>>
      %dma_wait3A_63 = tpu.memref_squeeze %dma_wait3A_62 : memref<1x128xi32, #tpu.memory_space<vmem>> -> memref<128xi32, #tpu.memory_space<vmem>>
      %dma_wait3A_64 = arith.constant 0 : i32
      %dma_wait3A_65 = arith.constant 0 : i32
      %dma_wait3A_66 = tpu.memref_slice %arg2[%dma_wait3A_64, %dma_wait3A_65] : memref<20224x128xf32, #tpu.memory_space<hbm>> -> memref<20224x128xf32, #tpu.memory_space<hbm>>
      tpu.wait_indirect_dma semaphore(%arg15 : memref<!tpu.dma_semaphore, #tpu.memory_space<semaphore_mem>>) src(%dma_wait3A_66 : memref<20224x128xf32, #tpu.memory_space<hbm>>) dst(%arg10 : memref<128x128xf32, #tpu.memory_space<vmem>>)
      %run_scoped3A = arith.constant 0 : i32
      "tpu.region"() ({
        %run_scoped3A_305 = tpu.sem_alloc : memref<!tpu.dma_semaphore, #tpu.memory_space<semaphore_mem>>
        %dma_start3A_306 = arith.constant 0 : i32
        %dma_start3A_307 = tpu.memref_slice %arg7[%run_scoped3A, %dma_start3A_306] : memref<8x128xi32, #tpu.memory_space<vmem>> -> memref<1x128xi32, #tpu.memory_space<vmem>>
        %dma_start3A_308 = tpu.memref_squeeze %dma_start3A_307 : memref<1x128xi32, #tpu.memory_space<vmem>> -> memref<128xi32, #tpu.memory_space<vmem>>
        %dma_start3A_309 = arith.constant 0 : i32
        %dma_start3A_310 = arith.constant 0 : i32
        %dma_start3A_311 = tpu.memref_slice %arg12[%dma_start3A_309, %dma_start3A_310] : memref<10112x128xf32, #tpu.memory_space<vmem_shared>> -> memref<10112x128xf32, #tpu.memory_space<vmem_shared>>
        tpu.enqueue_indirect_dma source(%arg10 : memref<128x128xf32, #tpu.memory_space<vmem>>) target(%dma_start3A_311 : memref<10112x128xf32, #tpu.memory_space<vmem_shared>>) offsets(%dma_start3A_308 : memref<128xi32, #tpu.memory_space<vmem>>) semaphore(%run_scoped3A_305 : memref<!tpu.dma_semaphore, #tpu.memory_space<semaphore_mem>>) {add = true}
        %dma_wait3A_312 = arith.constant 0 : i32
        %dma_wait3A_313 = tpu.memref_slice %arg7[%run_scoped3A, %dma_wait3A_312] : memref<8x128xi32, #tpu.memory_space<vmem>> -> memref<1x128xi32, #tpu.memory_space<vmem>>
        %dma_wait3A_314 = tpu.memref_squeeze %dma_wait3A_313 : memref<1x128xi32, #tpu.memory_space<vmem>> -> memref<128xi32, #tpu.memory_space<vmem>>
        %dma_wait3A_315 = arith.constant 0 : i32
        %dma_wait3A_316 = arith.constant 0 : i32
        %dma_wait3A_317 = tpu.memref_slice %arg12[%dma_wait3A_315, %dma_wait3A_316] : memref<10112x128xf32, #tpu.memory_space<vmem_shared>> -> memref<10112x128xf32, #tpu.memory_space<vmem_shared>>
        tpu.wait_indirect_dma semaphore(%run_scoped3A_305 : memref<!tpu.dma_semaphore, #tpu.memory_space<semaphore_mem>>) src(%arg10 : memref<128x128xf32, #tpu.memory_space<vmem>>) dst(%dma_wait3A_317 : memref<10112x128xf32, #tpu.memory_space<vmem_shared>>)
        tpu.yield
      }) : () -> ()
      %dma_start3A_67 = arith.constant 2 : i32
      %dma_start3A_68 = arith.constant 0 : i32
      %dma_start3A_69 = tpu.memref_slice %arg6[%dma_start3A_67, %dma_start3A_68] : memref<8x128xi32, #tpu.memory_space<vmem>> -> memref<1x128xi32, #tpu.memory_space<vmem>>
      %dma_start3A_70 = tpu.memref_squeeze %dma_start3A_69 : memref<1x128xi32, #tpu.memory_space<vmem>> -> memref<128xi32, #tpu.memory_space<vmem>>
      %dma_start3A_71 = arith.constant 0 : i32
      %dma_start3A_72 = arith.constant 0 : i32
      %dma_start3A_73 = tpu.memref_slice %arg2[%dma_start3A_71, %dma_start3A_72] : memref<20224x128xf32, #tpu.memory_space<hbm>> -> memref<20224x128xf32, #tpu.memory_space<hbm>>
      tpu.enqueue_indirect_dma source(%dma_start3A_73 : memref<20224x128xf32, #tpu.memory_space<hbm>>) target(%arg10 : memref<128x128xf32, #tpu.memory_space<vmem>>) offsets(%dma_start3A_70 : memref<128xi32, #tpu.memory_space<vmem>>) semaphore(%arg15 : memref<!tpu.dma_semaphore, #tpu.memory_space<semaphore_mem>>)
      %dma_wait3A_74 = arith.constant 0 : i32
      %dma_wait3A_75 = arith.constant 0 : i32
      %dma_wait3A_76 = tpu.memref_slice %arg6[%dma_wait3A_74, %dma_wait3A_75] : memref<8x128xi32, #tpu.memory_space<vmem>> -> memref<1x128xi32, #tpu.memory_space<vmem>>
      %dma_wait3A_77 = tpu.memref_squeeze %dma_wait3A_76 : memref<1x128xi32, #tpu.memory_space<vmem>> -> memref<128xi32, #tpu.memory_space<vmem>>
      %dma_wait3A_78 = arith.constant 0 : i32
      %dma_wait3A_79 = arith.constant 0 : i32
      %dma_wait3A_80 = tpu.memref_slice %arg2[%dma_wait3A_78, %dma_wait3A_79] : memref<20224x128xf32, #tpu.memory_space<hbm>> -> memref<20224x128xf32, #tpu.memory_space<hbm>>
      tpu.wait_indirect_dma semaphore(%arg16 : memref<!tpu.dma_semaphore, #tpu.memory_space<semaphore_mem>>) src(%dma_wait3A_80 : memref<20224x128xf32, #tpu.memory_space<hbm>>) dst(%arg11 : memref<128x128xf32, #tpu.memory_space<vmem>>)
      %run_scoped3A_81 = arith.constant 1 : i32
      "tpu.region"() ({
        %run_scoped3A_305 = tpu.sem_alloc : memref<!tpu.dma_semaphore, #tpu.memory_space<semaphore_mem>>
        %dma_start3A_306 = arith.constant 0 : i32
        %dma_start3A_307 = tpu.memref_slice %arg7[%run_scoped3A_81, %dma_start3A_306] : memref<8x128xi32, #tpu.memory_space<vmem>> -> memref<1x128xi32, #tpu.memory_space<vmem>>
        %dma_start3A_308 = tpu.memref_squeeze %dma_start3A_307 : memref<1x128xi32, #tpu.memory_space<vmem>> -> memref<128xi32, #tpu.memory_space<vmem>>
        %dma_start3A_309 = arith.constant 0 : i32
        %dma_start3A_310 = arith.constant 0 : i32
        %dma_start3A_311 = tpu.memref_slice %arg12[%dma_start3A_309, %dma_start3A_310] : memref<10112x128xf32, #tpu.memory_space<vmem_shared>> -> memref<10112x128xf32, #tpu.memory_space<vmem_shared>>
        tpu.enqueue_indirect_dma source(%arg11 : memref<128x128xf32, #tpu.memory_space<vmem>>) target(%dma_start3A_311 : memref<10112x128xf32, #tpu.memory_space<vmem_shared>>) offsets(%dma_start3A_308 : memref<128xi32, #tpu.memory_space<vmem>>) semaphore(%run_scoped3A_305 : memref<!tpu.dma_semaphore, #tpu.memory_space<semaphore_mem>>) {add = true}
        %dma_wait3A_312 = arith.constant 0 : i32
        %dma_wait3A_313 = tpu.memref_slice %arg7[%run_scoped3A_81, %dma_wait3A_312] : memref<8x128xi32, #tpu.memory_space<vmem>> -> memref<1x128xi32, #tpu.memory_space<vmem>>
        %dma_wait3A_314 = tpu.memref_squeeze %dma_wait3A_313 : memref<1x128xi32, #tpu.memory_space<vmem>> -> memref<128xi32, #tpu.memory_space<vmem>>
        %dma_wait3A_315 = arith.constant 0 : i32
        %dma_wait3A_316 = arith.constant 0 : i32
        %dma_wait3A_317 = tpu.memref_slice %arg12[%dma_wait3A_315, %dma_wait3A_316] : memref<10112x128xf32, #tpu.memory_space<vmem_shared>> -> memref<10112x128xf32, #tpu.memory_space<vmem_shared>>
        tpu.wait_indirect_dma semaphore(%run_scoped3A_305 : memref<!tpu.dma_semaphore, #tpu.memory_space<semaphore_mem>>) src(%arg11 : memref<128x128xf32, #tpu.memory_space<vmem>>) dst(%dma_wait3A_317 : memref<10112x128xf32, #tpu.memory_space<vmem_shared>>)
        tpu.yield
      }) : () -> ()
      %dma_start3A_82 = arith.constant 3 : i32
      %dma_start3A_83 = arith.constant 0 : i32
      %dma_start3A_84 = tpu.memref_slice %arg6[%dma_start3A_82, %dma_start3A_83] : memref<8x128xi32, #tpu.memory_space<vmem>> -> memref<1x128xi32, #tpu.memory_space<vmem>>
      %dma_start3A_85 = tpu.memref_squeeze %dma_start3A_84 : memref<1x128xi32, #tpu.memory_space<vmem>> -> memref<128xi32, #tpu.memory_space<vmem>>
      %dma_start3A_86 = arith.constant 0 : i32
      %dma_start3A_87 = arith.constant 0 : i32
      %dma_start3A_88 = tpu.memref_slice %arg2[%dma_start3A_86, %dma_start3A_87] : memref<20224x128xf32, #tpu.memory_space<hbm>> -> memref<20224x128xf32, #tpu.memory_space<hbm>>
      tpu.enqueue_indirect_dma source(%dma_start3A_88 : memref<20224x128xf32, #tpu.memory_space<hbm>>) target(%arg11 : memref<128x128xf32, #tpu.memory_space<vmem>>) offsets(%dma_start3A_85 : memref<128xi32, #tpu.memory_space<vmem>>) semaphore(%arg16 : memref<!tpu.dma_semaphore, #tpu.memory_space<semaphore_mem>>)
      %dma_wait3A_89 = arith.constant 0 : i32
      %dma_wait3A_90 = arith.constant 0 : i32
      %dma_wait3A_91 = tpu.memref_slice %arg6[%dma_wait3A_89, %dma_wait3A_90] : memref<8x128xi32, #tpu.memory_space<vmem>> -> memref<1x128xi32, #tpu.memory_space<vmem>>
      %dma_wait3A_92 = tpu.memref_squeeze %dma_wait3A_91 : memref<1x128xi32, #tpu.memory_space<vmem>> -> memref<128xi32, #tpu.memory_space<vmem>>
      %dma_wait3A_93 = arith.constant 0 : i32
      %dma_wait3A_94 = arith.constant 0 : i32
      %dma_wait3A_95 = tpu.memref_slice %arg2[%dma_wait3A_93, %dma_wait3A_94] : memref<20224x128xf32, #tpu.memory_space<hbm>> -> memref<20224x128xf32, #tpu.memory_space<hbm>>
      tpu.wait_indirect_dma semaphore(%arg15 : memref<!tpu.dma_semaphore, #tpu.memory_space<semaphore_mem>>) src(%dma_wait3A_95 : memref<20224x128xf32, #tpu.memory_space<hbm>>) dst(%arg10 : memref<128x128xf32, #tpu.memory_space<vmem>>)
      %run_scoped3A_96 = arith.constant 2 : i32
      "tpu.region"() ({
        %run_scoped3A_305 = tpu.sem_alloc : memref<!tpu.dma_semaphore, #tpu.memory_space<semaphore_mem>>
        %dma_start3A_306 = arith.constant 0 : i32
        %dma_start3A_307 = tpu.memref_slice %arg7[%run_scoped3A_96, %dma_start3A_306] : memref<8x128xi32, #tpu.memory_space<vmem>> -> memref<1x128xi32, #tpu.memory_space<vmem>>
        %dma_start3A_308 = tpu.memref_squeeze %dma_start3A_307 : memref<1x128xi32, #tpu.memory_space<vmem>> -> memref<128xi32, #tpu.memory_space<vmem>>
        %dma_start3A_309 = arith.constant 0 : i32
        %dma_start3A_310 = arith.constant 0 : i32
        %dma_start3A_311 = tpu.memref_slice %arg12[%dma_start3A_309, %dma_start3A_310] : memref<10112x128xf32, #tpu.memory_space<vmem_shared>> -> memref<10112x128xf32, #tpu.memory_space<vmem_shared>>
        tpu.enqueue_indirect_dma source(%arg10 : memref<128x128xf32, #tpu.memory_space<vmem>>) target(%dma_start3A_311 : memref<10112x128xf32, #tpu.memory_space<vmem_shared>>) offsets(%dma_start3A_308 : memref<128xi32, #tpu.memory_space<vmem>>) semaphore(%run_scoped3A_305 : memref<!tpu.dma_semaphore, #tpu.memory_space<semaphore_mem>>) {add = true}
        %dma_wait3A_312 = arith.constant 0 : i32
        %dma_wait3A_313 = tpu.memref_slice %arg7[%run_scoped3A_96, %dma_wait3A_312] : memref<8x128xi32, #tpu.memory_space<vmem>> -> memref<1x128xi32, #tpu.memory_space<vmem>>
        %dma_wait3A_314 = tpu.memref_squeeze %dma_wait3A_313 : memref<1x128xi32, #tpu.memory_space<vmem>> -> memref<128xi32, #tpu.memory_space<vmem>>
        %dma_wait3A_315 = arith.constant 0 : i32
        %dma_wait3A_316 = arith.constant 0 : i32
        %dma_wait3A_317 = tpu.memref_slice %arg12[%dma_wait3A_315, %dma_wait3A_316] : memref<10112x128xf32, #tpu.memory_space<vmem_shared>> -> memref<10112x128xf32, #tpu.memory_space<vmem_shared>>
        tpu.wait_indirect_dma semaphore(%run_scoped3A_305 : memref<!tpu.dma_semaphore, #tpu.memory_space<semaphore_mem>>) src(%arg10 : memref<128x128xf32, #tpu.memory_space<vmem>>) dst(%dma_wait3A_317 : memref<10112x128xf32, #tpu.memory_space<vmem_shared>>)
        tpu.yield
      }) : () -> ()
      %dma_start3A_97 = arith.constant 4 : i32
      %dma_start3A_98 = arith.constant 0 : i32
      %dma_start3A_99 = tpu.memref_slice %arg6[%dma_start3A_97, %dma_start3A_98] : memref<8x128xi32, #tpu.memory_space<vmem>> -> memref<1x128xi32, #tpu.memory_space<vmem>>
      %dma_start3A_100 = tpu.memref_squeeze %dma_start3A_99 : memref<1x128xi32, #tpu.memory_space<vmem>> -> memref<128xi32, #tpu.memory_space<vmem>>
      %dma_start3A_101 = arith.constant 0 : i32
      %dma_start3A_102 = arith.constant 0 : i32
      %dma_start3A_103 = tpu.memref_slice %arg2[%dma_start3A_101, %dma_start3A_102] : memref<20224x128xf32, #tpu.memory_space<hbm>> -> memref<20224x128xf32, #tpu.memory_space<hbm>>
      tpu.enqueue_indirect_dma source(%dma_start3A_103 : memref<20224x128xf32, #tpu.memory_space<hbm>>) target(%arg10 : memref<128x128xf32, #tpu.memory_space<vmem>>) offsets(%dma_start3A_100 : memref<128xi32, #tpu.memory_space<vmem>>) semaphore(%arg15 : memref<!tpu.dma_semaphore, #tpu.memory_space<semaphore_mem>>)
      %dma_wait3A_104 = arith.constant 0 : i32
      %dma_wait3A_105 = arith.constant 0 : i32
      %dma_wait3A_106 = tpu.memref_slice %arg6[%dma_wait3A_104, %dma_wait3A_105] : memref<8x128xi32, #tpu.memory_space<vmem>> -> memref<1x128xi32, #tpu.memory_space<vmem>>
      %dma_wait3A_107 = tpu.memref_squeeze %dma_wait3A_106 : memref<1x128xi32, #tpu.memory_space<vmem>> -> memref<128xi32, #tpu.memory_space<vmem>>
      %dma_wait3A_108 = arith.constant 0 : i32
      %dma_wait3A_109 = arith.constant 0 : i32
      %dma_wait3A_110 = tpu.memref_slice %arg2[%dma_wait3A_108, %dma_wait3A_109] : memref<20224x128xf32, #tpu.memory_space<hbm>> -> memref<20224x128xf32, #tpu.memory_space<hbm>>
      tpu.wait_indirect_dma semaphore(%arg16 : memref<!tpu.dma_semaphore, #tpu.memory_space<semaphore_mem>>) src(%dma_wait3A_110 : memref<20224x128xf32, #tpu.memory_space<hbm>>) dst(%arg11 : memref<128x128xf32, #tpu.memory_space<vmem>>)
      %run_scoped3A_111 = arith.constant 3 : i32
      "tpu.region"() ({
        %run_scoped3A_305 = tpu.sem_alloc : memref<!tpu.dma_semaphore, #tpu.memory_space<semaphore_mem>>
        %dma_start3A_306 = arith.constant 0 : i32
        %dma_start3A_307 = tpu.memref_slice %arg7[%run_scoped3A_111, %dma_start3A_306] : memref<8x128xi32, #tpu.memory_space<vmem>> -> memref<1x128xi32, #tpu.memory_space<vmem>>
        %dma_start3A_308 = tpu.memref_squeeze %dma_start3A_307 : memref<1x128xi32, #tpu.memory_space<vmem>> -> memref<128xi32, #tpu.memory_space<vmem>>
        %dma_start3A_309 = arith.constant 0 : i32
        %dma_start3A_310 = arith.constant 0 : i32
        %dma_start3A_311 = tpu.memref_slice %arg12[%dma_start3A_309, %dma_start3A_310] : memref<10112x128xf32, #tpu.memory_space<vmem_shared>> -> memref<10112x128xf32, #tpu.memory_space<vmem_shared>>
        tpu.enqueue_indirect_dma source(%arg11 : memref<128x128xf32, #tpu.memory_space<vmem>>) target(%dma_start3A_311 : memref<10112x128xf32, #tpu.memory_space<vmem_shared>>) offsets(%dma_start3A_308 : memref<128xi32, #tpu.memory_space<vmem>>) semaphore(%run_scoped3A_305 : memref<!tpu.dma_semaphore, #tpu.memory_space<semaphore_mem>>) {add = true}
        %dma_wait3A_312 = arith.constant 0 : i32
        %dma_wait3A_313 = tpu.memref_slice %arg7[%run_scoped3A_111, %dma_wait3A_312] : memref<8x128xi32, #tpu.memory_space<vmem>> -> memref<1x128xi32, #tpu.memory_space<vmem>>
        %dma_wait3A_314 = tpu.memref_squeeze %dma_wait3A_313 : memref<1x128xi32, #tpu.memory_space<vmem>> -> memref<128xi32, #tpu.memory_space<vmem>>
        %dma_wait3A_315 = arith.constant 0 : i32
        %dma_wait3A_316 = arith.constant 0 : i32
        %dma_wait3A_317 = tpu.memref_slice %arg12[%dma_wait3A_315, %dma_wait3A_316] : memref<10112x128xf32, #tpu.memory_space<vmem_shared>> -> memref<10112x128xf32, #tpu.memory_space<vmem_shared>>
        tpu.wait_indirect_dma semaphore(%run_scoped3A_305 : memref<!tpu.dma_semaphore, #tpu.memory_space<semaphore_mem>>) src(%arg11 : memref<128x128xf32, #tpu.memory_space<vmem>>) dst(%dma_wait3A_317 : memref<10112x128xf32, #tpu.memory_space<vmem_shared>>)
        tpu.yield
      }) : () -> ()
      %dma_start3A_112 = arith.constant 5 : i32
      %dma_start3A_113 = arith.constant 0 : i32
      %dma_start3A_114 = tpu.memref_slice %arg6[%dma_start3A_112, %dma_start3A_113] : memref<8x128xi32, #tpu.memory_space<vmem>> -> memref<1x128xi32, #tpu.memory_space<vmem>>
      %dma_start3A_115 = tpu.memref_squeeze %dma_start3A_114 : memref<1x128xi32, #tpu.memory_space<vmem>> -> memref<128xi32, #tpu.memory_space<vmem>>
      %dma_start3A_116 = arith.constant 0 : i32
      %dma_start3A_117 = arith.constant 0 : i32
      %dma_start3A_118 = tpu.memref_slice %arg2[%dma_start3A_116, %dma_start3A_117] : memref<20224x128xf32, #tpu.memory_space<hbm>> -> memref<20224x128xf32, #tpu.memory_space<hbm>>
      tpu.enqueue_indirect_dma source(%dma_start3A_118 : memref<20224x128xf32, #tpu.memory_space<hbm>>) target(%arg11 : memref<128x128xf32, #tpu.memory_space<vmem>>) offsets(%dma_start3A_115 : memref<128xi32, #tpu.memory_space<vmem>>) semaphore(%arg16 : memref<!tpu.dma_semaphore, #tpu.memory_space<semaphore_mem>>)
      %dma_wait3A_119 = arith.constant 0 : i32
      %dma_wait3A_120 = arith.constant 0 : i32
      %dma_wait3A_121 = tpu.memref_slice %arg6[%dma_wait3A_119, %dma_wait3A_120] : memref<8x128xi32, #tpu.memory_space<vmem>> -> memref<1x128xi32, #tpu.memory_space<vmem>>
      %dma_wait3A_122 = tpu.memref_squeeze %dma_wait3A_121 : memref<1x128xi32, #tpu.memory_space<vmem>> -> memref<128xi32, #tpu.memory_space<vmem>>
      %dma_wait3A_123 = arith.constant 0 : i32
      %dma_wait3A_124 = arith.constant 0 : i32
      %dma_wait3A_125 = tpu.memref_slice %arg2[%dma_wait3A_123, %dma_wait3A_124] : memref<20224x128xf32, #tpu.memory_space<hbm>> -> memref<20224x128xf32, #tpu.memory_space<hbm>>
      tpu.wait_indirect_dma semaphore(%arg15 : memref<!tpu.dma_semaphore, #tpu.memory_space<semaphore_mem>>) src(%dma_wait3A_125 : memref<20224x128xf32, #tpu.memory_space<hbm>>) dst(%arg10 : memref<128x128xf32, #tpu.memory_space<vmem>>)
      %run_scoped3A_126 = arith.constant 4 : i32
      "tpu.region"() ({
        %run_scoped3A_305 = tpu.sem_alloc : memref<!tpu.dma_semaphore, #tpu.memory_space<semaphore_mem>>
        %dma_start3A_306 = arith.constant 0 : i32
        %dma_start3A_307 = tpu.memref_slice %arg7[%run_scoped3A_126, %dma_start3A_306] : memref<8x128xi32, #tpu.memory_space<vmem>> -> memref<1x128xi32, #tpu.memory_space<vmem>>
        %dma_start3A_308 = tpu.memref_squeeze %dma_start3A_307 : memref<1x128xi32, #tpu.memory_space<vmem>> -> memref<128xi32, #tpu.memory_space<vmem>>
        %dma_start3A_309 = arith.constant 0 : i32
        %dma_start3A_310 = arith.constant 0 : i32
        %dma_start3A_311 = tpu.memref_slice %arg12[%dma_start3A_309, %dma_start3A_310] : memref<10112x128xf32, #tpu.memory_space<vmem_shared>> -> memref<10112x128xf32, #tpu.memory_space<vmem_shared>>
        tpu.enqueue_indirect_dma source(%arg10 : memref<128x128xf32, #tpu.memory_space<vmem>>) target(%dma_start3A_311 : memref<10112x128xf32, #tpu.memory_space<vmem_shared>>) offsets(%dma_start3A_308 : memref<128xi32, #tpu.memory_space<vmem>>) semaphore(%run_scoped3A_305 : memref<!tpu.dma_semaphore, #tpu.memory_space<semaphore_mem>>) {add = true}
        %dma_wait3A_312 = arith.constant 0 : i32
        %dma_wait3A_313 = tpu.memref_slice %arg7[%run_scoped3A_126, %dma_wait3A_312] : memref<8x128xi32, #tpu.memory_space<vmem>> -> memref<1x128xi32, #tpu.memory_space<vmem>>
        %dma_wait3A_314 = tpu.memref_squeeze %dma_wait3A_313 : memref<1x128xi32, #tpu.memory_space<vmem>> -> memref<128xi32, #tpu.memory_space<vmem>>
        %dma_wait3A_315 = arith.constant 0 : i32
        %dma_wait3A_316 = arith.constant 0 : i32
        %dma_wait3A_317 = tpu.memref_slice %arg12[%dma_wait3A_315, %dma_wait3A_316] : memref<10112x128xf32, #tpu.memory_space<vmem_shared>> -> memref<10112x128xf32, #tpu.memory_space<vmem_shared>>
        tpu.wait_indirect_dma semaphore(%run_scoped3A_305 : memref<!tpu.dma_semaphore, #tpu.memory_space<semaphore_mem>>) src(%arg10 : memref<128x128xf32, #tpu.memory_space<vmem>>) dst(%dma_wait3A_317 : memref<10112x128xf32, #tpu.memory_space<vmem_shared>>)
        tpu.yield
      }) : () -> ()
      %dma_start3A_127 = arith.constant 6 : i32
      %dma_start3A_128 = arith.constant 0 : i32
      %dma_start3A_129 = tpu.memref_slice %arg6[%dma_start3A_127, %dma_start3A_128] : memref<8x128xi32, #tpu.memory_space<vmem>> -> memref<1x128xi32, #tpu.memory_space<vmem>>
      %dma_start3A_130 = tpu.memref_squeeze %dma_start3A_129 : memref<1x128xi32, #tpu.memory_space<vmem>> -> memref<128xi32, #tpu.memory_space<vmem>>
      %dma_start3A_131 = arith.constant 0 : i32
      %dma_start3A_132 = arith.constant 0 : i32
      %dma_start3A_133 = tpu.memref_slice %arg2[%dma_start3A_131, %dma_start3A_132] : memref<20224x128xf32, #tpu.memory_space<hbm>> -> memref<20224x128xf32, #tpu.memory_space<hbm>>
      tpu.enqueue_indirect_dma source(%dma_start3A_133 : memref<20224x128xf32, #tpu.memory_space<hbm>>) target(%arg10 : memref<128x128xf32, #tpu.memory_space<vmem>>) offsets(%dma_start3A_130 : memref<128xi32, #tpu.memory_space<vmem>>) semaphore(%arg15 : memref<!tpu.dma_semaphore, #tpu.memory_space<semaphore_mem>>)
      %dma_wait3A_134 = arith.constant 0 : i32
      %dma_wait3A_135 = arith.constant 0 : i32
      %dma_wait3A_136 = tpu.memref_slice %arg6[%dma_wait3A_134, %dma_wait3A_135] : memref<8x128xi32, #tpu.memory_space<vmem>> -> memref<1x128xi32, #tpu.memory_space<vmem>>
      %dma_wait3A_137 = tpu.memref_squeeze %dma_wait3A_136 : memref<1x128xi32, #tpu.memory_space<vmem>> -> memref<128xi32, #tpu.memory_space<vmem>>
      %dma_wait3A_138 = arith.constant 0 : i32
      %dma_wait3A_139 = arith.constant 0 : i32
      %dma_wait3A_140 = tpu.memref_slice %arg2[%dma_wait3A_138, %dma_wait3A_139] : memref<20224x128xf32, #tpu.memory_space<hbm>> -> memref<20224x128xf32, #tpu.memory_space<hbm>>
      tpu.wait_indirect_dma semaphore(%arg16 : memref<!tpu.dma_semaphore, #tpu.memory_space<semaphore_mem>>) src(%dma_wait3A_140 : memref<20224x128xf32, #tpu.memory_space<hbm>>) dst(%arg11 : memref<128x128xf32, #tpu.memory_space<vmem>>)
      %run_scoped3A_141 = arith.constant 5 : i32
      "tpu.region"() ({
        %run_scoped3A_305 = tpu.sem_alloc : memref<!tpu.dma_semaphore, #tpu.memory_space<semaphore_mem>>
        %dma_start3A_306 = arith.constant 0 : i32
        %dma_start3A_307 = tpu.memref_slice %arg7[%run_scoped3A_141, %dma_start3A_306] : memref<8x128xi32, #tpu.memory_space<vmem>> -> memref<1x128xi32, #tpu.memory_space<vmem>>
        %dma_start3A_308 = tpu.memref_squeeze %dma_start3A_307 : memref<1x128xi32, #tpu.memory_space<vmem>> -> memref<128xi32, #tpu.memory_space<vmem>>
        %dma_start3A_309 = arith.constant 0 : i32
        %dma_start3A_310 = arith.constant 0 : i32
        %dma_start3A_311 = tpu.memref_slice %arg12[%dma_start3A_309, %dma_start3A_310] : memref<10112x128xf32, #tpu.memory_space<vmem_shared>> -> memref<10112x128xf32, #tpu.memory_space<vmem_shared>>
        tpu.enqueue_indirect_dma source(%arg11 : memref<128x128xf32, #tpu.memory_space<vmem>>) target(%dma_start3A_311 : memref<10112x128xf32, #tpu.memory_space<vmem_shared>>) offsets(%dma_start3A_308 : memref<128xi32, #tpu.memory_space<vmem>>) semaphore(%run_scoped3A_305 : memref<!tpu.dma_semaphore, #tpu.memory_space<semaphore_mem>>) {add = true}
        %dma_wait3A_312 = arith.constant 0 : i32
        %dma_wait3A_313 = tpu.memref_slice %arg7[%run_scoped3A_141, %dma_wait3A_312] : memref<8x128xi32, #tpu.memory_space<vmem>> -> memref<1x128xi32, #tpu.memory_space<vmem>>
        %dma_wait3A_314 = tpu.memref_squeeze %dma_wait3A_313 : memref<1x128xi32, #tpu.memory_space<vmem>> -> memref<128xi32, #tpu.memory_space<vmem>>
        %dma_wait3A_315 = arith.constant 0 : i32
        %dma_wait3A_316 = arith.constant 0 : i32
        %dma_wait3A_317 = tpu.memref_slice %arg12[%dma_wait3A_315, %dma_wait3A_316] : memref<10112x128xf32, #tpu.memory_space<vmem_shared>> -> memref<10112x128xf32, #tpu.memory_space<vmem_shared>>
        tpu.wait_indirect_dma semaphore(%run_scoped3A_305 : memref<!tpu.dma_semaphore, #tpu.memory_space<semaphore_mem>>) src(%arg11 : memref<128x128xf32, #tpu.memory_space<vmem>>) dst(%dma_wait3A_317 : memref<10112x128xf32, #tpu.memory_space<vmem_shared>>)
        tpu.yield
      }) : () -> ()
      %dma_start3A_142 = arith.constant 7 : i32
      %dma_start3A_143 = arith.constant 0 : i32
      %dma_start3A_144 = tpu.memref_slice %arg6[%dma_start3A_142, %dma_start3A_143] : memref<8x128xi32, #tpu.memory_space<vmem>> -> memref<1x128xi32, #tpu.memory_space<vmem>>
      %dma_start3A_145 = tpu.memref_squeeze %dma_start3A_144 : memref<1x128xi32, #tpu.memory_space<vmem>> -> memref<128xi32, #tpu.memory_space<vmem>>
      %dma_start3A_146 = arith.constant 0 : i32
      %dma_start3A_147 = arith.constant 0 : i32
      %dma_start3A_148 = tpu.memref_slice %arg2[%dma_start3A_146, %dma_start3A_147] : memref<20224x128xf32, #tpu.memory_space<hbm>> -> memref<20224x128xf32, #tpu.memory_space<hbm>>
      tpu.enqueue_indirect_dma source(%dma_start3A_148 : memref<20224x128xf32, #tpu.memory_space<hbm>>) target(%arg11 : memref<128x128xf32, #tpu.memory_space<vmem>>) offsets(%dma_start3A_145 : memref<128xi32, #tpu.memory_space<vmem>>) semaphore(%arg16 : memref<!tpu.dma_semaphore, #tpu.memory_space<semaphore_mem>>)
      %dma_wait3A_149 = arith.constant 0 : i32
      %dma_wait3A_150 = arith.constant 0 : i32
      %dma_wait3A_151 = tpu.memref_slice %arg6[%dma_wait3A_149, %dma_wait3A_150] : memref<8x128xi32, #tpu.memory_space<vmem>> -> memref<1x128xi32, #tpu.memory_space<vmem>>
      %dma_wait3A_152 = tpu.memref_squeeze %dma_wait3A_151 : memref<1x128xi32, #tpu.memory_space<vmem>> -> memref<128xi32, #tpu.memory_space<vmem>>
      %dma_wait3A_153 = arith.constant 0 : i32
      %dma_wait3A_154 = arith.constant 0 : i32
      %dma_wait3A_155 = tpu.memref_slice %arg2[%dma_wait3A_153, %dma_wait3A_154] : memref<20224x128xf32, #tpu.memory_space<hbm>> -> memref<20224x128xf32, #tpu.memory_space<hbm>>
      tpu.wait_indirect_dma semaphore(%arg15 : memref<!tpu.dma_semaphore, #tpu.memory_space<semaphore_mem>>) src(%dma_wait3A_155 : memref<20224x128xf32, #tpu.memory_space<hbm>>) dst(%arg10 : memref<128x128xf32, #tpu.memory_space<vmem>>)
      %run_scoped3A_156 = arith.constant 6 : i32
      "tpu.region"() ({
        %run_scoped3A_305 = tpu.sem_alloc : memref<!tpu.dma_semaphore, #tpu.memory_space<semaphore_mem>>
        %dma_start3A_306 = arith.constant 0 : i32
        %dma_start3A_307 = tpu.memref_slice %arg7[%run_scoped3A_156, %dma_start3A_306] : memref<8x128xi32, #tpu.memory_space<vmem>> -> memref<1x128xi32, #tpu.memory_space<vmem>>
        %dma_start3A_308 = tpu.memref_squeeze %dma_start3A_307 : memref<1x128xi32, #tpu.memory_space<vmem>> -> memref<128xi32, #tpu.memory_space<vmem>>
        %dma_start3A_309 = arith.constant 0 : i32
        %dma_start3A_310 = arith.constant 0 : i32
        %dma_start3A_311 = tpu.memref_slice %arg12[%dma_start3A_309, %dma_start3A_310] : memref<10112x128xf32, #tpu.memory_space<vmem_shared>> -> memref<10112x128xf32, #tpu.memory_space<vmem_shared>>
        tpu.enqueue_indirect_dma source(%arg10 : memref<128x128xf32, #tpu.memory_space<vmem>>) target(%dma_start3A_311 : memref<10112x128xf32, #tpu.memory_space<vmem_shared>>) offsets(%dma_start3A_308 : memref<128xi32, #tpu.memory_space<vmem>>) semaphore(%run_scoped3A_305 : memref<!tpu.dma_semaphore, #tpu.memory_space<semaphore_mem>>) {add = true}
        %dma_wait3A_312 = arith.constant 0 : i32
        %dma_wait3A_313 = tpu.memref_slice %arg7[%run_scoped3A_156, %dma_wait3A_312] : memref<8x128xi32, #tpu.memory_space<vmem>> -> memref<1x128xi32, #tpu.memory_space<vmem>>
        %dma_wait3A_314 = tpu.memref_squeeze %dma_wait3A_313 : memref<1x128xi32, #tpu.memory_space<vmem>> -> memref<128xi32, #tpu.memory_space<vmem>>
        %dma_wait3A_315 = arith.constant 0 : i32
        %dma_wait3A_316 = arith.constant 0 : i32
        %dma_wait3A_317 = tpu.memref_slice %arg12[%dma_wait3A_315, %dma_wait3A_316] : memref<10112x128xf32, #tpu.memory_space<vmem_shared>> -> memref<10112x128xf32, #tpu.memory_space<vmem_shared>>
        tpu.wait_indirect_dma semaphore(%run_scoped3A_305 : memref<!tpu.dma_semaphore, #tpu.memory_space<semaphore_mem>>) src(%arg10 : memref<128x128xf32, #tpu.memory_space<vmem>>) dst(%dma_wait3A_317 : memref<10112x128xf32, #tpu.memory_space<vmem_shared>>)
        tpu.yield
      }) : () -> ()
      %dma_wait3A_157 = arith.constant 0 : i32
      %dma_wait3A_158 = tpu.memref_slice %arg3[%mul3A_2, %dma_wait3A_157] : memref<5120x128xi32, #tpu.memory_space<hbm>> -> memref<8x128xi32, #tpu.memory_space<hbm>>
      %dma_wait3A_159 = arith.constant 0 : i32
      %dma_wait3A_160 = tpu.memref_slice %arg3[%mul3A_2, %dma_wait3A_159] : memref<5120x128xi32, #tpu.memory_space<hbm>> -> memref<8x128xi32, #tpu.memory_space<hbm>>
      tpu.wait_dma2 semaphore(%arg14 : memref<!tpu.dma_semaphore, #tpu.memory_space<semaphore_mem>>) src(%dma_wait3A_160 : memref<8x128xi32, #tpu.memory_space<hbm>>) dst(%arg8 : memref<8x128xi32, #tpu.memory_space<vmem>>)
      %dma_wait3A_161 = arith.constant 0 : i32
      %dma_wait3A_162 = tpu.memref_slice %arg4[%mul3A_4, %dma_wait3A_161] : memref<2560x128xi32, #tpu.memory_space<hbm>> -> memref<8x128xi32, #tpu.memory_space<hbm>>
      %dma_wait3A_163 = arith.constant 0 : i32
      %dma_wait3A_164 = tpu.memref_slice %arg4[%mul3A_4, %dma_wait3A_163] : memref<2560x128xi32, #tpu.memory_space<hbm>> -> memref<8x128xi32, #tpu.memory_space<hbm>>
      tpu.wait_dma2 semaphore(%arg14 : memref<!tpu.dma_semaphore, #tpu.memory_space<semaphore_mem>>) src(%dma_wait3A_164 : memref<8x128xi32, #tpu.memory_space<hbm>>) dst(%arg9 : memref<8x128xi32, #tpu.memory_space<vmem>>)
      %dma_start3A_165 = arith.constant 0 : i32
      %dma_start3A_166 = arith.constant 0 : i32
      %dma_start3A_167 = tpu.memref_slice %arg8[%dma_start3A_165, %dma_start3A_166] : memref<8x128xi32, #tpu.memory_space<vmem>> -> memref<1x128xi32, #tpu.memory_space<vmem>>
      %dma_start3A_168 = tpu.memref_squeeze %dma_start3A_167 : memref<1x128xi32, #tpu.memory_space<vmem>> -> memref<128xi32, #tpu.memory_space<vmem>>
      %dma_start3A_169 = arith.constant 0 : i32
      %dma_start3A_170 = arith.constant 0 : i32
      %dma_start3A_171 = tpu.memref_slice %arg2[%dma_start3A_169, %dma_start3A_170] : memref<20224x128xf32, #tpu.memory_space<hbm>> -> memref<20224x128xf32, #tpu.memory_space<hbm>>
      tpu.enqueue_indirect_dma source(%dma_start3A_171 : memref<20224x128xf32, #tpu.memory_space<hbm>>) target(%arg10 : memref<128x128xf32, #tpu.memory_space<vmem>>) offsets(%dma_start3A_168 : memref<128xi32, #tpu.memory_space<vmem>>) semaphore(%arg15 : memref<!tpu.dma_semaphore, #tpu.memory_space<semaphore_mem>>)
      %dma_wait3A_172 = arith.constant 0 : i32
      %dma_wait3A_173 = arith.constant 0 : i32
      %dma_wait3A_174 = tpu.memref_slice %arg6[%dma_wait3A_172, %dma_wait3A_173] : memref<8x128xi32, #tpu.memory_space<vmem>> -> memref<1x128xi32, #tpu.memory_space<vmem>>
      %dma_wait3A_175 = tpu.memref_squeeze %dma_wait3A_174 : memref<1x128xi32, #tpu.memory_space<vmem>> -> memref<128xi32, #tpu.memory_space<vmem>>
      %dma_wait3A_176 = arith.constant 0 : i32
      %dma_wait3A_177 = arith.constant 0 : i32
      %dma_wait3A_178 = tpu.memref_slice %arg2[%dma_wait3A_176, %dma_wait3A_177] : memref<20224x128xf32, #tpu.memory_space<hbm>> -> memref<20224x128xf32, #tpu.memory_space<hbm>>
      tpu.wait_indirect_dma semaphore(%arg16 : memref<!tpu.dma_semaphore, #tpu.memory_space<semaphore_mem>>) src(%dma_wait3A_178 : memref<20224x128xf32, #tpu.memory_space<hbm>>) dst(%arg11 : memref<128x128xf32, #tpu.memory_space<vmem>>)
      %run_scoped3A_179 = arith.constant 7 : i32
      "tpu.region"() ({
        %run_scoped3A_305 = tpu.sem_alloc : memref<!tpu.dma_semaphore, #tpu.memory_space<semaphore_mem>>
        %dma_start3A_306 = arith.constant 0 : i32
        %dma_start3A_307 = tpu.memref_slice %arg7[%run_scoped3A_179, %dma_start3A_306] : memref<8x128xi32, #tpu.memory_space<vmem>> -> memref<1x128xi32, #tpu.memory_space<vmem>>
        %dma_start3A_308 = tpu.memref_squeeze %dma_start3A_307 : memref<1x128xi32, #tpu.memory_space<vmem>> -> memref<128xi32, #tpu.memory_space<vmem>>
        %dma_start3A_309 = arith.constant 0 : i32
        %dma_start3A_310 = arith.constant 0 : i32
        %dma_start3A_311 = tpu.memref_slice %arg12[%dma_start3A_309, %dma_start3A_310] : memref<10112x128xf32, #tpu.memory_space<vmem_shared>> -> memref<10112x128xf32, #tpu.memory_space<vmem_shared>>
        tpu.enqueue_indirect_dma source(%arg11 : memref<128x128xf32, #tpu.memory_space<vmem>>) target(%dma_start3A_311 : memref<10112x128xf32, #tpu.memory_space<vmem_shared>>) offsets(%dma_start3A_308 : memref<128xi32, #tpu.memory_space<vmem>>) semaphore(%run_scoped3A_305 : memref<!tpu.dma_semaphore, #tpu.memory_space<semaphore_mem>>) {add = true}
        %dma_wait3A_312 = arith.constant 0 : i32
        %dma_wait3A_313 = tpu.memref_slice %arg7[%run_scoped3A_179, %dma_wait3A_312] : memref<8x128xi32, #tpu.memory_space<vmem>> -> memref<1x128xi32, #tpu.memory_space<vmem>>
        %dma_wait3A_314 = tpu.memref_squeeze %dma_wait3A_313 : memref<1x128xi32, #tpu.memory_space<vmem>> -> memref<128xi32, #tpu.memory_space<vmem>>
        %dma_wait3A_315 = arith.constant 0 : i32
        %dma_wait3A_316 = arith.constant 0 : i32
        %dma_wait3A_317 = tpu.memref_slice %arg12[%dma_wait3A_315, %dma_wait3A_316] : memref<10112x128xf32, #tpu.memory_space<vmem_shared>> -> memref<10112x128xf32, #tpu.memory_space<vmem_shared>>
        tpu.wait_indirect_dma semaphore(%run_scoped3A_305 : memref<!tpu.dma_semaphore, #tpu.memory_space<semaphore_mem>>) src(%arg11 : memref<128x128xf32, #tpu.memory_space<vmem>>) dst(%dma_wait3A_317 : memref<10112x128xf32, #tpu.memory_space<vmem_shared>>)
        tpu.yield
      }) : () -> ()
      %lt3A = arith.constant 9 : i32
      %lt3A_180 = arith.cmpi slt, %scan3A_52, %lt3A : i32
      %convert_element_type3A = arith.extui %lt3A_180 : i1 to i32
      %cond3A = arith.constant 0 : i32
      %cond3A_181 = arith.cmpi ne, %convert_element_type3A, %cond3A : i32
      scf.if %cond3A_181 {
        %mul3A_305 = arith.constant 2 : i32
        %mul3A_306 = arith.muli %mul3A_305, %scan3A_52 : i32
        %add3A_307 = arith.constant 2 : i32
        %add3A_308 = arith.addi %mul3A_306, %add3A_307 : i32
        %mul3A_309 = arith.constant 8 : i32
        %mul3A_310 = arith.muli %add3A_308, %mul3A_309 : i32
        %add3A_311 = arith.addi %mul3A_2, %mul3A_310 : i32
        %dma_start3A_312 = arith.constant 0 : i32
        %dma_start3A_313 = tpu.memref_slice %arg3[%add3A_311, %dma_start3A_312] : memref<5120x128xi32, #tpu.memory_space<hbm>> -> memref<8x128xi32, #tpu.memory_space<hbm>>
        %dma_start3A_314 = arith.constant 0 : i32
        %dma_start3A_315 = tpu.memref_slice %arg3[%add3A_311, %dma_start3A_314] : memref<5120x128xi32, #tpu.memory_space<hbm>> -> memref<8x128xi32, #tpu.memory_space<hbm>>
        tpu.enqueue_dma source(%dma_start3A_315 : memref<8x128xi32, #tpu.memory_space<hbm>>) target(%arg6 : memref<8x128xi32, #tpu.memory_space<vmem>>) target_semaphore(%arg13 : memref<!tpu.dma_semaphore, #tpu.memory_space<semaphore_mem>>)
        %add3A_316 = arith.addi %mul3A_4, %mul3A_310 : i32
        %dma_start3A_317 = arith.constant 0 : i32
        %dma_start3A_318 = tpu.memref_slice %arg4[%add3A_316, %dma_start3A_317] : memref<2560x128xi32, #tpu.memory_space<hbm>> -> memref<8x128xi32, #tpu.memory_space<hbm>>
        %dma_start3A_319 = arith.constant 0 : i32
        %dma_start3A_320 = tpu.memref_slice %arg4[%add3A_316, %dma_start3A_319] : memref<2560x128xi32, #tpu.memory_space<hbm>> -> memref<8x128xi32, #tpu.memory_space<hbm>>
        tpu.enqueue_dma source(%dma_start3A_320 : memref<8x128xi32, #tpu.memory_space<hbm>>) target(%arg7 : memref<8x128xi32, #tpu.memory_space<vmem>>) target_semaphore(%arg13 : memref<!tpu.dma_semaphore, #tpu.memory_space<semaphore_mem>>)
      } else {
      }
      %dma_start3A_182 = arith.constant 1 : i32
      %dma_start3A_183 = arith.constant 0 : i32
      %dma_start3A_184 = tpu.memref_slice %arg8[%dma_start3A_182, %dma_start3A_183] : memref<8x128xi32, #tpu.memory_space<vmem>> -> memref<1x128xi32, #tpu.memory_space<vmem>>
      %dma_start3A_185 = tpu.memref_squeeze %dma_start3A_184 : memref<1x128xi32, #tpu.memory_space<vmem>> -> memref<128xi32, #tpu.memory_space<vmem>>
      %dma_start3A_186 = arith.constant 0 : i32
      %dma_start3A_187 = arith.constant 0 : i32
      %dma_start3A_188 = tpu.memref_slice %arg2[%dma_start3A_186, %dma_start3A_187] : memref<20224x128xf32, #tpu.memory_space<hbm>> -> memref<20224x128xf32, #tpu.memory_space<hbm>>
      tpu.enqueue_indirect_dma source(%dma_start3A_188 : memref<20224x128xf32, #tpu.memory_space<hbm>>) target(%arg11 : memref<128x128xf32, #tpu.memory_space<vmem>>) offsets(%dma_start3A_185 : memref<128xi32, #tpu.memory_space<vmem>>) semaphore(%arg16 : memref<!tpu.dma_semaphore, #tpu.memory_space<semaphore_mem>>)
      %dma_wait3A_189 = arith.constant 0 : i32
      %dma_wait3A_190 = arith.constant 0 : i32
      %dma_wait3A_191 = tpu.memref_slice %arg6[%dma_wait3A_189, %dma_wait3A_190] : memref<8x128xi32, #tpu.memory_space<vmem>> -> memref<1x128xi32, #tpu.memory_space<vmem>>
      %dma_wait3A_192 = tpu.memref_squeeze %dma_wait3A_191 : memref<1x128xi32, #tpu.memory_space<vmem>> -> memref<128xi32, #tpu.memory_space<vmem>>
      %dma_wait3A_193 = arith.constant 0 : i32
      %dma_wait3A_194 = arith.constant 0 : i32
      %dma_wait3A_195 = tpu.memref_slice %arg2[%dma_wait3A_193, %dma_wait3A_194] : memref<20224x128xf32, #tpu.memory_space<hbm>> -> memref<20224x128xf32, #tpu.memory_space<hbm>>
      tpu.wait_indirect_dma semaphore(%arg15 : memref<!tpu.dma_semaphore, #tpu.memory_space<semaphore_mem>>) src(%dma_wait3A_195 : memref<20224x128xf32, #tpu.memory_space<hbm>>) dst(%arg10 : memref<128x128xf32, #tpu.memory_space<vmem>>)
      %run_scoped3A_196 = arith.constant 0 : i32
      "tpu.region"() ({
        %run_scoped3A_305 = tpu.sem_alloc : memref<!tpu.dma_semaphore, #tpu.memory_space<semaphore_mem>>
        %dma_start3A_306 = arith.constant 0 : i32
        %dma_start3A_307 = tpu.memref_slice %arg9[%run_scoped3A_196, %dma_start3A_306] : memref<8x128xi32, #tpu.memory_space<vmem>> -> memref<1x128xi32, #tpu.memory_space<vmem>>
        %dma_start3A_308 = tpu.memref_squeeze %dma_start3A_307 : memref<1x128xi32, #tpu.memory_space<vmem>> -> memref<128xi32, #tpu.memory_space<vmem>>
        %dma_start3A_309 = arith.constant 0 : i32
        %dma_start3A_310 = arith.constant 0 : i32
        %dma_start3A_311 = tpu.memref_slice %arg12[%dma_start3A_309, %dma_start3A_310] : memref<10112x128xf32, #tpu.memory_space<vmem_shared>> -> memref<10112x128xf32, #tpu.memory_space<vmem_shared>>
        tpu.enqueue_indirect_dma source(%arg10 : memref<128x128xf32, #tpu.memory_space<vmem>>) target(%dma_start3A_311 : memref<10112x128xf32, #tpu.memory_space<vmem_shared>>) offsets(%dma_start3A_308 : memref<128xi32, #tpu.memory_space<vmem>>) semaphore(%run_scoped3A_305 : memref<!tpu.dma_semaphore, #tpu.memory_space<semaphore_mem>>) {add = true}
        %dma_wait3A_312 = arith.constant 0 : i32
        %dma_wait3A_313 = tpu.memref_slice %arg9[%run_scoped3A_196, %dma_wait3A_312] : memref<8x128xi32, #tpu.memory_space<vmem>> -> memref<1x128xi32, #tpu.memory_space<vmem>>
        %dma_wait3A_314 = tpu.memref_squeeze %dma_wait3A_313 : memref<1x128xi32, #tpu.memory_space<vmem>> -> memref<128xi32, #tpu.memory_space<vmem>>
        %dma_wait3A_315 = arith.constant 0 : i32
        %dma_wait3A_316 = arith.constant 0 : i32
        %dma_wait3A_317 = tpu.memref_slice %arg12[%dma_wait3A_315, %dma_wait3A_316] : memref<10112x128xf32, #tpu.memory_space<vmem_shared>> -> memref<10112x128xf32, #tpu.memory_space<vmem_shared>>
        tpu.wait_indirect_dma semaphore(%run_scoped3A_305 : memref<!tpu.dma_semaphore, #tpu.memory_space<semaphore_mem>>) src(%arg10 : memref<128x128xf32, #tpu.memory_space<vmem>>) dst(%dma_wait3A_317 : memref<10112x128xf32, #tpu.memory_space<vmem_shared>>)
        tpu.yield
      }) : () -> ()
      %dma_start3A_197 = arith.constant 2 : i32
      %dma_start3A_198 = arith.constant 0 : i32
      %dma_start3A_199 = tpu.memref_slice %arg8[%dma_start3A_197, %dma_start3A_198] : memref<8x128xi32, #tpu.memory_space<vmem>> -> memref<1x128xi32, #tpu.memory_space<vmem>>
      %dma_start3A_200 = tpu.memref_squeeze %dma_start3A_199 : memref<1x128xi32, #tpu.memory_space<vmem>> -> memref<128xi32, #tpu.memory_space<vmem>>
      %dma_start3A_201 = arith.constant 0 : i32
      %dma_start3A_202 = arith.constant 0 : i32
      %dma_start3A_203 = tpu.memref_slice %arg2[%dma_start3A_201, %dma_start3A_202] : memref<20224x128xf32, #tpu.memory_space<hbm>> -> memref<20224x128xf32, #tpu.memory_space<hbm>>
      tpu.enqueue_indirect_dma source(%dma_start3A_203 : memref<20224x128xf32, #tpu.memory_space<hbm>>) target(%arg10 : memref<128x128xf32, #tpu.memory_space<vmem>>) offsets(%dma_start3A_200 : memref<128xi32, #tpu.memory_space<vmem>>) semaphore(%arg15 : memref<!tpu.dma_semaphore, #tpu.memory_space<semaphore_mem>>)
      %dma_wait3A_204 = arith.constant 0 : i32
      %dma_wait3A_205 = arith.constant 0 : i32
      %dma_wait3A_206 = tpu.memref_slice %arg6[%dma_wait3A_204, %dma_wait3A_205] : memref<8x128xi32, #tpu.memory_space<vmem>> -> memref<1x128xi32, #tpu.memory_space<vmem>>
      %dma_wait3A_207 = tpu.memref_squeeze %dma_wait3A_206 : memref<1x128xi32, #tpu.memory_space<vmem>> -> memref<128xi32, #tpu.memory_space<vmem>>
      %dma_wait3A_208 = arith.constant 0 : i32
      %dma_wait3A_209 = arith.constant 0 : i32
      %dma_wait3A_210 = tpu.memref_slice %arg2[%dma_wait3A_208, %dma_wait3A_209] : memref<20224x128xf32, #tpu.memory_space<hbm>> -> memref<20224x128xf32, #tpu.memory_space<hbm>>
      tpu.wait_indirect_dma semaphore(%arg16 : memref<!tpu.dma_semaphore, #tpu.memory_space<semaphore_mem>>) src(%dma_wait3A_210 : memref<20224x128xf32, #tpu.memory_space<hbm>>) dst(%arg11 : memref<128x128xf32, #tpu.memory_space<vmem>>)
      %run_scoped3A_211 = arith.constant 1 : i32
      "tpu.region"() ({
        %run_scoped3A_305 = tpu.sem_alloc : memref<!tpu.dma_semaphore, #tpu.memory_space<semaphore_mem>>
        %dma_start3A_306 = arith.constant 0 : i32
        %dma_start3A_307 = tpu.memref_slice %arg9[%run_scoped3A_211, %dma_start3A_306] : memref<8x128xi32, #tpu.memory_space<vmem>> -> memref<1x128xi32, #tpu.memory_space<vmem>>
        %dma_start3A_308 = tpu.memref_squeeze %dma_start3A_307 : memref<1x128xi32, #tpu.memory_space<vmem>> -> memref<128xi32, #tpu.memory_space<vmem>>
        %dma_start3A_309 = arith.constant 0 : i32
        %dma_start3A_310 = arith.constant 0 : i32
        %dma_start3A_311 = tpu.memref_slice %arg12[%dma_start3A_309, %dma_start3A_310] : memref<10112x128xf32, #tpu.memory_space<vmem_shared>> -> memref<10112x128xf32, #tpu.memory_space<vmem_shared>>
        tpu.enqueue_indirect_dma source(%arg11 : memref<128x128xf32, #tpu.memory_space<vmem>>) target(%dma_start3A_311 : memref<10112x128xf32, #tpu.memory_space<vmem_shared>>) offsets(%dma_start3A_308 : memref<128xi32, #tpu.memory_space<vmem>>) semaphore(%run_scoped3A_305 : memref<!tpu.dma_semaphore, #tpu.memory_space<semaphore_mem>>) {add = true}
        %dma_wait3A_312 = arith.constant 0 : i32
        %dma_wait3A_313 = tpu.memref_slice %arg9[%run_scoped3A_211, %dma_wait3A_312] : memref<8x128xi32, #tpu.memory_space<vmem>> -> memref<1x128xi32, #tpu.memory_space<vmem>>
        %dma_wait3A_314 = tpu.memref_squeeze %dma_wait3A_313 : memref<1x128xi32, #tpu.memory_space<vmem>> -> memref<128xi32, #tpu.memory_space<vmem>>
        %dma_wait3A_315 = arith.constant 0 : i32
        %dma_wait3A_316 = arith.constant 0 : i32
        %dma_wait3A_317 = tpu.memref_slice %arg12[%dma_wait3A_315, %dma_wait3A_316] : memref<10112x128xf32, #tpu.memory_space<vmem_shared>> -> memref<10112x128xf32, #tpu.memory_space<vmem_shared>>
        tpu.wait_indirect_dma semaphore(%run_scoped3A_305 : memref<!tpu.dma_semaphore, #tpu.memory_space<semaphore_mem>>) src(%arg11 : memref<128x128xf32, #tpu.memory_space<vmem>>) dst(%dma_wait3A_317 : memref<10112x128xf32, #tpu.memory_space<vmem_shared>>)
        tpu.yield
      }) : () -> ()
      %dma_start3A_212 = arith.constant 3 : i32
      %dma_start3A_213 = arith.constant 0 : i32
      %dma_start3A_214 = tpu.memref_slice %arg8[%dma_start3A_212, %dma_start3A_213] : memref<8x128xi32, #tpu.memory_space<vmem>> -> memref<1x128xi32, #tpu.memory_space<vmem>>
      %dma_start3A_215 = tpu.memref_squeeze %dma_start3A_214 : memref<1x128xi32, #tpu.memory_space<vmem>> -> memref<128xi32, #tpu.memory_space<vmem>>
      %dma_start3A_216 = arith.constant 0 : i32
      %dma_start3A_217 = arith.constant 0 : i32
      %dma_start3A_218 = tpu.memref_slice %arg2[%dma_start3A_216, %dma_start3A_217] : memref<20224x128xf32, #tpu.memory_space<hbm>> -> memref<20224x128xf32, #tpu.memory_space<hbm>>
      tpu.enqueue_indirect_dma source(%dma_start3A_218 : memref<20224x128xf32, #tpu.memory_space<hbm>>) target(%arg11 : memref<128x128xf32, #tpu.memory_space<vmem>>) offsets(%dma_start3A_215 : memref<128xi32, #tpu.memory_space<vmem>>) semaphore(%arg16 : memref<!tpu.dma_semaphore, #tpu.memory_space<semaphore_mem>>)
      %dma_wait3A_219 = arith.constant 0 : i32
      %dma_wait3A_220 = arith.constant 0 : i32
      %dma_wait3A_221 = tpu.memref_slice %arg6[%dma_wait3A_219, %dma_wait3A_220] : memref<8x128xi32, #tpu.memory_space<vmem>> -> memref<1x128xi32, #tpu.memory_space<vmem>>
      %dma_wait3A_222 = tpu.memref_squeeze %dma_wait3A_221 : memref<1x128xi32, #tpu.memory_space<vmem>> -> memref<128xi32, #tpu.memory_space<vmem>>
      %dma_wait3A_223 = arith.constant 0 : i32
      %dma_wait3A_224 = arith.constant 0 : i32
      %dma_wait3A_225 = tpu.memref_slice %arg2[%dma_wait3A_223, %dma_wait3A_224] : memref<20224x128xf32, #tpu.memory_space<hbm>> -> memref<20224x128xf32, #tpu.memory_space<hbm>>
      tpu.wait_indirect_dma semaphore(%arg15 : memref<!tpu.dma_semaphore, #tpu.memory_space<semaphore_mem>>) src(%dma_wait3A_225 : memref<20224x128xf32, #tpu.memory_space<hbm>>) dst(%arg10 : memref<128x128xf32, #tpu.memory_space<vmem>>)
      %run_scoped3A_226 = arith.constant 2 : i32
      "tpu.region"() ({
        %run_scoped3A_305 = tpu.sem_alloc : memref<!tpu.dma_semaphore, #tpu.memory_space<semaphore_mem>>
        %dma_start3A_306 = arith.constant 0 : i32
        %dma_start3A_307 = tpu.memref_slice %arg9[%run_scoped3A_226, %dma_start3A_306] : memref<8x128xi32, #tpu.memory_space<vmem>> -> memref<1x128xi32, #tpu.memory_space<vmem>>
        %dma_start3A_308 = tpu.memref_squeeze %dma_start3A_307 : memref<1x128xi32, #tpu.memory_space<vmem>> -> memref<128xi32, #tpu.memory_space<vmem>>
        %dma_start3A_309 = arith.constant 0 : i32
        %dma_start3A_310 = arith.constant 0 : i32
        %dma_start3A_311 = tpu.memref_slice %arg12[%dma_start3A_309, %dma_start3A_310] : memref<10112x128xf32, #tpu.memory_space<vmem_shared>> -> memref<10112x128xf32, #tpu.memory_space<vmem_shared>>
        tpu.enqueue_indirect_dma source(%arg10 : memref<128x128xf32, #tpu.memory_space<vmem>>) target(%dma_start3A_311 : memref<10112x128xf32, #tpu.memory_space<vmem_shared>>) offsets(%dma_start3A_308 : memref<128xi32, #tpu.memory_space<vmem>>) semaphore(%run_scoped3A_305 : memref<!tpu.dma_semaphore, #tpu.memory_space<semaphore_mem>>) {add = true}
        %dma_wait3A_312 = arith.constant 0 : i32
        %dma_wait3A_313 = tpu.memref_slice %arg9[%run_scoped3A_226, %dma_wait3A_312] : memref<8x128xi32, #tpu.memory_space<vmem>> -> memref<1x128xi32, #tpu.memory_space<vmem>>
        %dma_wait3A_314 = tpu.memref_squeeze %dma_wait3A_313 : memref<1x128xi32, #tpu.memory_space<vmem>> -> memref<128xi32, #tpu.memory_space<vmem>>
        %dma_wait3A_315 = arith.constant 0 : i32
        %dma_wait3A_316 = arith.constant 0 : i32
        %dma_wait3A_317 = tpu.memref_slice %arg12[%dma_wait3A_315, %dma_wait3A_316] : memref<10112x128xf32, #tpu.memory_space<vmem_shared>> -> memref<10112x128xf32, #tpu.memory_space<vmem_shared>>
        tpu.wait_indirect_dma semaphore(%run_scoped3A_305 : memref<!tpu.dma_semaphore, #tpu.memory_space<semaphore_mem>>) src(%arg10 : memref<128x128xf32, #tpu.memory_space<vmem>>) dst(%dma_wait3A_317 : memref<10112x128xf32, #tpu.memory_space<vmem_shared>>)
        tpu.yield
      }) : () -> ()
      %dma_start3A_227 = arith.constant 4 : i32
      %dma_start3A_228 = arith.constant 0 : i32
      %dma_start3A_229 = tpu.memref_slice %arg8[%dma_start3A_227, %dma_start3A_228] : memref<8x128xi32, #tpu.memory_space<vmem>> -> memref<1x128xi32, #tpu.memory_space<vmem>>
      %dma_start3A_230 = tpu.memref_squeeze %dma_start3A_229 : memref<1x128xi32, #tpu.memory_space<vmem>> -> memref<128xi32, #tpu.memory_space<vmem>>
      %dma_start3A_231 = arith.constant 0 : i32
      %dma_start3A_232 = arith.constant 0 : i32
      %dma_start3A_233 = tpu.memref_slice %arg2[%dma_start3A_231, %dma_start3A_232] : memref<20224x128xf32, #tpu.memory_space<hbm>> -> memref<20224x128xf32, #tpu.memory_space<hbm>>
      tpu.enqueue_indirect_dma source(%dma_start3A_233 : memref<20224x128xf32, #tpu.memory_space<hbm>>) target(%arg10 : memref<128x128xf32, #tpu.memory_space<vmem>>) offsets(%dma_start3A_230 : memref<128xi32, #tpu.memory_space<vmem>>) semaphore(%arg15 : memref<!tpu.dma_semaphore, #tpu.memory_space<semaphore_mem>>)
      %dma_wait3A_234 = arith.constant 0 : i32
      %dma_wait3A_235 = arith.constant 0 : i32
      %dma_wait3A_236 = tpu.memref_slice %arg6[%dma_wait3A_234, %dma_wait3A_235] : memref<8x128xi32, #tpu.memory_space<vmem>> -> memref<1x128xi32, #tpu.memory_space<vmem>>
      %dma_wait3A_237 = tpu.memref_squeeze %dma_wait3A_236 : memref<1x128xi32, #tpu.memory_space<vmem>> -> memref<128xi32, #tpu.memory_space<vmem>>
      %dma_wait3A_238 = arith.constant 0 : i32
      %dma_wait3A_239 = arith.constant 0 : i32
      %dma_wait3A_240 = tpu.memref_slice %arg2[%dma_wait3A_238, %dma_wait3A_239] : memref<20224x128xf32, #tpu.memory_space<hbm>> -> memref<20224x128xf32, #tpu.memory_space<hbm>>
      tpu.wait_indirect_dma semaphore(%arg16 : memref<!tpu.dma_semaphore, #tpu.memory_space<semaphore_mem>>) src(%dma_wait3A_240 : memref<20224x128xf32, #tpu.memory_space<hbm>>) dst(%arg11 : memref<128x128xf32, #tpu.memory_space<vmem>>)
      %run_scoped3A_241 = arith.constant 3 : i32
      "tpu.region"() ({
        %run_scoped3A_305 = tpu.sem_alloc : memref<!tpu.dma_semaphore, #tpu.memory_space<semaphore_mem>>
        %dma_start3A_306 = arith.constant 0 : i32
        %dma_start3A_307 = tpu.memref_slice %arg9[%run_scoped3A_241, %dma_start3A_306] : memref<8x128xi32, #tpu.memory_space<vmem>> -> memref<1x128xi32, #tpu.memory_space<vmem>>
        %dma_start3A_308 = tpu.memref_squeeze %dma_start3A_307 : memref<1x128xi32, #tpu.memory_space<vmem>> -> memref<128xi32, #tpu.memory_space<vmem>>
        %dma_start3A_309 = arith.constant 0 : i32
        %dma_start3A_310 = arith.constant 0 : i32
        %dma_start3A_311 = tpu.memref_slice %arg12[%dma_start3A_309, %dma_start3A_310] : memref<10112x128xf32, #tpu.memory_space<vmem_shared>> -> memref<10112x128xf32, #tpu.memory_space<vmem_shared>>
        tpu.enqueue_indirect_dma source(%arg11 : memref<128x128xf32, #tpu.memory_space<vmem>>) target(%dma_start3A_311 : memref<10112x128xf32, #tpu.memory_space<vmem_shared>>) offsets(%dma_start3A_308 : memref<128xi32, #tpu.memory_space<vmem>>) semaphore(%run_scoped3A_305 : memref<!tpu.dma_semaphore, #tpu.memory_space<semaphore_mem>>) {add = true}
        %dma_wait3A_312 = arith.constant 0 : i32
        %dma_wait3A_313 = tpu.memref_slice %arg9[%run_scoped3A_241, %dma_wait3A_312] : memref<8x128xi32, #tpu.memory_space<vmem>> -> memref<1x128xi32, #tpu.memory_space<vmem>>
        %dma_wait3A_314 = tpu.memref_squeeze %dma_wait3A_313 : memref<1x128xi32, #tpu.memory_space<vmem>> -> memref<128xi32, #tpu.memory_space<vmem>>
        %dma_wait3A_315 = arith.constant 0 : i32
        %dma_wait3A_316 = arith.constant 0 : i32
        %dma_wait3A_317 = tpu.memref_slice %arg12[%dma_wait3A_315, %dma_wait3A_316] : memref<10112x128xf32, #tpu.memory_space<vmem_shared>> -> memref<10112x128xf32, #tpu.memory_space<vmem_shared>>
        tpu.wait_indirect_dma semaphore(%run_scoped3A_305 : memref<!tpu.dma_semaphore, #tpu.memory_space<semaphore_mem>>) src(%arg11 : memref<128x128xf32, #tpu.memory_space<vmem>>) dst(%dma_wait3A_317 : memref<10112x128xf32, #tpu.memory_space<vmem_shared>>)
        tpu.yield
      }) : () -> ()
      %dma_start3A_242 = arith.constant 5 : i32
      %dma_start3A_243 = arith.constant 0 : i32
      %dma_start3A_244 = tpu.memref_slice %arg8[%dma_start3A_242, %dma_start3A_243] : memref<8x128xi32, #tpu.memory_space<vmem>> -> memref<1x128xi32, #tpu.memory_space<vmem>>
      %dma_start3A_245 = tpu.memref_squeeze %dma_start3A_244 : memref<1x128xi32, #tpu.memory_space<vmem>> -> memref<128xi32, #tpu.memory_space<vmem>>
      %dma_start3A_246 = arith.constant 0 : i32
      %dma_start3A_247 = arith.constant 0 : i32
      %dma_start3A_248 = tpu.memref_slice %arg2[%dma_start3A_246, %dma_start3A_247] : memref<20224x128xf32, #tpu.memory_space<hbm>> -> memref<20224x128xf32, #tpu.memory_space<hbm>>
      tpu.enqueue_indirect_dma source(%dma_start3A_248 : memref<20224x128xf32, #tpu.memory_space<hbm>>) target(%arg11 : memref<128x128xf32, #tpu.memory_space<vmem>>) offsets(%dma_start3A_245 : memref<128xi32, #tpu.memory_space<vmem>>) semaphore(%arg16 : memref<!tpu.dma_semaphore, #tpu.memory_space<semaphore_mem>>)
      %dma_wait3A_249 = arith.constant 0 : i32
      %dma_wait3A_250 = arith.constant 0 : i32
      %dma_wait3A_251 = tpu.memref_slice %arg6[%dma_wait3A_249, %dma_wait3A_250] : memref<8x128xi32, #tpu.memory_space<vmem>> -> memref<1x128xi32, #tpu.memory_space<vmem>>
      %dma_wait3A_252 = tpu.memref_squeeze %dma_wait3A_251 : memref<1x128xi32, #tpu.memory_space<vmem>> -> memref<128xi32, #tpu.memory_space<vmem>>
      %dma_wait3A_253 = arith.constant 0 : i32
      %dma_wait3A_254 = arith.constant 0 : i32
      %dma_wait3A_255 = tpu.memref_slice %arg2[%dma_wait3A_253, %dma_wait3A_254] : memref<20224x128xf32, #tpu.memory_space<hbm>> -> memref<20224x128xf32, #tpu.memory_space<hbm>>
      tpu.wait_indirect_dma semaphore(%arg15 : memref<!tpu.dma_semaphore, #tpu.memory_space<semaphore_mem>>) src(%dma_wait3A_255 : memref<20224x128xf32, #tpu.memory_space<hbm>>) dst(%arg10 : memref<128x128xf32, #tpu.memory_space<vmem>>)
      %run_scoped3A_256 = arith.constant 4 : i32
      "tpu.region"() ({
        %run_scoped3A_305 = tpu.sem_alloc : memref<!tpu.dma_semaphore, #tpu.memory_space<semaphore_mem>>
        %dma_start3A_306 = arith.constant 0 : i32
        %dma_start3A_307 = tpu.memref_slice %arg9[%run_scoped3A_256, %dma_start3A_306] : memref<8x128xi32, #tpu.memory_space<vmem>> -> memref<1x128xi32, #tpu.memory_space<vmem>>
        %dma_start3A_308 = tpu.memref_squeeze %dma_start3A_307 : memref<1x128xi32, #tpu.memory_space<vmem>> -> memref<128xi32, #tpu.memory_space<vmem>>
        %dma_start3A_309 = arith.constant 0 : i32
        %dma_start3A_310 = arith.constant 0 : i32
        %dma_start3A_311 = tpu.memref_slice %arg12[%dma_start3A_309, %dma_start3A_310] : memref<10112x128xf32, #tpu.memory_space<vmem_shared>> -> memref<10112x128xf32, #tpu.memory_space<vmem_shared>>
        tpu.enqueue_indirect_dma source(%arg10 : memref<128x128xf32, #tpu.memory_space<vmem>>) target(%dma_start3A_311 : memref<10112x128xf32, #tpu.memory_space<vmem_shared>>) offsets(%dma_start3A_308 : memref<128xi32, #tpu.memory_space<vmem>>) semaphore(%run_scoped3A_305 : memref<!tpu.dma_semaphore, #tpu.memory_space<semaphore_mem>>) {add = true}
        %dma_wait3A_312 = arith.constant 0 : i32
        %dma_wait3A_313 = tpu.memref_slice %arg9[%run_scoped3A_256, %dma_wait3A_312] : memref<8x128xi32, #tpu.memory_space<vmem>> -> memref<1x128xi32, #tpu.memory_space<vmem>>
        %dma_wait3A_314 = tpu.memref_squeeze %dma_wait3A_313 : memref<1x128xi32, #tpu.memory_space<vmem>> -> memref<128xi32, #tpu.memory_space<vmem>>
        %dma_wait3A_315 = arith.constant 0 : i32
        %dma_wait3A_316 = arith.constant 0 : i32
        %dma_wait3A_317 = tpu.memref_slice %arg12[%dma_wait3A_315, %dma_wait3A_316] : memref<10112x128xf32, #tpu.memory_space<vmem_shared>> -> memref<10112x128xf32, #tpu.memory_space<vmem_shared>>
        tpu.wait_indirect_dma semaphore(%run_scoped3A_305 : memref<!tpu.dma_semaphore, #tpu.memory_space<semaphore_mem>>) src(%arg10 : memref<128x128xf32, #tpu.memory_space<vmem>>) dst(%dma_wait3A_317 : memref<10112x128xf32, #tpu.memory_space<vmem_shared>>)
        tpu.yield
      }) : () -> ()
      %dma_start3A_257 = arith.constant 6 : i32
      %dma_start3A_258 = arith.constant 0 : i32
      %dma_start3A_259 = tpu.memref_slice %arg8[%dma_start3A_257, %dma_start3A_258] : memref<8x128xi32, #tpu.memory_space<vmem>> -> memref<1x128xi32, #tpu.memory_space<vmem>>
      %dma_start3A_260 = tpu.memref_squeeze %dma_start3A_259 : memref<1x128xi32, #tpu.memory_space<vmem>> -> memref<128xi32, #tpu.memory_space<vmem>>
      %dma_start3A_261 = arith.constant 0 : i32
      %dma_start3A_262 = arith.constant 0 : i32
      %dma_start3A_263 = tpu.memref_slice %arg2[%dma_start3A_261, %dma_start3A_262] : memref<20224x128xf32, #tpu.memory_space<hbm>> -> memref<20224x128xf32, #tpu.memory_space<hbm>>
      tpu.enqueue_indirect_dma source(%dma_start3A_263 : memref<20224x128xf32, #tpu.memory_space<hbm>>) target(%arg10 : memref<128x128xf32, #tpu.memory_space<vmem>>) offsets(%dma_start3A_260 : memref<128xi32, #tpu.memory_space<vmem>>) semaphore(%arg15 : memref<!tpu.dma_semaphore, #tpu.memory_space<semaphore_mem>>)
      %dma_wait3A_264 = arith.constant 0 : i32
      %dma_wait3A_265 = arith.constant 0 : i32
      %dma_wait3A_266 = tpu.memref_slice %arg6[%dma_wait3A_264, %dma_wait3A_265] : memref<8x128xi32, #tpu.memory_space<vmem>> -> memref<1x128xi32, #tpu.memory_space<vmem>>
      %dma_wait3A_267 = tpu.memref_squeeze %dma_wait3A_266 : memref<1x128xi32, #tpu.memory_space<vmem>> -> memref<128xi32, #tpu.memory_space<vmem>>
      %dma_wait3A_268 = arith.constant 0 : i32
      %dma_wait3A_269 = arith.constant 0 : i32
      %dma_wait3A_270 = tpu.memref_slice %arg2[%dma_wait3A_268, %dma_wait3A_269] : memref<20224x128xf32, #tpu.memory_space<hbm>> -> memref<20224x128xf32, #tpu.memory_space<hbm>>
      tpu.wait_indirect_dma semaphore(%arg16 : memref<!tpu.dma_semaphore, #tpu.memory_space<semaphore_mem>>) src(%dma_wait3A_270 : memref<20224x128xf32, #tpu.memory_space<hbm>>) dst(%arg11 : memref<128x128xf32, #tpu.memory_space<vmem>>)
      %run_scoped3A_271 = arith.constant 5 : i32
      "tpu.region"() ({
        %run_scoped3A_305 = tpu.sem_alloc : memref<!tpu.dma_semaphore, #tpu.memory_space<semaphore_mem>>
        %dma_start3A_306 = arith.constant 0 : i32
        %dma_start3A_307 = tpu.memref_slice %arg9[%run_scoped3A_271, %dma_start3A_306] : memref<8x128xi32, #tpu.memory_space<vmem>> -> memref<1x128xi32, #tpu.memory_space<vmem>>
        %dma_start3A_308 = tpu.memref_squeeze %dma_start3A_307 : memref<1x128xi32, #tpu.memory_space<vmem>> -> memref<128xi32, #tpu.memory_space<vmem>>
        %dma_start3A_309 = arith.constant 0 : i32
        %dma_start3A_310 = arith.constant 0 : i32
        %dma_start3A_311 = tpu.memref_slice %arg12[%dma_start3A_309, %dma_start3A_310] : memref<10112x128xf32, #tpu.memory_space<vmem_shared>> -> memref<10112x128xf32, #tpu.memory_space<vmem_shared>>
        tpu.enqueue_indirect_dma source(%arg11 : memref<128x128xf32, #tpu.memory_space<vmem>>) target(%dma_start3A_311 : memref<10112x128xf32, #tpu.memory_space<vmem_shared>>) offsets(%dma_start3A_308 : memref<128xi32, #tpu.memory_space<vmem>>) semaphore(%run_scoped3A_305 : memref<!tpu.dma_semaphore, #tpu.memory_space<semaphore_mem>>) {add = true}
        %dma_wait3A_312 = arith.constant 0 : i32
        %dma_wait3A_313 = tpu.memref_slice %arg9[%run_scoped3A_271, %dma_wait3A_312] : memref<8x128xi32, #tpu.memory_space<vmem>> -> memref<1x128xi32, #tpu.memory_space<vmem>>
        %dma_wait3A_314 = tpu.memref_squeeze %dma_wait3A_313 : memref<1x128xi32, #tpu.memory_space<vmem>> -> memref<128xi32, #tpu.memory_space<vmem>>
        %dma_wait3A_315 = arith.constant 0 : i32
        %dma_wait3A_316 = arith.constant 0 : i32
        %dma_wait3A_317 = tpu.memref_slice %arg12[%dma_wait3A_315, %dma_wait3A_316] : memref<10112x128xf32, #tpu.memory_space<vmem_shared>> -> memref<10112x128xf32, #tpu.memory_space<vmem_shared>>
        tpu.wait_indirect_dma semaphore(%run_scoped3A_305 : memref<!tpu.dma_semaphore, #tpu.memory_space<semaphore_mem>>) src(%arg11 : memref<128x128xf32, #tpu.memory_space<vmem>>) dst(%dma_wait3A_317 : memref<10112x128xf32, #tpu.memory_space<vmem_shared>>)
        tpu.yield
      }) : () -> ()
      %dma_start3A_272 = arith.constant 7 : i32
      %dma_start3A_273 = arith.constant 0 : i32
      %dma_start3A_274 = tpu.memref_slice %arg8[%dma_start3A_272, %dma_start3A_273] : memref<8x128xi32, #tpu.memory_space<vmem>> -> memref<1x128xi32, #tpu.memory_space<vmem>>
      %dma_start3A_275 = tpu.memref_squeeze %dma_start3A_274 : memref<1x128xi32, #tpu.memory_space<vmem>> -> memref<128xi32, #tpu.memory_space<vmem>>
      %dma_start3A_276 = arith.constant 0 : i32
      %dma_start3A_277 = arith.constant 0 : i32
      %dma_start3A_278 = tpu.memref_slice %arg2[%dma_start3A_276, %dma_start3A_277] : memref<20224x128xf32, #tpu.memory_space<hbm>> -> memref<20224x128xf32, #tpu.memory_space<hbm>>
      tpu.enqueue_indirect_dma source(%dma_start3A_278 : memref<20224x128xf32, #tpu.memory_space<hbm>>) target(%arg11 : memref<128x128xf32, #tpu.memory_space<vmem>>) offsets(%dma_start3A_275 : memref<128xi32, #tpu.memory_space<vmem>>) semaphore(%arg16 : memref<!tpu.dma_semaphore, #tpu.memory_space<semaphore_mem>>)
      %dma_wait3A_279 = arith.constant 0 : i32
      %dma_wait3A_280 = arith.constant 0 : i32
      %dma_wait3A_281 = tpu.memref_slice %arg6[%dma_wait3A_279, %dma_wait3A_280] : memref<8x128xi32, #tpu.memory_space<vmem>> -> memref<1x128xi32, #tpu.memory_space<vmem>>
      %dma_wait3A_282 = tpu.memref_squeeze %dma_wait3A_281 : memref<1x128xi32, #tpu.memory_space<vmem>> -> memref<128xi32, #tpu.memory_space<vmem>>
      %dma_wait3A_283 = arith.constant 0 : i32
      %dma_wait3A_284 = arith.constant 0 : i32
      %dma_wait3A_285 = tpu.memref_slice %arg2[%dma_wait3A_283, %dma_wait3A_284] : memref<20224x128xf32, #tpu.memory_space<hbm>> -> memref<20224x128xf32, #tpu.memory_space<hbm>>
      tpu.wait_indirect_dma semaphore(%arg15 : memref<!tpu.dma_semaphore, #tpu.memory_space<semaphore_mem>>) src(%dma_wait3A_285 : memref<20224x128xf32, #tpu.memory_space<hbm>>) dst(%arg10 : memref<128x128xf32, #tpu.memory_space<vmem>>)
      %run_scoped3A_286 = arith.constant 6 : i32
      "tpu.region"() ({
        %run_scoped3A_305 = tpu.sem_alloc : memref<!tpu.dma_semaphore, #tpu.memory_space<semaphore_mem>>
        %dma_start3A_306 = arith.constant 0 : i32
        %dma_start3A_307 = tpu.memref_slice %arg9[%run_scoped3A_286, %dma_start3A_306] : memref<8x128xi32, #tpu.memory_space<vmem>> -> memref<1x128xi32, #tpu.memory_space<vmem>>
        %dma_start3A_308 = tpu.memref_squeeze %dma_start3A_307 : memref<1x128xi32, #tpu.memory_space<vmem>> -> memref<128xi32, #tpu.memory_space<vmem>>
        %dma_start3A_309 = arith.constant 0 : i32
        %dma_start3A_310 = arith.constant 0 : i32
        %dma_start3A_311 = tpu.memref_slice %arg12[%dma_start3A_309, %dma_start3A_310] : memref<10112x128xf32, #tpu.memory_space<vmem_shared>> -> memref<10112x128xf32, #tpu.memory_space<vmem_shared>>
        tpu.enqueue_indirect_dma source(%arg10 : memref<128x128xf32, #tpu.memory_space<vmem>>) target(%dma_start3A_311 : memref<10112x128xf32, #tpu.memory_space<vmem_shared>>) offsets(%dma_start3A_308 : memref<128xi32, #tpu.memory_space<vmem>>) semaphore(%run_scoped3A_305 : memref<!tpu.dma_semaphore, #tpu.memory_space<semaphore_mem>>) {add = true}
        %dma_wait3A_312 = arith.constant 0 : i32
        %dma_wait3A_313 = tpu.memref_slice %arg9[%run_scoped3A_286, %dma_wait3A_312] : memref<8x128xi32, #tpu.memory_space<vmem>> -> memref<1x128xi32, #tpu.memory_space<vmem>>
        %dma_wait3A_314 = tpu.memref_squeeze %dma_wait3A_313 : memref<1x128xi32, #tpu.memory_space<vmem>> -> memref<128xi32, #tpu.memory_space<vmem>>
        %dma_wait3A_315 = arith.constant 0 : i32
        %dma_wait3A_316 = arith.constant 0 : i32
        %dma_wait3A_317 = tpu.memref_slice %arg12[%dma_wait3A_315, %dma_wait3A_316] : memref<10112x128xf32, #tpu.memory_space<vmem_shared>> -> memref<10112x128xf32, #tpu.memory_space<vmem_shared>>
        tpu.wait_indirect_dma semaphore(%run_scoped3A_305 : memref<!tpu.dma_semaphore, #tpu.memory_space<semaphore_mem>>) src(%arg10 : memref<128x128xf32, #tpu.memory_space<vmem>>) dst(%dma_wait3A_317 : memref<10112x128xf32, #tpu.memory_space<vmem_shared>>)
        tpu.yield
      }) : () -> ()
      %lt3A_287 = arith.constant 9 : i32
      %lt3A_288 = arith.cmpi slt, %scan3A_52, %lt3A_287 : i32
      %convert_element_type3A_289 = arith.extui %lt3A_288 : i1 to i32
      %cond3A_290 = arith.constant 0 : i32
      %cond3A_291 = arith.cmpi ne, %convert_element_type3A_289, %cond3A_290 : i32
      scf.if %cond3A_291 {
        %dma_wait3A_305 = arith.constant 0 : i32
        %dma_wait3A_306 = tpu.memref_slice %arg3[%mul3A_2, %dma_wait3A_305] : memref<5120x128xi32, #tpu.memory_space<hbm>> -> memref<8x128xi32, #tpu.memory_space<hbm>>
        %dma_wait3A_307 = arith.constant 0 : i32
        %dma_wait3A_308 = tpu.memref_slice %arg3[%mul3A_2, %dma_wait3A_307] : memref<5120x128xi32, #tpu.memory_space<hbm>> -> memref<8x128xi32, #tpu.memory_space<hbm>>
        tpu.wait_dma2 semaphore(%arg13 : memref<!tpu.dma_semaphore, #tpu.memory_space<semaphore_mem>>) src(%dma_wait3A_308 : memref<8x128xi32, #tpu.memory_space<hbm>>) dst(%arg6 : memref<8x128xi32, #tpu.memory_space<vmem>>)
        %dma_wait3A_309 = arith.constant 0 : i32
        %dma_wait3A_310 = tpu.memref_slice %arg4[%mul3A_4, %dma_wait3A_309] : memref<2560x128xi32, #tpu.memory_space<hbm>> -> memref<8x128xi32, #tpu.memory_space<hbm>>
        %dma_wait3A_311 = arith.constant 0 : i32
        %dma_wait3A_312 = tpu.memref_slice %arg4[%mul3A_4, %dma_wait3A_311] : memref<2560x128xi32, #tpu.memory_space<hbm>> -> memref<8x128xi32, #tpu.memory_space<hbm>>
        tpu.wait_dma2 semaphore(%arg13 : memref<!tpu.dma_semaphore, #tpu.memory_space<semaphore_mem>>) src(%dma_wait3A_312 : memref<8x128xi32, #tpu.memory_space<hbm>>) dst(%arg7 : memref<8x128xi32, #tpu.memory_space<vmem>>)
        %dma_start3A_313 = arith.constant 0 : i32
        %dma_start3A_314 = arith.constant 0 : i32
        %dma_start3A_315 = tpu.memref_slice %arg6[%dma_start3A_313, %dma_start3A_314] : memref<8x128xi32, #tpu.memory_space<vmem>> -> memref<1x128xi32, #tpu.memory_space<vmem>>
        %dma_start3A_316 = tpu.memref_squeeze %dma_start3A_315 : memref<1x128xi32, #tpu.memory_space<vmem>> -> memref<128xi32, #tpu.memory_space<vmem>>
        %dma_start3A_317 = arith.constant 0 : i32
        %dma_start3A_318 = arith.constant 0 : i32
        %dma_start3A_319 = tpu.memref_slice %arg2[%dma_start3A_317, %dma_start3A_318] : memref<20224x128xf32, #tpu.memory_space<hbm>> -> memref<20224x128xf32, #tpu.memory_space<hbm>>
        tpu.enqueue_indirect_dma source(%dma_start3A_319 : memref<20224x128xf32, #tpu.memory_space<hbm>>) target(%arg10 : memref<128x128xf32, #tpu.memory_space<vmem>>) offsets(%dma_start3A_316 : memref<128xi32, #tpu.memory_space<vmem>>) semaphore(%arg15 : memref<!tpu.dma_semaphore, #tpu.memory_space<semaphore_mem>>)
      } else {
      }
      %dma_wait3A_292 = arith.constant 0 : i32
      %dma_wait3A_293 = arith.constant 0 : i32
      %dma_wait3A_294 = tpu.memref_slice %arg6[%dma_wait3A_292, %dma_wait3A_293] : memref<8x128xi32, #tpu.memory_space<vmem>> -> memref<1x128xi32, #tpu.memory_space<vmem>>
      %dma_wait3A_295 = tpu.memref_squeeze %dma_wait3A_294 : memref<1x128xi32, #tpu.memory_space<vmem>> -> memref<128xi32, #tpu.memory_space<vmem>>
      %dma_wait3A_296 = arith.constant 0 : i32
      %dma_wait3A_297 = arith.constant 0 : i32
      %dma_wait3A_298 = tpu.memref_slice %arg2[%dma_wait3A_296, %dma_wait3A_297] : memref<20224x128xf32, #tpu.memory_space<hbm>> -> memref<20224x128xf32, #tpu.memory_space<hbm>>
      tpu.wait_indirect_dma semaphore(%arg16 : memref<!tpu.dma_semaphore, #tpu.memory_space<semaphore_mem>>) src(%dma_wait3A_298 : memref<20224x128xf32, #tpu.memory_space<hbm>>) dst(%arg11 : memref<128x128xf32, #tpu.memory_space<vmem>>)
      %run_scoped3A_299 = arith.constant 7 : i32
      "tpu.region"() ({
        %run_scoped3A_305 = tpu.sem_alloc : memref<!tpu.dma_semaphore, #tpu.memory_space<semaphore_mem>>
        %dma_start3A_306 = arith.constant 0 : i32
        %dma_start3A_307 = tpu.memref_slice %arg9[%run_scoped3A_299, %dma_start3A_306] : memref<8x128xi32, #tpu.memory_space<vmem>> -> memref<1x128xi32, #tpu.memory_space<vmem>>
        %dma_start3A_308 = tpu.memref_squeeze %dma_start3A_307 : memref<1x128xi32, #tpu.memory_space<vmem>> -> memref<128xi32, #tpu.memory_space<vmem>>
        %dma_start3A_309 = arith.constant 0 : i32
        %dma_start3A_310 = arith.constant 0 : i32
        %dma_start3A_311 = tpu.memref_slice %arg12[%dma_start3A_309, %dma_start3A_310] : memref<10112x128xf32, #tpu.memory_space<vmem_shared>> -> memref<10112x128xf32, #tpu.memory_space<vmem_shared>>
        tpu.enqueue_indirect_dma source(%arg11 : memref<128x128xf32, #tpu.memory_space<vmem>>) target(%dma_start3A_311 : memref<10112x128xf32, #tpu.memory_space<vmem_shared>>) offsets(%dma_start3A_308 : memref<128xi32, #tpu.memory_space<vmem>>) semaphore(%run_scoped3A_305 : memref<!tpu.dma_semaphore, #tpu.memory_space<semaphore_mem>>) {add = true}
        %dma_wait3A_312 = arith.constant 0 : i32
        %dma_wait3A_313 = tpu.memref_slice %arg9[%run_scoped3A_299, %dma_wait3A_312] : memref<8x128xi32, #tpu.memory_space<vmem>> -> memref<1x128xi32, #tpu.memory_space<vmem>>
        %dma_wait3A_314 = tpu.memref_squeeze %dma_wait3A_313 : memref<1x128xi32, #tpu.memory_space<vmem>> -> memref<128xi32, #tpu.memory_space<vmem>>
        %dma_wait3A_315 = arith.constant 0 : i32
        %dma_wait3A_316 = arith.constant 0 : i32
        %dma_wait3A_317 = tpu.memref_slice %arg12[%dma_wait3A_315, %dma_wait3A_316] : memref<10112x128xf32, #tpu.memory_space<vmem_shared>> -> memref<10112x128xf32, #tpu.memory_space<vmem_shared>>
        tpu.wait_indirect_dma semaphore(%run_scoped3A_305 : memref<!tpu.dma_semaphore, #tpu.memory_space<semaphore_mem>>) src(%arg11 : memref<128x128xf32, #tpu.memory_space<vmem>>) dst(%dma_wait3A_317 : memref<10112x128xf32, #tpu.memory_space<vmem_shared>>)
        tpu.yield
      }) : () -> ()
      %lt3A_300 = arith.constant 9 : i32
      %lt3A_301 = arith.cmpi slt, %scan3A_52, %lt3A_300 : i32
      %convert_element_type3A_302 = arith.extui %lt3A_301 : i1 to i32
      %cond3A_303 = arith.constant 0 : i32
      %cond3A_304 = arith.cmpi ne, %convert_element_type3A_302, %cond3A_303 : i32
      scf.if %cond3A_304 {
        %mul3A_305 = arith.constant 2 : i32
        %mul3A_306 = arith.muli %mul3A_305, %scan3A_52 : i32
        %add3A_307 = arith.constant 3 : i32
        %add3A_308 = arith.addi %mul3A_306, %add3A_307 : i32
        %mul3A_309 = arith.constant 8 : i32
        %mul3A_310 = arith.muli %add3A_308, %mul3A_309 : i32
        %add3A_311 = arith.addi %mul3A_2, %mul3A_310 : i32
        %dma_start3A_312 = arith.constant 0 : i32
        %dma_start3A_313 = tpu.memref_slice %arg3[%add3A_311, %dma_start3A_312] : memref<5120x128xi32, #tpu.memory_space<hbm>> -> memref<8x128xi32, #tpu.memory_space<hbm>>
        %dma_start3A_314 = arith.constant 0 : i32
        %dma_start3A_315 = tpu.memref_slice %arg3[%add3A_311, %dma_start3A_314] : memref<5120x128xi32, #tpu.memory_space<hbm>> -> memref<8x128xi32, #tpu.memory_space<hbm>>
        tpu.enqueue_dma source(%dma_start3A_315 : memref<8x128xi32, #tpu.memory_space<hbm>>) target(%arg8 : memref<8x128xi32, #tpu.memory_space<vmem>>) target_semaphore(%arg14 : memref<!tpu.dma_semaphore, #tpu.memory_space<semaphore_mem>>)
        %add3A_316 = arith.addi %mul3A_4, %mul3A_310 : i32
        %dma_start3A_317 = arith.constant 0 : i32
        %dma_start3A_318 = tpu.memref_slice %arg4[%add3A_316, %dma_start3A_317] : memref<2560x128xi32, #tpu.memory_space<hbm>> -> memref<8x128xi32, #tpu.memory_space<hbm>>
        %dma_start3A_319 = arith.constant 0 : i32
        %dma_start3A_320 = tpu.memref_slice %arg4[%add3A_316, %dma_start3A_319] : memref<2560x128xi32, #tpu.memory_space<hbm>> -> memref<8x128xi32, #tpu.memory_space<hbm>>
        tpu.enqueue_dma source(%dma_start3A_320 : memref<8x128xi32, #tpu.memory_space<hbm>>) target(%arg9 : memref<8x128xi32, #tpu.memory_space<vmem>>) target_semaphore(%arg14 : memref<!tpu.dma_semaphore, #tpu.memory_space<semaphore_mem>>)
      } else {
      }
    }
    %scan3A_47 = arith.constant 10 : i32
    %barrier3A_48 = arith.constant 0 : index
    tpu.barrier barrier_id(%barrier3A_48)
    %mul3A_49 = arith.constant 10112 : i32
    %mul3A_50 = arith.muli %arg0, %mul3A_49 : i32
    %add3A_51 = arith.addi %mul3A_50, %mul3A_6 : i32
    "tpu.region"() ({
      %run_scoped3A = tpu.sem_alloc : memref<!tpu.dma_semaphore, #tpu.memory_space<semaphore_mem>>
      %dma_start3A_52 = arith.constant 0 : i32
      %dma_start3A_53 = tpu.memref_slice %arg5[%add3A_51, %dma_start3A_52] : memref<20224x128xf32, #tpu.memory_space<hbm>> -> memref<632x128xf32, #tpu.memory_space<hbm>>
      %dma_start3A_54 = arith.constant 0 : i32
      %dma_start3A_55 = tpu.memref_slice %arg12[%mul3A_6, %dma_start3A_54] : memref<10112x128xf32, #tpu.memory_space<vmem_shared>> -> memref<632x128xf32, #tpu.memory_space<vmem_shared>>
      tpu.enqueue_dma source(%dma_start3A_55 : memref<632x128xf32, #tpu.memory_space<vmem_shared>>) target(%dma_start3A_53 : memref<632x128xf32, #tpu.memory_space<hbm>>) target_semaphore(%run_scoped3A : memref<!tpu.dma_semaphore, #tpu.memory_space<semaphore_mem>>)
      %dma_wait3A_56 = arith.constant 0 : i32
      %dma_wait3A_57 = tpu.memref_slice %arg5[%add3A_51, %dma_wait3A_56] : memref<20224x128xf32, #tpu.memory_space<hbm>> -> memref<632x128xf32, #tpu.memory_space<hbm>>
      %dma_wait3A_58 = arith.constant 0 : i32
      %dma_wait3A_59 = tpu.memref_slice %arg12[%mul3A_6, %dma_wait3A_58] : memref<10112x128xf32, #tpu.memory_space<vmem_shared>> -> memref<632x128xf32, #tpu.memory_space<vmem_shared>>
      tpu.wait_dma2 semaphore(%run_scoped3A : memref<!tpu.dma_semaphore, #tpu.memory_space<semaphore_mem>>) src(%dma_wait3A_59 : memref<632x128xf32, #tpu.memory_space<vmem_shared>>) dst(%dma_wait3A_57 : memref<632x128xf32, #tpu.memory_space<hbm>>)
      tpu.yield
    }) : () -> ()
    return
  }
}

#map = affine_map<(d0, d1) -> (0, 0)>
module attributes {stable_mosaic.version = 14 : i64} {
  func.func @_agg_body(%arg0: i32, %arg1: i32, %arg2: memref<20224x128xf32, #tpu.memory_space<hbm>>, %arg3: memref<5120x128xi32, #tpu.memory_space<hbm>>, %arg4: memref<2560x128xi32, #tpu.memory_space<hbm>>, %arg5: memref<20224x128xf32, #tpu.memory_space<hbm>>, %arg6: memref<8x128xi32, #tpu.memory_space<vmem>>, %arg7: memref<8x128xi32, #tpu.memory_space<vmem>>, %arg8: memref<8x128xi32, #tpu.memory_space<vmem>>, %arg9: memref<8x128xi32, #tpu.memory_space<vmem>>, %arg10: memref<128x128xf32, #tpu.memory_space<vmem>>, %arg11: memref<128x128xf32, #tpu.memory_space<vmem>>, %arg12: memref<10112x128xf32, #tpu.memory_space<vmem_shared>>, %arg13: memref<!tpu.dma_semaphore, #tpu.memory_space<semaphore_mem>>, %arg14: memref<!tpu.dma_semaphore, #tpu.memory_space<semaphore_mem>>, %arg15: memref<!tpu.dma_semaphore, #tpu.memory_space<semaphore_mem>>, %arg16: memref<!tpu.dma_semaphore, #tpu.memory_space<semaphore_mem>>) attributes {dimension_semantics = [#tpu.dimension_semantics<core_parallel>, #tpu.dimension_semantics<subcore_parallel>], iteration_bounds = array<i64: 2, 16>, scalar_prefetch = 0 : i64, scratch_operands = 11 : i64, tpu.core_type = #tpu.core_type<sc_vector_subcore>, window_params = [{transform_indices = #map}, {transform_indices = #map}, {transform_indices = #map}, {transform_indices = #map}]} {
    %mul3A = arith.constant 16 : i32
    %mul3A_0 = arith.muli %arg0, %mul3A : i32
    %add3A = arith.addi %mul3A_0, %arg1 : i32
    %mul3A_1 = arith.constant 160 : i32
    %mul3A_2 = arith.muli %add3A, %mul3A_1 : i32
    %mul3A_3 = arith.constant 160 : i32
    %mul3A_4 = arith.muli %arg1, %mul3A_3 : i32
    %mul3A_5 = arith.constant 632 : i32
    %mul3A_6 = arith.muli %arg1, %mul3A_5 : i32
    %mul3A_7 = arith.constant 10112 : i32
    %mul3A_8 = arith.muli %arg0, %mul3A_7 : i32
    %add3A_9 = arith.addi %mul3A_8, %mul3A_6 : i32
    "tpu.region"() ({
      %run_scoped3A = tpu.sem_alloc : memref<!tpu.dma_semaphore, #tpu.memory_space<semaphore_mem>>
      %dma_start3A_52 = arith.constant 0 : i32
      %dma_start3A_53 = tpu.memref_slice %arg12[%mul3A_6, %dma_start3A_52] : memref<10112x128xf32, #tpu.memory_space<vmem_shared>> -> memref<632x128xf32, #tpu.memory_space<vmem_shared>>
      %dma_start3A_54 = arith.constant 0 : i32
      %dma_start3A_55 = tpu.memref_slice %arg2[%add3A_9, %dma_start3A_54] : memref<20224x128xf32, #tpu.memory_space<hbm>> -> memref<632x128xf32, #tpu.memory_space<hbm>>
      tpu.enqueue_dma source(%dma_start3A_55 : memref<632x128xf32, #tpu.memory_space<hbm>>) target(%dma_start3A_53 : memref<632x128xf32, #tpu.memory_space<vmem_shared>>) target_semaphore(%run_scoped3A : memref<!tpu.dma_semaphore, #tpu.memory_space<semaphore_mem>>)
      %dma_wait3A_56 = arith.constant 0 : i32
      %dma_wait3A_57 = tpu.memref_slice %arg12[%mul3A_6, %dma_wait3A_56] : memref<10112x128xf32, #tpu.memory_space<vmem_shared>> -> memref<632x128xf32, #tpu.memory_space<vmem_shared>>
      %dma_wait3A_58 = arith.constant 0 : i32
      %dma_wait3A_59 = tpu.memref_slice %arg2[%add3A_9, %dma_wait3A_58] : memref<20224x128xf32, #tpu.memory_space<hbm>> -> memref<632x128xf32, #tpu.memory_space<hbm>>
      tpu.wait_dma2 semaphore(%run_scoped3A : memref<!tpu.dma_semaphore, #tpu.memory_space<semaphore_mem>>) src(%dma_wait3A_59 : memref<632x128xf32, #tpu.memory_space<hbm>>) dst(%dma_wait3A_57 : memref<632x128xf32, #tpu.memory_space<vmem_shared>>)
      tpu.yield
    }) : () -> ()
    %dma_start3A = arith.constant 0 : i32
    %dma_start3A_10 = tpu.memref_slice %arg3[%mul3A_2, %dma_start3A] : memref<5120x128xi32, #tpu.memory_space<hbm>> -> memref<8x128xi32, #tpu.memory_space<hbm>>
    %dma_start3A_11 = arith.constant 0 : i32
    %dma_start3A_12 = tpu.memref_slice %arg3[%mul3A_2, %dma_start3A_11] : memref<5120x128xi32, #tpu.memory_space<hbm>> -> memref<8x128xi32, #tpu.memory_space<hbm>>
    tpu.enqueue_dma source(%dma_start3A_12 : memref<8x128xi32, #tpu.memory_space<hbm>>) target(%arg6 : memref<8x128xi32, #tpu.memory_space<vmem>>) target_semaphore(%arg13 : memref<!tpu.dma_semaphore, #tpu.memory_space<semaphore_mem>>)
    %dma_start3A_13 = arith.constant 0 : i32
    %dma_start3A_14 = tpu.memref_slice %arg4[%mul3A_4, %dma_start3A_13] : memref<2560x128xi32, #tpu.memory_space<hbm>> -> memref<8x128xi32, #tpu.memory_space<hbm>>
    %dma_start3A_15 = arith.constant 0 : i32
    %dma_start3A_16 = tpu.memref_slice %arg4[%mul3A_4, %dma_start3A_15] : memref<2560x128xi32, #tpu.memory_space<hbm>> -> memref<8x128xi32, #tpu.memory_space<hbm>>
    tpu.enqueue_dma source(%dma_start3A_16 : memref<8x128xi32, #tpu.memory_space<hbm>>) target(%arg7 : memref<8x128xi32, #tpu.memory_space<vmem>>) target_semaphore(%arg13 : memref<!tpu.dma_semaphore, #tpu.memory_space<semaphore_mem>>)
    %add3A_17 = arith.constant 8 : i32
    %add3A_18 = arith.addi %mul3A_2, %add3A_17 : i32
    %dma_start3A_19 = arith.constant 0 : i32
    %dma_start3A_20 = tpu.memref_slice %arg3[%add3A_18, %dma_start3A_19] : memref<5120x128xi32, #tpu.memory_space<hbm>> -> memref<8x128xi32, #tpu.memory_space<hbm>>
    %dma_start3A_21 = arith.constant 0 : i32
    %dma_start3A_22 = tpu.memref_slice %arg3[%add3A_18, %dma_start3A_21] : memref<5120x128xi32, #tpu.memory_space<hbm>> -> memref<8x128xi32, #tpu.memory_space<hbm>>
    tpu.enqueue_dma source(%dma_start3A_22 : memref<8x128xi32, #tpu.memory_space<hbm>>) target(%arg8 : memref<8x128xi32, #tpu.memory_space<vmem>>) target_semaphore(%arg14 : memref<!tpu.dma_semaphore, #tpu.memory_space<semaphore_mem>>)
    %add3A_23 = arith.constant 8 : i32
    %add3A_24 = arith.addi %mul3A_4, %add3A_23 : i32
    %dma_start3A_25 = arith.constant 0 : i32
    %dma_start3A_26 = tpu.memref_slice %arg4[%add3A_24, %dma_start3A_25] : memref<2560x128xi32, #tpu.memory_space<hbm>> -> memref<8x128xi32, #tpu.memory_space<hbm>>
    %dma_start3A_27 = arith.constant 0 : i32
    %dma_start3A_28 = tpu.memref_slice %arg4[%add3A_24, %dma_start3A_27] : memref<2560x128xi32, #tpu.memory_space<hbm>> -> memref<8x128xi32, #tpu.memory_space<hbm>>
    tpu.enqueue_dma source(%dma_start3A_28 : memref<8x128xi32, #tpu.memory_space<hbm>>) target(%arg9 : memref<8x128xi32, #tpu.memory_space<vmem>>) target_semaphore(%arg14 : memref<!tpu.dma_semaphore, #tpu.memory_space<semaphore_mem>>)
    %barrier3A = arith.constant 0 : index
    tpu.barrier barrier_id(%barrier3A)
    %dma_wait3A = arith.constant 0 : i32
    %dma_wait3A_29 = tpu.memref_slice %arg3[%mul3A_2, %dma_wait3A] : memref<5120x128xi32, #tpu.memory_space<hbm>> -> memref<8x128xi32, #tpu.memory_space<hbm>>
    %dma_wait3A_30 = arith.constant 0 : i32
    %dma_wait3A_31 = tpu.memref_slice %arg3[%mul3A_2, %dma_wait3A_30] : memref<5120x128xi32, #tpu.memory_space<hbm>> -> memref<8x128xi32, #tpu.memory_space<hbm>>
    tpu.wait_dma2 semaphore(%arg13 : memref<!tpu.dma_semaphore, #tpu.memory_space<semaphore_mem>>) src(%dma_wait3A_31 : memref<8x128xi32, #tpu.memory_space<hbm>>) dst(%arg6 : memref<8x128xi32, #tpu.memory_space<vmem>>)
    %dma_wait3A_32 = arith.constant 0 : i32
    %dma_wait3A_33 = tpu.memref_slice %arg4[%mul3A_4, %dma_wait3A_32] : memref<2560x128xi32, #tpu.memory_space<hbm>> -> memref<8x128xi32, #tpu.memory_space<hbm>>
    %dma_wait3A_34 = arith.constant 0 : i32
    %dma_wait3A_35 = tpu.memref_slice %arg4[%mul3A_4, %dma_wait3A_34] : memref<2560x128xi32, #tpu.memory_space<hbm>> -> memref<8x128xi32, #tpu.memory_space<hbm>>
    tpu.wait_dma2 semaphore(%arg13 : memref<!tpu.dma_semaphore, #tpu.memory_space<semaphore_mem>>) src(%dma_wait3A_35 : memref<8x128xi32, #tpu.memory_space<hbm>>) dst(%arg7 : memref<8x128xi32, #tpu.memory_space<vmem>>)
    %dma_start3A_36 = arith.constant 0 : i32
    %dma_start3A_37 = arith.constant 0 : i32
    %dma_start3A_38 = tpu.memref_slice %arg6[%dma_start3A_36, %dma_start3A_37] : memref<8x128xi32, #tpu.memory_space<vmem>> -> memref<1x128xi32, #tpu.memory_space<vmem>>
    %dma_start3A_39 = tpu.memref_squeeze %dma_start3A_38 : memref<1x128xi32, #tpu.memory_space<vmem>> -> memref<128xi32, #tpu.memory_space<vmem>>
    %dma_start3A_40 = arith.constant 0 : i32
    %dma_start3A_41 = arith.constant 0 : i32
    %dma_start3A_42 = tpu.memref_slice %arg2[%dma_start3A_40, %dma_start3A_41] : memref<20224x128xf32, #tpu.memory_space<hbm>> -> memref<20224x128xf32, #tpu.memory_space<hbm>>
    tpu.enqueue_indirect_dma source(%dma_start3A_42 : memref<20224x128xf32, #tpu.memory_space<hbm>>) target(%arg10 : memref<128x128xf32, #tpu.memory_space<vmem>>) offsets(%dma_start3A_39 : memref<128xi32, #tpu.memory_space<vmem>>) semaphore(%arg15 : memref<!tpu.dma_semaphore, #tpu.memory_space<semaphore_mem>>)
    %scan3A = arith.constant 0 : i32
    %scan3A_43 = arith.constant 0 : i32
    %scan3A_44 = arith.constant 10 : i32
    %scan3A_45 = arith.addi %scan3A_43, %scan3A_44 : i32
    %scan3A_46 = arith.constant 1 : i32
    scf.for %scan3A_52 = %scan3A_43 to %scan3A_45 step %scan3A_46  : i32 {
      %dma_start3A_53 = arith.constant 1 : i32
      %dma_start3A_54 = arith.constant 0 : i32
      %dma_start3A_55 = tpu.memref_slice %arg6[%dma_start3A_53, %dma_start3A_54] : memref<8x128xi32, #tpu.memory_space<vmem>> -> memref<1x128xi32, #tpu.memory_space<vmem>>
      %dma_start3A_56 = tpu.memref_squeeze %dma_start3A_55 : memref<1x128xi32, #tpu.memory_space<vmem>> -> memref<128xi32, #tpu.memory_space<vmem>>
      %dma_start3A_57 = arith.constant 0 : i32
      %dma_start3A_58 = arith.constant 0 : i32
      %dma_start3A_59 = tpu.memref_slice %arg2[%dma_start3A_57, %dma_start3A_58] : memref<20224x128xf32, #tpu.memory_space<hbm>> -> memref<20224x128xf32, #tpu.memory_space<hbm>>
      tpu.enqueue_indirect_dma source(%dma_start3A_59 : memref<20224x128xf32, #tpu.memory_space<hbm>>) target(%arg11 : memref<128x128xf32, #tpu.memory_space<vmem>>) offsets(%dma_start3A_56 : memref<128xi32, #tpu.memory_space<vmem>>) semaphore(%arg16 : memref<!tpu.dma_semaphore, #tpu.memory_space<semaphore_mem>>)
      %dma_wait3A_60 = arith.constant 0 : i32
      %dma_wait3A_61 = arith.constant 0 : i32
      %dma_wait3A_62 = tpu.memref_slice %arg6[%dma_wait3A_60, %dma_wait3A_61] : memref<8x128xi32, #tpu.memory_space<vmem>> -> memref<1x128xi32, #tpu.memory_space<vmem>>
      %dma_wait3A_63 = tpu.memref_squeeze %dma_wait3A_62 : memref<1x128xi32, #tpu.memory_space<vmem>> -> memref<128xi32, #tpu.memory_space<vmem>>
      %dma_wait3A_64 = arith.constant 0 : i32
      %dma_wait3A_65 = arith.constant 0 : i32
      %dma_wait3A_66 = tpu.memref_slice %arg2[%dma_wait3A_64, %dma_wait3A_65] : memref<20224x128xf32, #tpu.memory_space<hbm>> -> memref<20224x128xf32, #tpu.memory_space<hbm>>
      tpu.wait_indirect_dma semaphore(%arg15 : memref<!tpu.dma_semaphore, #tpu.memory_space<semaphore_mem>>) src(%dma_wait3A_66 : memref<20224x128xf32, #tpu.memory_space<hbm>>) dst(%arg10 : memref<128x128xf32, #tpu.memory_space<vmem>>)
      %run_scoped3A = arith.constant 0 : i32
      "tpu.region"() ({
        %run_scoped3A_305 = tpu.sem_alloc : memref<!tpu.dma_semaphore, #tpu.memory_space<semaphore_mem>>
        %dma_start3A_306 = arith.constant 0 : i32
        %dma_start3A_307 = tpu.memref_slice %arg7[%run_scoped3A, %dma_start3A_306] : memref<8x128xi32, #tpu.memory_space<vmem>> -> memref<1x128xi32, #tpu.memory_space<vmem>>
        %dma_start3A_308 = tpu.memref_squeeze %dma_start3A_307 : memref<1x128xi32, #tpu.memory_space<vmem>> -> memref<128xi32, #tpu.memory_space<vmem>>
        %dma_start3A_309 = arith.constant 0 : i32
        %dma_start3A_310 = arith.constant 0 : i32
        %dma_start3A_311 = tpu.memref_slice %arg12[%dma_start3A_309, %dma_start3A_310] : memref<10112x128xf32, #tpu.memory_space<vmem_shared>> -> memref<10112x128xf32, #tpu.memory_space<vmem_shared>>
        tpu.enqueue_indirect_dma source(%arg10 : memref<128x128xf32, #tpu.memory_space<vmem>>) target(%dma_start3A_311 : memref<10112x128xf32, #tpu.memory_space<vmem_shared>>) offsets(%dma_start3A_308 : memref<128xi32, #tpu.memory_space<vmem>>) semaphore(%run_scoped3A_305 : memref<!tpu.dma_semaphore, #tpu.memory_space<semaphore_mem>>) {add = true}
        %dma_wait3A_312 = arith.constant 0 : i32
        %dma_wait3A_313 = tpu.memref_slice %arg7[%run_scoped3A, %dma_wait3A_312] : memref<8x128xi32, #tpu.memory_space<vmem>> -> memref<1x128xi32, #tpu.memory_space<vmem>>
        %dma_wait3A_314 = tpu.memref_squeeze %dma_wait3A_313 : memref<1x128xi32, #tpu.memory_space<vmem>> -> memref<128xi32, #tpu.memory_space<vmem>>
        %dma_wait3A_315 = arith.constant 0 : i32
        %dma_wait3A_316 = arith.constant 0 : i32
        %dma_wait3A_317 = tpu.memref_slice %arg12[%dma_wait3A_315, %dma_wait3A_316] : memref<10112x128xf32, #tpu.memory_space<vmem_shared>> -> memref<10112x128xf32, #tpu.memory_space<vmem_shared>>
        tpu.wait_indirect_dma semaphore(%run_scoped3A_305 : memref<!tpu.dma_semaphore, #tpu.memory_space<semaphore_mem>>) src(%arg10 : memref<128x128xf32, #tpu.memory_space<vmem>>) dst(%dma_wait3A_317 : memref<10112x128xf32, #tpu.memory_space<vmem_shared>>)
        tpu.yield
      }) : () -> ()
      %dma_start3A_67 = arith.constant 2 : i32
      %dma_start3A_68 = arith.constant 0 : i32
      %dma_start3A_69 = tpu.memref_slice %arg6[%dma_start3A_67, %dma_start3A_68] : memref<8x128xi32, #tpu.memory_space<vmem>> -> memref<1x128xi32, #tpu.memory_space<vmem>>
      %dma_start3A_70 = tpu.memref_squeeze %dma_start3A_69 : memref<1x128xi32, #tpu.memory_space<vmem>> -> memref<128xi32, #tpu.memory_space<vmem>>
      %dma_start3A_71 = arith.constant 0 : i32
      %dma_start3A_72 = arith.constant 0 : i32
      %dma_start3A_73 = tpu.memref_slice %arg2[%dma_start3A_71, %dma_start3A_72] : memref<20224x128xf32, #tpu.memory_space<hbm>> -> memref<20224x128xf32, #tpu.memory_space<hbm>>
      tpu.enqueue_indirect_dma source(%dma_start3A_73 : memref<20224x128xf32, #tpu.memory_space<hbm>>) target(%arg10 : memref<128x128xf32, #tpu.memory_space<vmem>>) offsets(%dma_start3A_70 : memref<128xi32, #tpu.memory_space<vmem>>) semaphore(%arg15 : memref<!tpu.dma_semaphore, #tpu.memory_space<semaphore_mem>>)
      %dma_wait3A_74 = arith.constant 0 : i32
      %dma_wait3A_75 = arith.constant 0 : i32
      %dma_wait3A_76 = tpu.memref_slice %arg6[%dma_wait3A_74, %dma_wait3A_75] : memref<8x128xi32, #tpu.memory_space<vmem>> -> memref<1x128xi32, #tpu.memory_space<vmem>>
      %dma_wait3A_77 = tpu.memref_squeeze %dma_wait3A_76 : memref<1x128xi32, #tpu.memory_space<vmem>> -> memref<128xi32, #tpu.memory_space<vmem>>
      %dma_wait3A_78 = arith.constant 0 : i32
      %dma_wait3A_79 = arith.constant 0 : i32
      %dma_wait3A_80 = tpu.memref_slice %arg2[%dma_wait3A_78, %dma_wait3A_79] : memref<20224x128xf32, #tpu.memory_space<hbm>> -> memref<20224x128xf32, #tpu.memory_space<hbm>>
      tpu.wait_indirect_dma semaphore(%arg16 : memref<!tpu.dma_semaphore, #tpu.memory_space<semaphore_mem>>) src(%dma_wait3A_80 : memref<20224x128xf32, #tpu.memory_space<hbm>>) dst(%arg11 : memref<128x128xf32, #tpu.memory_space<vmem>>)
      %run_scoped3A_81 = arith.constant 1 : i32
      "tpu.region"() ({
        %run_scoped3A_305 = tpu.sem_alloc : memref<!tpu.dma_semaphore, #tpu.memory_space<semaphore_mem>>
        %dma_start3A_306 = arith.constant 0 : i32
        %dma_start3A_307 = tpu.memref_slice %arg7[%run_scoped3A_81, %dma_start3A_306] : memref<8x128xi32, #tpu.memory_space<vmem>> -> memref<1x128xi32, #tpu.memory_space<vmem>>
        %dma_start3A_308 = tpu.memref_squeeze %dma_start3A_307 : memref<1x128xi32, #tpu.memory_space<vmem>> -> memref<128xi32, #tpu.memory_space<vmem>>
        %dma_start3A_309 = arith.constant 0 : i32
        %dma_start3A_310 = arith.constant 0 : i32
        %dma_start3A_311 = tpu.memref_slice %arg12[%dma_start3A_309, %dma_start3A_310] : memref<10112x128xf32, #tpu.memory_space<vmem_shared>> -> memref<10112x128xf32, #tpu.memory_space<vmem_shared>>
        tpu.enqueue_indirect_dma source(%arg11 : memref<128x128xf32, #tpu.memory_space<vmem>>) target(%dma_start3A_311 : memref<10112x128xf32, #tpu.memory_space<vmem_shared>>) offsets(%dma_start3A_308 : memref<128xi32, #tpu.memory_space<vmem>>) semaphore(%run_scoped3A_305 : memref<!tpu.dma_semaphore, #tpu.memory_space<semaphore_mem>>) {add = true}
        %dma_wait3A_312 = arith.constant 0 : i32
        %dma_wait3A_313 = tpu.memref_slice %arg7[%run_scoped3A_81, %dma_wait3A_312] : memref<8x128xi32, #tpu.memory_space<vmem>> -> memref<1x128xi32, #tpu.memory_space<vmem>>
        %dma_wait3A_314 = tpu.memref_squeeze %dma_wait3A_313 : memref<1x128xi32, #tpu.memory_space<vmem>> -> memref<128xi32, #tpu.memory_space<vmem>>
        %dma_wait3A_315 = arith.constant 0 : i32
        %dma_wait3A_316 = arith.constant 0 : i32
        %dma_wait3A_317 = tpu.memref_slice %arg12[%dma_wait3A_315, %dma_wait3A_316] : memref<10112x128xf32, #tpu.memory_space<vmem_shared>> -> memref<10112x128xf32, #tpu.memory_space<vmem_shared>>
        tpu.wait_indirect_dma semaphore(%run_scoped3A_305 : memref<!tpu.dma_semaphore, #tpu.memory_space<semaphore_mem>>) src(%arg11 : memref<128x128xf32, #tpu.memory_space<vmem>>) dst(%dma_wait3A_317 : memref<10112x128xf32, #tpu.memory_space<vmem_shared>>)
        tpu.yield
      }) : () -> ()
      %dma_start3A_82 = arith.constant 3 : i32
      %dma_start3A_83 = arith.constant 0 : i32
      %dma_start3A_84 = tpu.memref_slice %arg6[%dma_start3A_82, %dma_start3A_83] : memref<8x128xi32, #tpu.memory_space<vmem>> -> memref<1x128xi32, #tpu.memory_space<vmem>>
      %dma_start3A_85 = tpu.memref_squeeze %dma_start3A_84 : memref<1x128xi32, #tpu.memory_space<vmem>> -> memref<128xi32, #tpu.memory_space<vmem>>
      %dma_start3A_86 = arith.constant 0 : i32
      %dma_start3A_87 = arith.constant 0 : i32
      %dma_start3A_88 = tpu.memref_slice %arg2[%dma_start3A_86, %dma_start3A_87] : memref<20224x128xf32, #tpu.memory_space<hbm>> -> memref<20224x128xf32, #tpu.memory_space<hbm>>
      tpu.enqueue_indirect_dma source(%dma_start3A_88 : memref<20224x128xf32, #tpu.memory_space<hbm>>) target(%arg11 : memref<128x128xf32, #tpu.memory_space<vmem>>) offsets(%dma_start3A_85 : memref<128xi32, #tpu.memory_space<vmem>>) semaphore(%arg16 : memref<!tpu.dma_semaphore, #tpu.memory_space<semaphore_mem>>)
      %dma_wait3A_89 = arith.constant 0 : i32
      %dma_wait3A_90 = arith.constant 0 : i32
      %dma_wait3A_91 = tpu.memref_slice %arg6[%dma_wait3A_89, %dma_wait3A_90] : memref<8x128xi32, #tpu.memory_space<vmem>> -> memref<1x128xi32, #tpu.memory_space<vmem>>
      %dma_wait3A_92 = tpu.memref_squeeze %dma_wait3A_91 : memref<1x128xi32, #tpu.memory_space<vmem>> -> memref<128xi32, #tpu.memory_space<vmem>>
      %dma_wait3A_93 = arith.constant 0 : i32
      %dma_wait3A_94 = arith.constant 0 : i32
      %dma_wait3A_95 = tpu.memref_slice %arg2[%dma_wait3A_93, %dma_wait3A_94] : memref<20224x128xf32, #tpu.memory_space<hbm>> -> memref<20224x128xf32, #tpu.memory_space<hbm>>
      tpu.wait_indirect_dma semaphore(%arg15 : memref<!tpu.dma_semaphore, #tpu.memory_space<semaphore_mem>>) src(%dma_wait3A_95 : memref<20224x128xf32, #tpu.memory_space<hbm>>) dst(%arg10 : memref<128x128xf32, #tpu.memory_space<vmem>>)
      %run_scoped3A_96 = arith.constant 2 : i32
      "tpu.region"() ({
        %run_scoped3A_305 = tpu.sem_alloc : memref<!tpu.dma_semaphore, #tpu.memory_space<semaphore_mem>>
        %dma_start3A_306 = arith.constant 0 : i32
        %dma_start3A_307 = tpu.memref_slice %arg7[%run_scoped3A_96, %dma_start3A_306] : memref<8x128xi32, #tpu.memory_space<vmem>> -> memref<1x128xi32, #tpu.memory_space<vmem>>
        %dma_start3A_308 = tpu.memref_squeeze %dma_start3A_307 : memref<1x128xi32, #tpu.memory_space<vmem>> -> memref<128xi32, #tpu.memory_space<vmem>>
        %dma_start3A_309 = arith.constant 0 : i32
        %dma_start3A_310 = arith.constant 0 : i32
        %dma_start3A_311 = tpu.memref_slice %arg12[%dma_start3A_309, %dma_start3A_310] : memref<10112x128xf32, #tpu.memory_space<vmem_shared>> -> memref<10112x128xf32, #tpu.memory_space<vmem_shared>>
        tpu.enqueue_indirect_dma source(%arg10 : memref<128x128xf32, #tpu.memory_space<vmem>>) target(%dma_start3A_311 : memref<10112x128xf32, #tpu.memory_space<vmem_shared>>) offsets(%dma_start3A_308 : memref<128xi32, #tpu.memory_space<vmem>>) semaphore(%run_scoped3A_305 : memref<!tpu.dma_semaphore, #tpu.memory_space<semaphore_mem>>) {add = true}
        %dma_wait3A_312 = arith.constant 0 : i32
        %dma_wait3A_313 = tpu.memref_slice %arg7[%run_scoped3A_96, %dma_wait3A_312] : memref<8x128xi32, #tpu.memory_space<vmem>> -> memref<1x128xi32, #tpu.memory_space<vmem>>
        %dma_wait3A_314 = tpu.memref_squeeze %dma_wait3A_313 : memref<1x128xi32, #tpu.memory_space<vmem>> -> memref<128xi32, #tpu.memory_space<vmem>>
        %dma_wait3A_315 = arith.constant 0 : i32
        %dma_wait3A_316 = arith.constant 0 : i32
        %dma_wait3A_317 = tpu.memref_slice %arg12[%dma_wait3A_315, %dma_wait3A_316] : memref<10112x128xf32, #tpu.memory_space<vmem_shared>> -> memref<10112x128xf32, #tpu.memory_space<vmem_shared>>
        tpu.wait_indirect_dma semaphore(%run_scoped3A_305 : memref<!tpu.dma_semaphore, #tpu.memory_space<semaphore_mem>>) src(%arg10 : memref<128x128xf32, #tpu.memory_space<vmem>>) dst(%dma_wait3A_317 : memref<10112x128xf32, #tpu.memory_space<vmem_shared>>)
        tpu.yield
      }) : () -> ()
      %dma_start3A_97 = arith.constant 4 : i32
      %dma_start3A_98 = arith.constant 0 : i32
      %dma_start3A_99 = tpu.memref_slice %arg6[%dma_start3A_97, %dma_start3A_98] : memref<8x128xi32, #tpu.memory_space<vmem>> -> memref<1x128xi32, #tpu.memory_space<vmem>>
      %dma_start3A_100 = tpu.memref_squeeze %dma_start3A_99 : memref<1x128xi32, #tpu.memory_space<vmem>> -> memref<128xi32, #tpu.memory_space<vmem>>
      %dma_start3A_101 = arith.constant 0 : i32
      %dma_start3A_102 = arith.constant 0 : i32
      %dma_start3A_103 = tpu.memref_slice %arg2[%dma_start3A_101, %dma_start3A_102] : memref<20224x128xf32, #tpu.memory_space<hbm>> -> memref<20224x128xf32, #tpu.memory_space<hbm>>
      tpu.enqueue_indirect_dma source(%dma_start3A_103 : memref<20224x128xf32, #tpu.memory_space<hbm>>) target(%arg10 : memref<128x128xf32, #tpu.memory_space<vmem>>) offsets(%dma_start3A_100 : memref<128xi32, #tpu.memory_space<vmem>>) semaphore(%arg15 : memref<!tpu.dma_semaphore, #tpu.memory_space<semaphore_mem>>)
      %dma_wait3A_104 = arith.constant 0 : i32
      %dma_wait3A_105 = arith.constant 0 : i32
      %dma_wait3A_106 = tpu.memref_slice %arg6[%dma_wait3A_104, %dma_wait3A_105] : memref<8x128xi32, #tpu.memory_space<vmem>> -> memref<1x128xi32, #tpu.memory_space<vmem>>
      %dma_wait3A_107 = tpu.memref_squeeze %dma_wait3A_106 : memref<1x128xi32, #tpu.memory_space<vmem>> -> memref<128xi32, #tpu.memory_space<vmem>>
      %dma_wait3A_108 = arith.constant 0 : i32
      %dma_wait3A_109 = arith.constant 0 : i32
      %dma_wait3A_110 = tpu.memref_slice %arg2[%dma_wait3A_108, %dma_wait3A_109] : memref<20224x128xf32, #tpu.memory_space<hbm>> -> memref<20224x128xf32, #tpu.memory_space<hbm>>
      tpu.wait_indirect_dma semaphore(%arg16 : memref<!tpu.dma_semaphore, #tpu.memory_space<semaphore_mem>>) src(%dma_wait3A_110 : memref<20224x128xf32, #tpu.memory_space<hbm>>) dst(%arg11 : memref<128x128xf32, #tpu.memory_space<vmem>>)
      %run_scoped3A_111 = arith.constant 3 : i32
      "tpu.region"() ({
        %run_scoped3A_305 = tpu.sem_alloc : memref<!tpu.dma_semaphore, #tpu.memory_space<semaphore_mem>>
        %dma_start3A_306 = arith.constant 0 : i32
        %dma_start3A_307 = tpu.memref_slice %arg7[%run_scoped3A_111, %dma_start3A_306] : memref<8x128xi32, #tpu.memory_space<vmem>> -> memref<1x128xi32, #tpu.memory_space<vmem>>
        %dma_start3A_308 = tpu.memref_squeeze %dma_start3A_307 : memref<1x128xi32, #tpu.memory_space<vmem>> -> memref<128xi32, #tpu.memory_space<vmem>>
        %dma_start3A_309 = arith.constant 0 : i32
        %dma_start3A_310 = arith.constant 0 : i32
        %dma_start3A_311 = tpu.memref_slice %arg12[%dma_start3A_309, %dma_start3A_310] : memref<10112x128xf32, #tpu.memory_space<vmem_shared>> -> memref<10112x128xf32, #tpu.memory_space<vmem_shared>>
        tpu.enqueue_indirect_dma source(%arg11 : memref<128x128xf32, #tpu.memory_space<vmem>>) target(%dma_start3A_311 : memref<10112x128xf32, #tpu.memory_space<vmem_shared>>) offsets(%dma_start3A_308 : memref<128xi32, #tpu.memory_space<vmem>>) semaphore(%run_scoped3A_305 : memref<!tpu.dma_semaphore, #tpu.memory_space<semaphore_mem>>) {add = true}
        %dma_wait3A_312 = arith.constant 0 : i32
        %dma_wait3A_313 = tpu.memref_slice %arg7[%run_scoped3A_111, %dma_wait3A_312] : memref<8x128xi32, #tpu.memory_space<vmem>> -> memref<1x128xi32, #tpu.memory_space<vmem>>
        %dma_wait3A_314 = tpu.memref_squeeze %dma_wait3A_313 : memref<1x128xi32, #tpu.memory_space<vmem>> -> memref<128xi32, #tpu.memory_space<vmem>>
        %dma_wait3A_315 = arith.constant 0 : i32
        %dma_wait3A_316 = arith.constant 0 : i32
        %dma_wait3A_317 = tpu.memref_slice %arg12[%dma_wait3A_315, %dma_wait3A_316] : memref<10112x128xf32, #tpu.memory_space<vmem_shared>> -> memref<10112x128xf32, #tpu.memory_space<vmem_shared>>
        tpu.wait_indirect_dma semaphore(%run_scoped3A_305 : memref<!tpu.dma_semaphore, #tpu.memory_space<semaphore_mem>>) src(%arg11 : memref<128x128xf32, #tpu.memory_space<vmem>>) dst(%dma_wait3A_317 : memref<10112x128xf32, #tpu.memory_space<vmem_shared>>)
        tpu.yield
      }) : () -> ()
      %dma_start3A_112 = arith.constant 5 : i32
      %dma_start3A_113 = arith.constant 0 : i32
      %dma_start3A_114 = tpu.memref_slice %arg6[%dma_start3A_112, %dma_start3A_113] : memref<8x128xi32, #tpu.memory_space<vmem>> -> memref<1x128xi32, #tpu.memory_space<vmem>>
      %dma_start3A_115 = tpu.memref_squeeze %dma_start3A_114 : memref<1x128xi32, #tpu.memory_space<vmem>> -> memref<128xi32, #tpu.memory_space<vmem>>
      %dma_start3A_116 = arith.constant 0 : i32
      %dma_start3A_117 = arith.constant 0 : i32
      %dma_start3A_118 = tpu.memref_slice %arg2[%dma_start3A_116, %dma_start3A_117] : memref<20224x128xf32, #tpu.memory_space<hbm>> -> memref<20224x128xf32, #tpu.memory_space<hbm>>
      tpu.enqueue_indirect_dma source(%dma_start3A_118 : memref<20224x128xf32, #tpu.memory_space<hbm>>) target(%arg11 : memref<128x128xf32, #tpu.memory_space<vmem>>) offsets(%dma_start3A_115 : memref<128xi32, #tpu.memory_space<vmem>>) semaphore(%arg16 : memref<!tpu.dma_semaphore, #tpu.memory_space<semaphore_mem>>)
      %dma_wait3A_119 = arith.constant 0 : i32
      %dma_wait3A_120 = arith.constant 0 : i32
      %dma_wait3A_121 = tpu.memref_slice %arg6[%dma_wait3A_119, %dma_wait3A_120] : memref<8x128xi32, #tpu.memory_space<vmem>> -> memref<1x128xi32, #tpu.memory_space<vmem>>
      %dma_wait3A_122 = tpu.memref_squeeze %dma_wait3A_121 : memref<1x128xi32, #tpu.memory_space<vmem>> -> memref<128xi32, #tpu.memory_space<vmem>>
      %dma_wait3A_123 = arith.constant 0 : i32
      %dma_wait3A_124 = arith.constant 0 : i32
      %dma_wait3A_125 = tpu.memref_slice %arg2[%dma_wait3A_123, %dma_wait3A_124] : memref<20224x128xf32, #tpu.memory_space<hbm>> -> memref<20224x128xf32, #tpu.memory_space<hbm>>
      tpu.wait_indirect_dma semaphore(%arg15 : memref<!tpu.dma_semaphore, #tpu.memory_space<semaphore_mem>>) src(%dma_wait3A_125 : memref<20224x128xf32, #tpu.memory_space<hbm>>) dst(%arg10 : memref<128x128xf32, #tpu.memory_space<vmem>>)
      %run_scoped3A_126 = arith.constant 4 : i32
      "tpu.region"() ({
        %run_scoped3A_305 = tpu.sem_alloc : memref<!tpu.dma_semaphore, #tpu.memory_space<semaphore_mem>>
        %dma_start3A_306 = arith.constant 0 : i32
        %dma_start3A_307 = tpu.memref_slice %arg7[%run_scoped3A_126, %dma_start3A_306] : memref<8x128xi32, #tpu.memory_space<vmem>> -> memref<1x128xi32, #tpu.memory_space<vmem>>
        %dma_start3A_308 = tpu.memref_squeeze %dma_start3A_307 : memref<1x128xi32, #tpu.memory_space<vmem>> -> memref<128xi32, #tpu.memory_space<vmem>>
        %dma_start3A_309 = arith.constant 0 : i32
        %dma_start3A_310 = arith.constant 0 : i32
        %dma_start3A_311 = tpu.memref_slice %arg12[%dma_start3A_309, %dma_start3A_310] : memref<10112x128xf32, #tpu.memory_space<vmem_shared>> -> memref<10112x128xf32, #tpu.memory_space<vmem_shared>>
        tpu.enqueue_indirect_dma source(%arg10 : memref<128x128xf32, #tpu.memory_space<vmem>>) target(%dma_start3A_311 : memref<10112x128xf32, #tpu.memory_space<vmem_shared>>) offsets(%dma_start3A_308 : memref<128xi32, #tpu.memory_space<vmem>>) semaphore(%run_scoped3A_305 : memref<!tpu.dma_semaphore, #tpu.memory_space<semaphore_mem>>) {add = true}
        %dma_wait3A_312 = arith.constant 0 : i32
        %dma_wait3A_313 = tpu.memref_slice %arg7[%run_scoped3A_126, %dma_wait3A_312] : memref<8x128xi32, #tpu.memory_space<vmem>> -> memref<1x128xi32, #tpu.memory_space<vmem>>
        %dma_wait3A_314 = tpu.memref_squeeze %dma_wait3A_313 : memref<1x128xi32, #tpu.memory_space<vmem>> -> memref<128xi32, #tpu.memory_space<vmem>>
        %dma_wait3A_315 = arith.constant 0 : i32
        %dma_wait3A_316 = arith.constant 0 : i32
        %dma_wait3A_317 = tpu.memref_slice %arg12[%dma_wait3A_315, %dma_wait3A_316] : memref<10112x128xf32, #tpu.memory_space<vmem_shared>> -> memref<10112x128xf32, #tpu.memory_space<vmem_shared>>
        tpu.wait_indirect_dma semaphore(%run_scoped3A_305 : memref<!tpu.dma_semaphore, #tpu.memory_space<semaphore_mem>>) src(%arg10 : memref<128x128xf32, #tpu.memory_space<vmem>>) dst(%dma_wait3A_317 : memref<10112x128xf32, #tpu.memory_space<vmem_shared>>)
        tpu.yield
      }) : () -> ()
      %dma_start3A_127 = arith.constant 6 : i32
      %dma_start3A_128 = arith.constant 0 : i32
      %dma_start3A_129 = tpu.memref_slice %arg6[%dma_start3A_127, %dma_start3A_128] : memref<8x128xi32, #tpu.memory_space<vmem>> -> memref<1x128xi32, #tpu.memory_space<vmem>>
      %dma_start3A_130 = tpu.memref_squeeze %dma_start3A_129 : memref<1x128xi32, #tpu.memory_space<vmem>> -> memref<128xi32, #tpu.memory_space<vmem>>
      %dma_start3A_131 = arith.constant 0 : i32
      %dma_start3A_132 = arith.constant 0 : i32
      %dma_start3A_133 = tpu.memref_slice %arg2[%dma_start3A_131, %dma_start3A_132] : memref<20224x128xf32, #tpu.memory_space<hbm>> -> memref<20224x128xf32, #tpu.memory_space<hbm>>
      tpu.enqueue_indirect_dma source(%dma_start3A_133 : memref<20224x128xf32, #tpu.memory_space<hbm>>) target(%arg10 : memref<128x128xf32, #tpu.memory_space<vmem>>) offsets(%dma_start3A_130 : memref<128xi32, #tpu.memory_space<vmem>>) semaphore(%arg15 : memref<!tpu.dma_semaphore, #tpu.memory_space<semaphore_mem>>)
      %dma_wait3A_134 = arith.constant 0 : i32
      %dma_wait3A_135 = arith.constant 0 : i32
      %dma_wait3A_136 = tpu.memref_slice %arg6[%dma_wait3A_134, %dma_wait3A_135] : memref<8x128xi32, #tpu.memory_space<vmem>> -> memref<1x128xi32, #tpu.memory_space<vmem>>
      %dma_wait3A_137 = tpu.memref_squeeze %dma_wait3A_136 : memref<1x128xi32, #tpu.memory_space<vmem>> -> memref<128xi32, #tpu.memory_space<vmem>>
      %dma_wait3A_138 = arith.constant 0 : i32
      %dma_wait3A_139 = arith.constant 0 : i32
      %dma_wait3A_140 = tpu.memref_slice %arg2[%dma_wait3A_138, %dma_wait3A_139] : memref<20224x128xf32, #tpu.memory_space<hbm>> -> memref<20224x128xf32, #tpu.memory_space<hbm>>
      tpu.wait_indirect_dma semaphore(%arg16 : memref<!tpu.dma_semaphore, #tpu.memory_space<semaphore_mem>>) src(%dma_wait3A_140 : memref<20224x128xf32, #tpu.memory_space<hbm>>) dst(%arg11 : memref<128x128xf32, #tpu.memory_space<vmem>>)
      %run_scoped3A_141 = arith.constant 5 : i32
      "tpu.region"() ({
        %run_scoped3A_305 = tpu.sem_alloc : memref<!tpu.dma_semaphore, #tpu.memory_space<semaphore_mem>>
        %dma_start3A_306 = arith.constant 0 : i32
        %dma_start3A_307 = tpu.memref_slice %arg7[%run_scoped3A_141, %dma_start3A_306] : memref<8x128xi32, #tpu.memory_space<vmem>> -> memref<1x128xi32, #tpu.memory_space<vmem>>
        %dma_start3A_308 = tpu.memref_squeeze %dma_start3A_307 : memref<1x128xi32, #tpu.memory_space<vmem>> -> memref<128xi32, #tpu.memory_space<vmem>>
        %dma_start3A_309 = arith.constant 0 : i32
        %dma_start3A_310 = arith.constant 0 : i32
        %dma_start3A_311 = tpu.memref_slice %arg12[%dma_start3A_309, %dma_start3A_310] : memref<10112x128xf32, #tpu.memory_space<vmem_shared>> -> memref<10112x128xf32, #tpu.memory_space<vmem_shared>>
        tpu.enqueue_indirect_dma source(%arg11 : memref<128x128xf32, #tpu.memory_space<vmem>>) target(%dma_start3A_311 : memref<10112x128xf32, #tpu.memory_space<vmem_shared>>) offsets(%dma_start3A_308 : memref<128xi32, #tpu.memory_space<vmem>>) semaphore(%run_scoped3A_305 : memref<!tpu.dma_semaphore, #tpu.memory_space<semaphore_mem>>) {add = true}
        %dma_wait3A_312 = arith.constant 0 : i32
        %dma_wait3A_313 = tpu.memref_slice %arg7[%run_scoped3A_141, %dma_wait3A_312] : memref<8x128xi32, #tpu.memory_space<vmem>> -> memref<1x128xi32, #tpu.memory_space<vmem>>
        %dma_wait3A_314 = tpu.memref_squeeze %dma_wait3A_313 : memref<1x128xi32, #tpu.memory_space<vmem>> -> memref<128xi32, #tpu.memory_space<vmem>>
        %dma_wait3A_315 = arith.constant 0 : i32
        %dma_wait3A_316 = arith.constant 0 : i32
        %dma_wait3A_317 = tpu.memref_slice %arg12[%dma_wait3A_315, %dma_wait3A_316] : memref<10112x128xf32, #tpu.memory_space<vmem_shared>> -> memref<10112x128xf32, #tpu.memory_space<vmem_shared>>
        tpu.wait_indirect_dma semaphore(%run_scoped3A_305 : memref<!tpu.dma_semaphore, #tpu.memory_space<semaphore_mem>>) src(%arg11 : memref<128x128xf32, #tpu.memory_space<vmem>>) dst(%dma_wait3A_317 : memref<10112x128xf32, #tpu.memory_space<vmem_shared>>)
        tpu.yield
      }) : () -> ()
      %dma_start3A_142 = arith.constant 7 : i32
      %dma_start3A_143 = arith.constant 0 : i32
      %dma_start3A_144 = tpu.memref_slice %arg6[%dma_start3A_142, %dma_start3A_143] : memref<8x128xi32, #tpu.memory_space<vmem>> -> memref<1x128xi32, #tpu.memory_space<vmem>>
      %dma_start3A_145 = tpu.memref_squeeze %dma_start3A_144 : memref<1x128xi32, #tpu.memory_space<vmem>> -> memref<128xi32, #tpu.memory_space<vmem>>
      %dma_start3A_146 = arith.constant 0 : i32
      %dma_start3A_147 = arith.constant 0 : i32
      %dma_start3A_148 = tpu.memref_slice %arg2[%dma_start3A_146, %dma_start3A_147] : memref<20224x128xf32, #tpu.memory_space<hbm>> -> memref<20224x128xf32, #tpu.memory_space<hbm>>
      tpu.enqueue_indirect_dma source(%dma_start3A_148 : memref<20224x128xf32, #tpu.memory_space<hbm>>) target(%arg11 : memref<128x128xf32, #tpu.memory_space<vmem>>) offsets(%dma_start3A_145 : memref<128xi32, #tpu.memory_space<vmem>>) semaphore(%arg16 : memref<!tpu.dma_semaphore, #tpu.memory_space<semaphore_mem>>)
      %dma_wait3A_149 = arith.constant 0 : i32
      %dma_wait3A_150 = arith.constant 0 : i32
      %dma_wait3A_151 = tpu.memref_slice %arg6[%dma_wait3A_149, %dma_wait3A_150] : memref<8x128xi32, #tpu.memory_space<vmem>> -> memref<1x128xi32, #tpu.memory_space<vmem>>
      %dma_wait3A_152 = tpu.memref_squeeze %dma_wait3A_151 : memref<1x128xi32, #tpu.memory_space<vmem>> -> memref<128xi32, #tpu.memory_space<vmem>>
      %dma_wait3A_153 = arith.constant 0 : i32
      %dma_wait3A_154 = arith.constant 0 : i32
      %dma_wait3A_155 = tpu.memref_slice %arg2[%dma_wait3A_153, %dma_wait3A_154] : memref<20224x128xf32, #tpu.memory_space<hbm>> -> memref<20224x128xf32, #tpu.memory_space<hbm>>
      tpu.wait_indirect_dma semaphore(%arg15 : memref<!tpu.dma_semaphore, #tpu.memory_space<semaphore_mem>>) src(%dma_wait3A_155 : memref<20224x128xf32, #tpu.memory_space<hbm>>) dst(%arg10 : memref<128x128xf32, #tpu.memory_space<vmem>>)
      %run_scoped3A_156 = arith.constant 6 : i32
      "tpu.region"() ({
        %run_scoped3A_305 = tpu.sem_alloc : memref<!tpu.dma_semaphore, #tpu.memory_space<semaphore_mem>>
        %dma_start3A_306 = arith.constant 0 : i32
        %dma_start3A_307 = tpu.memref_slice %arg7[%run_scoped3A_156, %dma_start3A_306] : memref<8x128xi32, #tpu.memory_space<vmem>> -> memref<1x128xi32, #tpu.memory_space<vmem>>
        %dma_start3A_308 = tpu.memref_squeeze %dma_start3A_307 : memref<1x128xi32, #tpu.memory_space<vmem>> -> memref<128xi32, #tpu.memory_space<vmem>>
        %dma_start3A_309 = arith.constant 0 : i32
        %dma_start3A_310 = arith.constant 0 : i32
        %dma_start3A_311 = tpu.memref_slice %arg12[%dma_start3A_309, %dma_start3A_310] : memref<10112x128xf32, #tpu.memory_space<vmem_shared>> -> memref<10112x128xf32, #tpu.memory_space<vmem_shared>>
        tpu.enqueue_indirect_dma source(%arg10 : memref<128x128xf32, #tpu.memory_space<vmem>>) target(%dma_start3A_311 : memref<10112x128xf32, #tpu.memory_space<vmem_shared>>) offsets(%dma_start3A_308 : memref<128xi32, #tpu.memory_space<vmem>>) semaphore(%run_scoped3A_305 : memref<!tpu.dma_semaphore, #tpu.memory_space<semaphore_mem>>) {add = true}
        %dma_wait3A_312 = arith.constant 0 : i32
        %dma_wait3A_313 = tpu.memref_slice %arg7[%run_scoped3A_156, %dma_wait3A_312] : memref<8x128xi32, #tpu.memory_space<vmem>> -> memref<1x128xi32, #tpu.memory_space<vmem>>
        %dma_wait3A_314 = tpu.memref_squeeze %dma_wait3A_313 : memref<1x128xi32, #tpu.memory_space<vmem>> -> memref<128xi32, #tpu.memory_space<vmem>>
        %dma_wait3A_315 = arith.constant 0 : i32
        %dma_wait3A_316 = arith.constant 0 : i32
        %dma_wait3A_317 = tpu.memref_slice %arg12[%dma_wait3A_315, %dma_wait3A_316] : memref<10112x128xf32, #tpu.memory_space<vmem_shared>> -> memref<10112x128xf32, #tpu.memory_space<vmem_shared>>
        tpu.wait_indirect_dma semaphore(%run_scoped3A_305 : memref<!tpu.dma_semaphore, #tpu.memory_space<semaphore_mem>>) src(%arg10 : memref<128x128xf32, #tpu.memory_space<vmem>>) dst(%dma_wait3A_317 : memref<10112x128xf32, #tpu.memory_space<vmem_shared>>)
        tpu.yield
      }) : () -> ()
      %dma_wait3A_157 = arith.constant 0 : i32
      %dma_wait3A_158 = tpu.memref_slice %arg3[%mul3A_2, %dma_wait3A_157] : memref<5120x128xi32, #tpu.memory_space<hbm>> -> memref<8x128xi32, #tpu.memory_space<hbm>>
      %dma_wait3A_159 = arith.constant 0 : i32
      %dma_wait3A_160 = tpu.memref_slice %arg3[%mul3A_2, %dma_wait3A_159] : memref<5120x128xi32, #tpu.memory_space<hbm>> -> memref<8x128xi32, #tpu.memory_space<hbm>>
      tpu.wait_dma2 semaphore(%arg14 : memref<!tpu.dma_semaphore, #tpu.memory_space<semaphore_mem>>) src(%dma_wait3A_160 : memref<8x128xi32, #tpu.memory_space<hbm>>) dst(%arg8 : memref<8x128xi32, #tpu.memory_space<vmem>>)
      %dma_wait3A_161 = arith.constant 0 : i32
      %dma_wait3A_162 = tpu.memref_slice %arg4[%mul3A_4, %dma_wait3A_161] : memref<2560x128xi32, #tpu.memory_space<hbm>> -> memref<8x128xi32, #tpu.memory_space<hbm>>
      %dma_wait3A_163 = arith.constant 0 : i32
      %dma_wait3A_164 = tpu.memref_slice %arg4[%mul3A_4, %dma_wait3A_163] : memref<2560x128xi32, #tpu.memory_space<hbm>> -> memref<8x128xi32, #tpu.memory_space<hbm>>
      tpu.wait_dma2 semaphore(%arg14 : memref<!tpu.dma_semaphore, #tpu.memory_space<semaphore_mem>>) src(%dma_wait3A_164 : memref<8x128xi32, #tpu.memory_space<hbm>>) dst(%arg9 : memref<8x128xi32, #tpu.memory_space<vmem>>)
      %dma_start3A_165 = arith.constant 0 : i32
      %dma_start3A_166 = arith.constant 0 : i32
      %dma_start3A_167 = tpu.memref_slice %arg8[%dma_start3A_165, %dma_start3A_166] : memref<8x128xi32, #tpu.memory_space<vmem>> -> memref<1x128xi32, #tpu.memory_space<vmem>>
      %dma_start3A_168 = tpu.memref_squeeze %dma_start3A_167 : memref<1x128xi32, #tpu.memory_space<vmem>> -> memref<128xi32, #tpu.memory_space<vmem>>
      %dma_start3A_169 = arith.constant 0 : i32
      %dma_start3A_170 = arith.constant 0 : i32
      %dma_start3A_171 = tpu.memref_slice %arg2[%dma_start3A_169, %dma_start3A_170] : memref<20224x128xf32, #tpu.memory_space<hbm>> -> memref<20224x128xf32, #tpu.memory_space<hbm>>
      tpu.enqueue_indirect_dma source(%dma_start3A_171 : memref<20224x128xf32, #tpu.memory_space<hbm>>) target(%arg10 : memref<128x128xf32, #tpu.memory_space<vmem>>) offsets(%dma_start3A_168 : memref<128xi32, #tpu.memory_space<vmem>>) semaphore(%arg15 : memref<!tpu.dma_semaphore, #tpu.memory_space<semaphore_mem>>)
      %dma_wait3A_172 = arith.constant 0 : i32
      %dma_wait3A_173 = arith.constant 0 : i32
      %dma_wait3A_174 = tpu.memref_slice %arg6[%dma_wait3A_172, %dma_wait3A_173] : memref<8x128xi32, #tpu.memory_space<vmem>> -> memref<1x128xi32, #tpu.memory_space<vmem>>
      %dma_wait3A_175 = tpu.memref_squeeze %dma_wait3A_174 : memref<1x128xi32, #tpu.memory_space<vmem>> -> memref<128xi32, #tpu.memory_space<vmem>>
      %dma_wait3A_176 = arith.constant 0 : i32
      %dma_wait3A_177 = arith.constant 0 : i32
      %dma_wait3A_178 = tpu.memref_slice %arg2[%dma_wait3A_176, %dma_wait3A_177] : memref<20224x128xf32, #tpu.memory_space<hbm>> -> memref<20224x128xf32, #tpu.memory_space<hbm>>
      tpu.wait_indirect_dma semaphore(%arg16 : memref<!tpu.dma_semaphore, #tpu.memory_space<semaphore_mem>>) src(%dma_wait3A_178 : memref<20224x128xf32, #tpu.memory_space<hbm>>) dst(%arg11 : memref<128x128xf32, #tpu.memory_space<vmem>>)
      %run_scoped3A_179 = arith.constant 7 : i32
      "tpu.region"() ({
        %run_scoped3A_305 = tpu.sem_alloc : memref<!tpu.dma_semaphore, #tpu.memory_space<semaphore_mem>>
        %dma_start3A_306 = arith.constant 0 : i32
        %dma_start3A_307 = tpu.memref_slice %arg7[%run_scoped3A_179, %dma_start3A_306] : memref<8x128xi32, #tpu.memory_space<vmem>> -> memref<1x128xi32, #tpu.memory_space<vmem>>
        %dma_start3A_308 = tpu.memref_squeeze %dma_start3A_307 : memref<1x128xi32, #tpu.memory_space<vmem>> -> memref<128xi32, #tpu.memory_space<vmem>>
        %dma_start3A_309 = arith.constant 0 : i32
        %dma_start3A_310 = arith.constant 0 : i32
        %dma_start3A_311 = tpu.memref_slice %arg12[%dma_start3A_309, %dma_start3A_310] : memref<10112x128xf32, #tpu.memory_space<vmem_shared>> -> memref<10112x128xf32, #tpu.memory_space<vmem_shared>>
        tpu.enqueue_indirect_dma source(%arg11 : memref<128x128xf32, #tpu.memory_space<vmem>>) target(%dma_start3A_311 : memref<10112x128xf32, #tpu.memory_space<vmem_shared>>) offsets(%dma_start3A_308 : memref<128xi32, #tpu.memory_space<vmem>>) semaphore(%run_scoped3A_305 : memref<!tpu.dma_semaphore, #tpu.memory_space<semaphore_mem>>) {add = true}
        %dma_wait3A_312 = arith.constant 0 : i32
        %dma_wait3A_313 = tpu.memref_slice %arg7[%run_scoped3A_179, %dma_wait3A_312] : memref<8x128xi32, #tpu.memory_space<vmem>> -> memref<1x128xi32, #tpu.memory_space<vmem>>
        %dma_wait3A_314 = tpu.memref_squeeze %dma_wait3A_313 : memref<1x128xi32, #tpu.memory_space<vmem>> -> memref<128xi32, #tpu.memory_space<vmem>>
        %dma_wait3A_315 = arith.constant 0 : i32
        %dma_wait3A_316 = arith.constant 0 : i32
        %dma_wait3A_317 = tpu.memref_slice %arg12[%dma_wait3A_315, %dma_wait3A_316] : memref<10112x128xf32, #tpu.memory_space<vmem_shared>> -> memref<10112x128xf32, #tpu.memory_space<vmem_shared>>
        tpu.wait_indirect_dma semaphore(%run_scoped3A_305 : memref<!tpu.dma_semaphore, #tpu.memory_space<semaphore_mem>>) src(%arg11 : memref<128x128xf32, #tpu.memory_space<vmem>>) dst(%dma_wait3A_317 : memref<10112x128xf32, #tpu.memory_space<vmem_shared>>)
        tpu.yield
      }) : () -> ()
      %lt3A = arith.constant 9 : i32
      %lt3A_180 = arith.cmpi slt, %scan3A_52, %lt3A : i32
      %convert_element_type3A = arith.extui %lt3A_180 : i1 to i32
      %cond3A = arith.constant 0 : i32
      %cond3A_181 = arith.cmpi ne, %convert_element_type3A, %cond3A : i32
      scf.if %cond3A_181 {
        %mul3A_305 = arith.constant 2 : i32
        %mul3A_306 = arith.muli %mul3A_305, %scan3A_52 : i32
        %add3A_307 = arith.constant 2 : i32
        %add3A_308 = arith.addi %mul3A_306, %add3A_307 : i32
        %mul3A_309 = arith.constant 8 : i32
        %mul3A_310 = arith.muli %add3A_308, %mul3A_309 : i32
        %add3A_311 = arith.addi %mul3A_2, %mul3A_310 : i32
        %dma_start3A_312 = arith.constant 0 : i32
        %dma_start3A_313 = tpu.memref_slice %arg3[%add3A_311, %dma_start3A_312] : memref<5120x128xi32, #tpu.memory_space<hbm>> -> memref<8x128xi32, #tpu.memory_space<hbm>>
        %dma_start3A_314 = arith.constant 0 : i32
        %dma_start3A_315 = tpu.memref_slice %arg3[%add3A_311, %dma_start3A_314] : memref<5120x128xi32, #tpu.memory_space<hbm>> -> memref<8x128xi32, #tpu.memory_space<hbm>>
        tpu.enqueue_dma source(%dma_start3A_315 : memref<8x128xi32, #tpu.memory_space<hbm>>) target(%arg6 : memref<8x128xi32, #tpu.memory_space<vmem>>) target_semaphore(%arg13 : memref<!tpu.dma_semaphore, #tpu.memory_space<semaphore_mem>>)
        %add3A_316 = arith.addi %mul3A_4, %mul3A_310 : i32
        %dma_start3A_317 = arith.constant 0 : i32
        %dma_start3A_318 = tpu.memref_slice %arg4[%add3A_316, %dma_start3A_317] : memref<2560x128xi32, #tpu.memory_space<hbm>> -> memref<8x128xi32, #tpu.memory_space<hbm>>
        %dma_start3A_319 = arith.constant 0 : i32
        %dma_start3A_320 = tpu.memref_slice %arg4[%add3A_316, %dma_start3A_319] : memref<2560x128xi32, #tpu.memory_space<hbm>> -> memref<8x128xi32, #tpu.memory_space<hbm>>
        tpu.enqueue_dma source(%dma_start3A_320 : memref<8x128xi32, #tpu.memory_space<hbm>>) target(%arg7 : memref<8x128xi32, #tpu.memory_space<vmem>>) target_semaphore(%arg13 : memref<!tpu.dma_semaphore, #tpu.memory_space<semaphore_mem>>)
      } else {
      }
      %dma_start3A_182 = arith.constant 1 : i32
      %dma_start3A_183 = arith.constant 0 : i32
      %dma_start3A_184 = tpu.memref_slice %arg8[%dma_start3A_182, %dma_start3A_183] : memref<8x128xi32, #tpu.memory_space<vmem>> -> memref<1x128xi32, #tpu.memory_space<vmem>>
      %dma_start3A_185 = tpu.memref_squeeze %dma_start3A_184 : memref<1x128xi32, #tpu.memory_space<vmem>> -> memref<128xi32, #tpu.memory_space<vmem>>
      %dma_start3A_186 = arith.constant 0 : i32
      %dma_start3A_187 = arith.constant 0 : i32
      %dma_start3A_188 = tpu.memref_slice %arg2[%dma_start3A_186, %dma_start3A_187] : memref<20224x128xf32, #tpu.memory_space<hbm>> -> memref<20224x128xf32, #tpu.memory_space<hbm>>
      tpu.enqueue_indirect_dma source(%dma_start3A_188 : memref<20224x128xf32, #tpu.memory_space<hbm>>) target(%arg11 : memref<128x128xf32, #tpu.memory_space<vmem>>) offsets(%dma_start3A_185 : memref<128xi32, #tpu.memory_space<vmem>>) semaphore(%arg16 : memref<!tpu.dma_semaphore, #tpu.memory_space<semaphore_mem>>)
      %dma_wait3A_189 = arith.constant 0 : i32
      %dma_wait3A_190 = arith.constant 0 : i32
      %dma_wait3A_191 = tpu.memref_slice %arg6[%dma_wait3A_189, %dma_wait3A_190] : memref<8x128xi32, #tpu.memory_space<vmem>> -> memref<1x128xi32, #tpu.memory_space<vmem>>
      %dma_wait3A_192 = tpu.memref_squeeze %dma_wait3A_191 : memref<1x128xi32, #tpu.memory_space<vmem>> -> memref<128xi32, #tpu.memory_space<vmem>>
      %dma_wait3A_193 = arith.constant 0 : i32
      %dma_wait3A_194 = arith.constant 0 : i32
      %dma_wait3A_195 = tpu.memref_slice %arg2[%dma_wait3A_193, %dma_wait3A_194] : memref<20224x128xf32, #tpu.memory_space<hbm>> -> memref<20224x128xf32, #tpu.memory_space<hbm>>
      tpu.wait_indirect_dma semaphore(%arg15 : memref<!tpu.dma_semaphore, #tpu.memory_space<semaphore_mem>>) src(%dma_wait3A_195 : memref<20224x128xf32, #tpu.memory_space<hbm>>) dst(%arg10 : memref<128x128xf32, #tpu.memory_space<vmem>>)
      %run_scoped3A_196 = arith.constant 0 : i32
      "tpu.region"() ({
        %run_scoped3A_305 = tpu.sem_alloc : memref<!tpu.dma_semaphore, #tpu.memory_space<semaphore_mem>>
        %dma_start3A_306 = arith.constant 0 : i32
        %dma_start3A_307 = tpu.memref_slice %arg9[%run_scoped3A_196, %dma_start3A_306] : memref<8x128xi32, #tpu.memory_space<vmem>> -> memref<1x128xi32, #tpu.memory_space<vmem>>
        %dma_start3A_308 = tpu.memref_squeeze %dma_start3A_307 : memref<1x128xi32, #tpu.memory_space<vmem>> -> memref<128xi32, #tpu.memory_space<vmem>>
        %dma_start3A_309 = arith.constant 0 : i32
        %dma_start3A_310 = arith.constant 0 : i32
        %dma_start3A_311 = tpu.memref_slice %arg12[%dma_start3A_309, %dma_start3A_310] : memref<10112x128xf32, #tpu.memory_space<vmem_shared>> -> memref<10112x128xf32, #tpu.memory_space<vmem_shared>>
        tpu.enqueue_indirect_dma source(%arg10 : memref<128x128xf32, #tpu.memory_space<vmem>>) target(%dma_start3A_311 : memref<10112x128xf32, #tpu.memory_space<vmem_shared>>) offsets(%dma_start3A_308 : memref<128xi32, #tpu.memory_space<vmem>>) semaphore(%run_scoped3A_305 : memref<!tpu.dma_semaphore, #tpu.memory_space<semaphore_mem>>) {add = true}
        %dma_wait3A_312 = arith.constant 0 : i32
        %dma_wait3A_313 = tpu.memref_slice %arg9[%run_scoped3A_196, %dma_wait3A_312] : memref<8x128xi32, #tpu.memory_space<vmem>> -> memref<1x128xi32, #tpu.memory_space<vmem>>
        %dma_wait3A_314 = tpu.memref_squeeze %dma_wait3A_313 : memref<1x128xi32, #tpu.memory_space<vmem>> -> memref<128xi32, #tpu.memory_space<vmem>>
        %dma_wait3A_315 = arith.constant 0 : i32
        %dma_wait3A_316 = arith.constant 0 : i32
        %dma_wait3A_317 = tpu.memref_slice %arg12[%dma_wait3A_315, %dma_wait3A_316] : memref<10112x128xf32, #tpu.memory_space<vmem_shared>> -> memref<10112x128xf32, #tpu.memory_space<vmem_shared>>
        tpu.wait_indirect_dma semaphore(%run_scoped3A_305 : memref<!tpu.dma_semaphore, #tpu.memory_space<semaphore_mem>>) src(%arg10 : memref<128x128xf32, #tpu.memory_space<vmem>>) dst(%dma_wait3A_317 : memref<10112x128xf32, #tpu.memory_space<vmem_shared>>)
        tpu.yield
      }) : () -> ()
      %dma_start3A_197 = arith.constant 2 : i32
      %dma_start3A_198 = arith.constant 0 : i32
      %dma_start3A_199 = tpu.memref_slice %arg8[%dma_start3A_197, %dma_start3A_198] : memref<8x128xi32, #tpu.memory_space<vmem>> -> memref<1x128xi32, #tpu.memory_space<vmem>>
      %dma_start3A_200 = tpu.memref_squeeze %dma_start3A_199 : memref<1x128xi32, #tpu.memory_space<vmem>> -> memref<128xi32, #tpu.memory_space<vmem>>
      %dma_start3A_201 = arith.constant 0 : i32
      %dma_start3A_202 = arith.constant 0 : i32
      %dma_start3A_203 = tpu.memref_slice %arg2[%dma_start3A_201, %dma_start3A_202] : memref<20224x128xf32, #tpu.memory_space<hbm>> -> memref<20224x128xf32, #tpu.memory_space<hbm>>
      tpu.enqueue_indirect_dma source(%dma_start3A_203 : memref<20224x128xf32, #tpu.memory_space<hbm>>) target(%arg10 : memref<128x128xf32, #tpu.memory_space<vmem>>) offsets(%dma_start3A_200 : memref<128xi32, #tpu.memory_space<vmem>>) semaphore(%arg15 : memref<!tpu.dma_semaphore, #tpu.memory_space<semaphore_mem>>)
      %dma_wait3A_204 = arith.constant 0 : i32
      %dma_wait3A_205 = arith.constant 0 : i32
      %dma_wait3A_206 = tpu.memref_slice %arg6[%dma_wait3A_204, %dma_wait3A_205] : memref<8x128xi32, #tpu.memory_space<vmem>> -> memref<1x128xi32, #tpu.memory_space<vmem>>
      %dma_wait3A_207 = tpu.memref_squeeze %dma_wait3A_206 : memref<1x128xi32, #tpu.memory_space<vmem>> -> memref<128xi32, #tpu.memory_space<vmem>>
      %dma_wait3A_208 = arith.constant 0 : i32
      %dma_wait3A_209 = arith.constant 0 : i32
      %dma_wait3A_210 = tpu.memref_slice %arg2[%dma_wait3A_208, %dma_wait3A_209] : memref<20224x128xf32, #tpu.memory_space<hbm>> -> memref<20224x128xf32, #tpu.memory_space<hbm>>
      tpu.wait_indirect_dma semaphore(%arg16 : memref<!tpu.dma_semaphore, #tpu.memory_space<semaphore_mem>>) src(%dma_wait3A_210 : memref<20224x128xf32, #tpu.memory_space<hbm>>) dst(%arg11 : memref<128x128xf32, #tpu.memory_space<vmem>>)
      %run_scoped3A_211 = arith.constant 1 : i32
      "tpu.region"() ({
        %run_scoped3A_305 = tpu.sem_alloc : memref<!tpu.dma_semaphore, #tpu.memory_space<semaphore_mem>>
        %dma_start3A_306 = arith.constant 0 : i32
        %dma_start3A_307 = tpu.memref_slice %arg9[%run_scoped3A_211, %dma_start3A_306] : memref<8x128xi32, #tpu.memory_space<vmem>> -> memref<1x128xi32, #tpu.memory_space<vmem>>
        %dma_start3A_308 = tpu.memref_squeeze %dma_start3A_307 : memref<1x128xi32, #tpu.memory_space<vmem>> -> memref<128xi32, #tpu.memory_space<vmem>>
        %dma_start3A_309 = arith.constant 0 : i32
        %dma_start3A_310 = arith.constant 0 : i32
        %dma_start3A_311 = tpu.memref_slice %arg12[%dma_start3A_309, %dma_start3A_310] : memref<10112x128xf32, #tpu.memory_space<vmem_shared>> -> memref<10112x128xf32, #tpu.memory_space<vmem_shared>>
        tpu.enqueue_indirect_dma source(%arg11 : memref<128x128xf32, #tpu.memory_space<vmem>>) target(%dma_start3A_311 : memref<10112x128xf32, #tpu.memory_space<vmem_shared>>) offsets(%dma_start3A_308 : memref<128xi32, #tpu.memory_space<vmem>>) semaphore(%run_scoped3A_305 : memref<!tpu.dma_semaphore, #tpu.memory_space<semaphore_mem>>) {add = true}
        %dma_wait3A_312 = arith.constant 0 : i32
        %dma_wait3A_313 = tpu.memref_slice %arg9[%run_scoped3A_211, %dma_wait3A_312] : memref<8x128xi32, #tpu.memory_space<vmem>> -> memref<1x128xi32, #tpu.memory_space<vmem>>
        %dma_wait3A_314 = tpu.memref_squeeze %dma_wait3A_313 : memref<1x128xi32, #tpu.memory_space<vmem>> -> memref<128xi32, #tpu.memory_space<vmem>>
        %dma_wait3A_315 = arith.constant 0 : i32
        %dma_wait3A_316 = arith.constant 0 : i32
        %dma_wait3A_317 = tpu.memref_slice %arg12[%dma_wait3A_315, %dma_wait3A_316] : memref<10112x128xf32, #tpu.memory_space<vmem_shared>> -> memref<10112x128xf32, #tpu.memory_space<vmem_shared>>
        tpu.wait_indirect_dma semaphore(%run_scoped3A_305 : memref<!tpu.dma_semaphore, #tpu.memory_space<semaphore_mem>>) src(%arg11 : memref<128x128xf32, #tpu.memory_space<vmem>>) dst(%dma_wait3A_317 : memref<10112x128xf32, #tpu.memory_space<vmem_shared>>)
        tpu.yield
      }) : () -> ()
      %dma_start3A_212 = arith.constant 3 : i32
      %dma_start3A_213 = arith.constant 0 : i32
      %dma_start3A_214 = tpu.memref_slice %arg8[%dma_start3A_212, %dma_start3A_213] : memref<8x128xi32, #tpu.memory_space<vmem>> -> memref<1x128xi32, #tpu.memory_space<vmem>>
      %dma_start3A_215 = tpu.memref_squeeze %dma_start3A_214 : memref<1x128xi32, #tpu.memory_space<vmem>> -> memref<128xi32, #tpu.memory_space<vmem>>
      %dma_start3A_216 = arith.constant 0 : i32
      %dma_start3A_217 = arith.constant 0 : i32
      %dma_start3A_218 = tpu.memref_slice %arg2[%dma_start3A_216, %dma_start3A_217] : memref<20224x128xf32, #tpu.memory_space<hbm>> -> memref<20224x128xf32, #tpu.memory_space<hbm>>
      tpu.enqueue_indirect_dma source(%dma_start3A_218 : memref<20224x128xf32, #tpu.memory_space<hbm>>) target(%arg11 : memref<128x128xf32, #tpu.memory_space<vmem>>) offsets(%dma_start3A_215 : memref<128xi32, #tpu.memory_space<vmem>>) semaphore(%arg16 : memref<!tpu.dma_semaphore, #tpu.memory_space<semaphore_mem>>)
      %dma_wait3A_219 = arith.constant 0 : i32
      %dma_wait3A_220 = arith.constant 0 : i32
      %dma_wait3A_221 = tpu.memref_slice %arg6[%dma_wait3A_219, %dma_wait3A_220] : memref<8x128xi32, #tpu.memory_space<vmem>> -> memref<1x128xi32, #tpu.memory_space<vmem>>
      %dma_wait3A_222 = tpu.memref_squeeze %dma_wait3A_221 : memref<1x128xi32, #tpu.memory_space<vmem>> -> memref<128xi32, #tpu.memory_space<vmem>>
      %dma_wait3A_223 = arith.constant 0 : i32
      %dma_wait3A_224 = arith.constant 0 : i32
      %dma_wait3A_225 = tpu.memref_slice %arg2[%dma_wait3A_223, %dma_wait3A_224] : memref<20224x128xf32, #tpu.memory_space<hbm>> -> memref<20224x128xf32, #tpu.memory_space<hbm>>
      tpu.wait_indirect_dma semaphore(%arg15 : memref<!tpu.dma_semaphore, #tpu.memory_space<semaphore_mem>>) src(%dma_wait3A_225 : memref<20224x128xf32, #tpu.memory_space<hbm>>) dst(%arg10 : memref<128x128xf32, #tpu.memory_space<vmem>>)
      %run_scoped3A_226 = arith.constant 2 : i32
      "tpu.region"() ({
        %run_scoped3A_305 = tpu.sem_alloc : memref<!tpu.dma_semaphore, #tpu.memory_space<semaphore_mem>>
        %dma_start3A_306 = arith.constant 0 : i32
        %dma_start3A_307 = tpu.memref_slice %arg9[%run_scoped3A_226, %dma_start3A_306] : memref<8x128xi32, #tpu.memory_space<vmem>> -> memref<1x128xi32, #tpu.memory_space<vmem>>
        %dma_start3A_308 = tpu.memref_squeeze %dma_start3A_307 : memref<1x128xi32, #tpu.memory_space<vmem>> -> memref<128xi32, #tpu.memory_space<vmem>>
        %dma_start3A_309 = arith.constant 0 : i32
        %dma_start3A_310 = arith.constant 0 : i32
        %dma_start3A_311 = tpu.memref_slice %arg12[%dma_start3A_309, %dma_start3A_310] : memref<10112x128xf32, #tpu.memory_space<vmem_shared>> -> memref<10112x128xf32, #tpu.memory_space<vmem_shared>>
        tpu.enqueue_indirect_dma source(%arg10 : memref<128x128xf32, #tpu.memory_space<vmem>>) target(%dma_start3A_311 : memref<10112x128xf32, #tpu.memory_space<vmem_shared>>) offsets(%dma_start3A_308 : memref<128xi32, #tpu.memory_space<vmem>>) semaphore(%run_scoped3A_305 : memref<!tpu.dma_semaphore, #tpu.memory_space<semaphore_mem>>) {add = true}
        %dma_wait3A_312 = arith.constant 0 : i32
        %dma_wait3A_313 = tpu.memref_slice %arg9[%run_scoped3A_226, %dma_wait3A_312] : memref<8x128xi32, #tpu.memory_space<vmem>> -> memref<1x128xi32, #tpu.memory_space<vmem>>
        %dma_wait3A_314 = tpu.memref_squeeze %dma_wait3A_313 : memref<1x128xi32, #tpu.memory_space<vmem>> -> memref<128xi32, #tpu.memory_space<vmem>>
        %dma_wait3A_315 = arith.constant 0 : i32
        %dma_wait3A_316 = arith.constant 0 : i32
        %dma_wait3A_317 = tpu.memref_slice %arg12[%dma_wait3A_315, %dma_wait3A_316] : memref<10112x128xf32, #tpu.memory_space<vmem_shared>> -> memref<10112x128xf32, #tpu.memory_space<vmem_shared>>
        tpu.wait_indirect_dma semaphore(%run_scoped3A_305 : memref<!tpu.dma_semaphore, #tpu.memory_space<semaphore_mem>>) src(%arg10 : memref<128x128xf32, #tpu.memory_space<vmem>>) dst(%dma_wait3A_317 : memref<10112x128xf32, #tpu.memory_space<vmem_shared>>)
        tpu.yield
      }) : () -> ()
      %dma_start3A_227 = arith.constant 4 : i32
      %dma_start3A_228 = arith.constant 0 : i32
      %dma_start3A_229 = tpu.memref_slice %arg8[%dma_start3A_227, %dma_start3A_228] : memref<8x128xi32, #tpu.memory_space<vmem>> -> memref<1x128xi32, #tpu.memory_space<vmem>>
      %dma_start3A_230 = tpu.memref_squeeze %dma_start3A_229 : memref<1x128xi32, #tpu.memory_space<vmem>> -> memref<128xi32, #tpu.memory_space<vmem>>
      %dma_start3A_231 = arith.constant 0 : i32
      %dma_start3A_232 = arith.constant 0 : i32
      %dma_start3A_233 = tpu.memref_slice %arg2[%dma_start3A_231, %dma_start3A_232] : memref<20224x128xf32, #tpu.memory_space<hbm>> -> memref<20224x128xf32, #tpu.memory_space<hbm>>
      tpu.enqueue_indirect_dma source(%dma_start3A_233 : memref<20224x128xf32, #tpu.memory_space<hbm>>) target(%arg10 : memref<128x128xf32, #tpu.memory_space<vmem>>) offsets(%dma_start3A_230 : memref<128xi32, #tpu.memory_space<vmem>>) semaphore(%arg15 : memref<!tpu.dma_semaphore, #tpu.memory_space<semaphore_mem>>)
      %dma_wait3A_234 = arith.constant 0 : i32
      %dma_wait3A_235 = arith.constant 0 : i32
      %dma_wait3A_236 = tpu.memref_slice %arg6[%dma_wait3A_234, %dma_wait3A_235] : memref<8x128xi32, #tpu.memory_space<vmem>> -> memref<1x128xi32, #tpu.memory_space<vmem>>
      %dma_wait3A_237 = tpu.memref_squeeze %dma_wait3A_236 : memref<1x128xi32, #tpu.memory_space<vmem>> -> memref<128xi32, #tpu.memory_space<vmem>>
      %dma_wait3A_238 = arith.constant 0 : i32
      %dma_wait3A_239 = arith.constant 0 : i32
      %dma_wait3A_240 = tpu.memref_slice %arg2[%dma_wait3A_238, %dma_wait3A_239] : memref<20224x128xf32, #tpu.memory_space<hbm>> -> memref<20224x128xf32, #tpu.memory_space<hbm>>
      tpu.wait_indirect_dma semaphore(%arg16 : memref<!tpu.dma_semaphore, #tpu.memory_space<semaphore_mem>>) src(%dma_wait3A_240 : memref<20224x128xf32, #tpu.memory_space<hbm>>) dst(%arg11 : memref<128x128xf32, #tpu.memory_space<vmem>>)
      %run_scoped3A_241 = arith.constant 3 : i32
      "tpu.region"() ({
        %run_scoped3A_305 = tpu.sem_alloc : memref<!tpu.dma_semaphore, #tpu.memory_space<semaphore_mem>>
        %dma_start3A_306 = arith.constant 0 : i32
        %dma_start3A_307 = tpu.memref_slice %arg9[%run_scoped3A_241, %dma_start3A_306] : memref<8x128xi32, #tpu.memory_space<vmem>> -> memref<1x128xi32, #tpu.memory_space<vmem>>
        %dma_start3A_308 = tpu.memref_squeeze %dma_start3A_307 : memref<1x128xi32, #tpu.memory_space<vmem>> -> memref<128xi32, #tpu.memory_space<vmem>>
        %dma_start3A_309 = arith.constant 0 : i32
        %dma_start3A_310 = arith.constant 0 : i32
        %dma_start3A_311 = tpu.memref_slice %arg12[%dma_start3A_309, %dma_start3A_310] : memref<10112x128xf32, #tpu.memory_space<vmem_shared>> -> memref<10112x128xf32, #tpu.memory_space<vmem_shared>>
        tpu.enqueue_indirect_dma source(%arg11 : memref<128x128xf32, #tpu.memory_space<vmem>>) target(%dma_start3A_311 : memref<10112x128xf32, #tpu.memory_space<vmem_shared>>) offsets(%dma_start3A_308 : memref<128xi32, #tpu.memory_space<vmem>>) semaphore(%run_scoped3A_305 : memref<!tpu.dma_semaphore, #tpu.memory_space<semaphore_mem>>) {add = true}
        %dma_wait3A_312 = arith.constant 0 : i32
        %dma_wait3A_313 = tpu.memref_slice %arg9[%run_scoped3A_241, %dma_wait3A_312] : memref<8x128xi32, #tpu.memory_space<vmem>> -> memref<1x128xi32, #tpu.memory_space<vmem>>
        %dma_wait3A_314 = tpu.memref_squeeze %dma_wait3A_313 : memref<1x128xi32, #tpu.memory_space<vmem>> -> memref<128xi32, #tpu.memory_space<vmem>>
        %dma_wait3A_315 = arith.constant 0 : i32
        %dma_wait3A_316 = arith.constant 0 : i32
        %dma_wait3A_317 = tpu.memref_slice %arg12[%dma_wait3A_315, %dma_wait3A_316] : memref<10112x128xf32, #tpu.memory_space<vmem_shared>> -> memref<10112x128xf32, #tpu.memory_space<vmem_shared>>
        tpu.wait_indirect_dma semaphore(%run_scoped3A_305 : memref<!tpu.dma_semaphore, #tpu.memory_space<semaphore_mem>>) src(%arg11 : memref<128x128xf32, #tpu.memory_space<vmem>>) dst(%dma_wait3A_317 : memref<10112x128xf32, #tpu.memory_space<vmem_shared>>)
        tpu.yield
      }) : () -> ()
      %dma_start3A_242 = arith.constant 5 : i32
      %dma_start3A_243 = arith.constant 0 : i32
      %dma_start3A_244 = tpu.memref_slice %arg8[%dma_start3A_242, %dma_start3A_243] : memref<8x128xi32, #tpu.memory_space<vmem>> -> memref<1x128xi32, #tpu.memory_space<vmem>>
      %dma_start3A_245 = tpu.memref_squeeze %dma_start3A_244 : memref<1x128xi32, #tpu.memory_space<vmem>> -> memref<128xi32, #tpu.memory_space<vmem>>
      %dma_start3A_246 = arith.constant 0 : i32
      %dma_start3A_247 = arith.constant 0 : i32
      %dma_start3A_248 = tpu.memref_slice %arg2[%dma_start3A_246, %dma_start3A_247] : memref<20224x128xf32, #tpu.memory_space<hbm>> -> memref<20224x128xf32, #tpu.memory_space<hbm>>
      tpu.enqueue_indirect_dma source(%dma_start3A_248 : memref<20224x128xf32, #tpu.memory_space<hbm>>) target(%arg11 : memref<128x128xf32, #tpu.memory_space<vmem>>) offsets(%dma_start3A_245 : memref<128xi32, #tpu.memory_space<vmem>>) semaphore(%arg16 : memref<!tpu.dma_semaphore, #tpu.memory_space<semaphore_mem>>)
      %dma_wait3A_249 = arith.constant 0 : i32
      %dma_wait3A_250 = arith.constant 0 : i32
      %dma_wait3A_251 = tpu.memref_slice %arg6[%dma_wait3A_249, %dma_wait3A_250] : memref<8x128xi32, #tpu.memory_space<vmem>> -> memref<1x128xi32, #tpu.memory_space<vmem>>
      %dma_wait3A_252 = tpu.memref_squeeze %dma_wait3A_251 : memref<1x128xi32, #tpu.memory_space<vmem>> -> memref<128xi32, #tpu.memory_space<vmem>>
      %dma_wait3A_253 = arith.constant 0 : i32
      %dma_wait3A_254 = arith.constant 0 : i32
      %dma_wait3A_255 = tpu.memref_slice %arg2[%dma_wait3A_253, %dma_wait3A_254] : memref<20224x128xf32, #tpu.memory_space<hbm>> -> memref<20224x128xf32, #tpu.memory_space<hbm>>
      tpu.wait_indirect_dma semaphore(%arg15 : memref<!tpu.dma_semaphore, #tpu.memory_space<semaphore_mem>>) src(%dma_wait3A_255 : memref<20224x128xf32, #tpu.memory_space<hbm>>) dst(%arg10 : memref<128x128xf32, #tpu.memory_space<vmem>>)
      %run_scoped3A_256 = arith.constant 4 : i32
      "tpu.region"() ({
        %run_scoped3A_305 = tpu.sem_alloc : memref<!tpu.dma_semaphore, #tpu.memory_space<semaphore_mem>>
        %dma_start3A_306 = arith.constant 0 : i32
        %dma_start3A_307 = tpu.memref_slice %arg9[%run_scoped3A_256, %dma_start3A_306] : memref<8x128xi32, #tpu.memory_space<vmem>> -> memref<1x128xi32, #tpu.memory_space<vmem>>
        %dma_start3A_308 = tpu.memref_squeeze %dma_start3A_307 : memref<1x128xi32, #tpu.memory_space<vmem>> -> memref<128xi32, #tpu.memory_space<vmem>>
        %dma_start3A_309 = arith.constant 0 : i32
        %dma_start3A_310 = arith.constant 0 : i32
        %dma_start3A_311 = tpu.memref_slice %arg12[%dma_start3A_309, %dma_start3A_310] : memref<10112x128xf32, #tpu.memory_space<vmem_shared>> -> memref<10112x128xf32, #tpu.memory_space<vmem_shared>>
        tpu.enqueue_indirect_dma source(%arg10 : memref<128x128xf32, #tpu.memory_space<vmem>>) target(%dma_start3A_311 : memref<10112x128xf32, #tpu.memory_space<vmem_shared>>) offsets(%dma_start3A_308 : memref<128xi32, #tpu.memory_space<vmem>>) semaphore(%run_scoped3A_305 : memref<!tpu.dma_semaphore, #tpu.memory_space<semaphore_mem>>) {add = true}
        %dma_wait3A_312 = arith.constant 0 : i32
        %dma_wait3A_313 = tpu.memref_slice %arg9[%run_scoped3A_256, %dma_wait3A_312] : memref<8x128xi32, #tpu.memory_space<vmem>> -> memref<1x128xi32, #tpu.memory_space<vmem>>
        %dma_wait3A_314 = tpu.memref_squeeze %dma_wait3A_313 : memref<1x128xi32, #tpu.memory_space<vmem>> -> memref<128xi32, #tpu.memory_space<vmem>>
        %dma_wait3A_315 = arith.constant 0 : i32
        %dma_wait3A_316 = arith.constant 0 : i32
        %dma_wait3A_317 = tpu.memref_slice %arg12[%dma_wait3A_315, %dma_wait3A_316] : memref<10112x128xf32, #tpu.memory_space<vmem_shared>> -> memref<10112x128xf32, #tpu.memory_space<vmem_shared>>
        tpu.wait_indirect_dma semaphore(%run_scoped3A_305 : memref<!tpu.dma_semaphore, #tpu.memory_space<semaphore_mem>>) src(%arg10 : memref<128x128xf32, #tpu.memory_space<vmem>>) dst(%dma_wait3A_317 : memref<10112x128xf32, #tpu.memory_space<vmem_shared>>)
        tpu.yield
      }) : () -> ()
      %dma_start3A_257 = arith.constant 6 : i32
      %dma_start3A_258 = arith.constant 0 : i32
      %dma_start3A_259 = tpu.memref_slice %arg8[%dma_start3A_257, %dma_start3A_258] : memref<8x128xi32, #tpu.memory_space<vmem>> -> memref<1x128xi32, #tpu.memory_space<vmem>>
      %dma_start3A_260 = tpu.memref_squeeze %dma_start3A_259 : memref<1x128xi32, #tpu.memory_space<vmem>> -> memref<128xi32, #tpu.memory_space<vmem>>
      %dma_start3A_261 = arith.constant 0 : i32
      %dma_start3A_262 = arith.constant 0 : i32
      %dma_start3A_263 = tpu.memref_slice %arg2[%dma_start3A_261, %dma_start3A_262] : memref<20224x128xf32, #tpu.memory_space<hbm>> -> memref<20224x128xf32, #tpu.memory_space<hbm>>
      tpu.enqueue_indirect_dma source(%dma_start3A_263 : memref<20224x128xf32, #tpu.memory_space<hbm>>) target(%arg10 : memref<128x128xf32, #tpu.memory_space<vmem>>) offsets(%dma_start3A_260 : memref<128xi32, #tpu.memory_space<vmem>>) semaphore(%arg15 : memref<!tpu.dma_semaphore, #tpu.memory_space<semaphore_mem>>)
      %dma_wait3A_264 = arith.constant 0 : i32
      %dma_wait3A_265 = arith.constant 0 : i32
      %dma_wait3A_266 = tpu.memref_slice %arg6[%dma_wait3A_264, %dma_wait3A_265] : memref<8x128xi32, #tpu.memory_space<vmem>> -> memref<1x128xi32, #tpu.memory_space<vmem>>
      %dma_wait3A_267 = tpu.memref_squeeze %dma_wait3A_266 : memref<1x128xi32, #tpu.memory_space<vmem>> -> memref<128xi32, #tpu.memory_space<vmem>>
      %dma_wait3A_268 = arith.constant 0 : i32
      %dma_wait3A_269 = arith.constant 0 : i32
      %dma_wait3A_270 = tpu.memref_slice %arg2[%dma_wait3A_268, %dma_wait3A_269] : memref<20224x128xf32, #tpu.memory_space<hbm>> -> memref<20224x128xf32, #tpu.memory_space<hbm>>
      tpu.wait_indirect_dma semaphore(%arg16 : memref<!tpu.dma_semaphore, #tpu.memory_space<semaphore_mem>>) src(%dma_wait3A_270 : memref<20224x128xf32, #tpu.memory_space<hbm>>) dst(%arg11 : memref<128x128xf32, #tpu.memory_space<vmem>>)
      %run_scoped3A_271 = arith.constant 5 : i32
      "tpu.region"() ({
        %run_scoped3A_305 = tpu.sem_alloc : memref<!tpu.dma_semaphore, #tpu.memory_space<semaphore_mem>>
        %dma_start3A_306 = arith.constant 0 : i32
        %dma_start3A_307 = tpu.memref_slice %arg9[%run_scoped3A_271, %dma_start3A_306] : memref<8x128xi32, #tpu.memory_space<vmem>> -> memref<1x128xi32, #tpu.memory_space<vmem>>
        %dma_start3A_308 = tpu.memref_squeeze %dma_start3A_307 : memref<1x128xi32, #tpu.memory_space<vmem>> -> memref<128xi32, #tpu.memory_space<vmem>>
        %dma_start3A_309 = arith.constant 0 : i32
        %dma_start3A_310 = arith.constant 0 : i32
        %dma_start3A_311 = tpu.memref_slice %arg12[%dma_start3A_309, %dma_start3A_310] : memref<10112x128xf32, #tpu.memory_space<vmem_shared>> -> memref<10112x128xf32, #tpu.memory_space<vmem_shared>>
        tpu.enqueue_indirect_dma source(%arg11 : memref<128x128xf32, #tpu.memory_space<vmem>>) target(%dma_start3A_311 : memref<10112x128xf32, #tpu.memory_space<vmem_shared>>) offsets(%dma_start3A_308 : memref<128xi32, #tpu.memory_space<vmem>>) semaphore(%run_scoped3A_305 : memref<!tpu.dma_semaphore, #tpu.memory_space<semaphore_mem>>) {add = true}
        %dma_wait3A_312 = arith.constant 0 : i32
        %dma_wait3A_313 = tpu.memref_slice %arg9[%run_scoped3A_271, %dma_wait3A_312] : memref<8x128xi32, #tpu.memory_space<vmem>> -> memref<1x128xi32, #tpu.memory_space<vmem>>
        %dma_wait3A_314 = tpu.memref_squeeze %dma_wait3A_313 : memref<1x128xi32, #tpu.memory_space<vmem>> -> memref<128xi32, #tpu.memory_space<vmem>>
        %dma_wait3A_315 = arith.constant 0 : i32
        %dma_wait3A_316 = arith.constant 0 : i32
        %dma_wait3A_317 = tpu.memref_slice %arg12[%dma_wait3A_315, %dma_wait3A_316] : memref<10112x128xf32, #tpu.memory_space<vmem_shared>> -> memref<10112x128xf32, #tpu.memory_space<vmem_shared>>
        tpu.wait_indirect_dma semaphore(%run_scoped3A_305 : memref<!tpu.dma_semaphore, #tpu.memory_space<semaphore_mem>>) src(%arg11 : memref<128x128xf32, #tpu.memory_space<vmem>>) dst(%dma_wait3A_317 : memref<10112x128xf32, #tpu.memory_space<vmem_shared>>)
        tpu.yield
      }) : () -> ()
      %dma_start3A_272 = arith.constant 7 : i32
      %dma_start3A_273 = arith.constant 0 : i32
      %dma_start3A_274 = tpu.memref_slice %arg8[%dma_start3A_272, %dma_start3A_273] : memref<8x128xi32, #tpu.memory_space<vmem>> -> memref<1x128xi32, #tpu.memory_space<vmem>>
      %dma_start3A_275 = tpu.memref_squeeze %dma_start3A_274 : memref<1x128xi32, #tpu.memory_space<vmem>> -> memref<128xi32, #tpu.memory_space<vmem>>
      %dma_start3A_276 = arith.constant 0 : i32
      %dma_start3A_277 = arith.constant 0 : i32
      %dma_start3A_278 = tpu.memref_slice %arg2[%dma_start3A_276, %dma_start3A_277] : memref<20224x128xf32, #tpu.memory_space<hbm>> -> memref<20224x128xf32, #tpu.memory_space<hbm>>
      tpu.enqueue_indirect_dma source(%dma_start3A_278 : memref<20224x128xf32, #tpu.memory_space<hbm>>) target(%arg11 : memref<128x128xf32, #tpu.memory_space<vmem>>) offsets(%dma_start3A_275 : memref<128xi32, #tpu.memory_space<vmem>>) semaphore(%arg16 : memref<!tpu.dma_semaphore, #tpu.memory_space<semaphore_mem>>)
      %dma_wait3A_279 = arith.constant 0 : i32
      %dma_wait3A_280 = arith.constant 0 : i32
      %dma_wait3A_281 = tpu.memref_slice %arg6[%dma_wait3A_279, %dma_wait3A_280] : memref<8x128xi32, #tpu.memory_space<vmem>> -> memref<1x128xi32, #tpu.memory_space<vmem>>
      %dma_wait3A_282 = tpu.memref_squeeze %dma_wait3A_281 : memref<1x128xi32, #tpu.memory_space<vmem>> -> memref<128xi32, #tpu.memory_space<vmem>>
      %dma_wait3A_283 = arith.constant 0 : i32
      %dma_wait3A_284 = arith.constant 0 : i32
      %dma_wait3A_285 = tpu.memref_slice %arg2[%dma_wait3A_283, %dma_wait3A_284] : memref<20224x128xf32, #tpu.memory_space<hbm>> -> memref<20224x128xf32, #tpu.memory_space<hbm>>
      tpu.wait_indirect_dma semaphore(%arg15 : memref<!tpu.dma_semaphore, #tpu.memory_space<semaphore_mem>>) src(%dma_wait3A_285 : memref<20224x128xf32, #tpu.memory_space<hbm>>) dst(%arg10 : memref<128x128xf32, #tpu.memory_space<vmem>>)
      %run_scoped3A_286 = arith.constant 6 : i32
      "tpu.region"() ({
        %run_scoped3A_305 = tpu.sem_alloc : memref<!tpu.dma_semaphore, #tpu.memory_space<semaphore_mem>>
        %dma_start3A_306 = arith.constant 0 : i32
        %dma_start3A_307 = tpu.memref_slice %arg9[%run_scoped3A_286, %dma_start3A_306] : memref<8x128xi32, #tpu.memory_space<vmem>> -> memref<1x128xi32, #tpu.memory_space<vmem>>
        %dma_start3A_308 = tpu.memref_squeeze %dma_start3A_307 : memref<1x128xi32, #tpu.memory_space<vmem>> -> memref<128xi32, #tpu.memory_space<vmem>>
        %dma_start3A_309 = arith.constant 0 : i32
        %dma_start3A_310 = arith.constant 0 : i32
        %dma_start3A_311 = tpu.memref_slice %arg12[%dma_start3A_309, %dma_start3A_310] : memref<10112x128xf32, #tpu.memory_space<vmem_shared>> -> memref<10112x128xf32, #tpu.memory_space<vmem_shared>>
        tpu.enqueue_indirect_dma source(%arg10 : memref<128x128xf32, #tpu.memory_space<vmem>>) target(%dma_start3A_311 : memref<10112x128xf32, #tpu.memory_space<vmem_shared>>) offsets(%dma_start3A_308 : memref<128xi32, #tpu.memory_space<vmem>>) semaphore(%run_scoped3A_305 : memref<!tpu.dma_semaphore, #tpu.memory_space<semaphore_mem>>) {add = true}
        %dma_wait3A_312 = arith.constant 0 : i32
        %dma_wait3A_313 = tpu.memref_slice %arg9[%run_scoped3A_286, %dma_wait3A_312] : memref<8x128xi32, #tpu.memory_space<vmem>> -> memref<1x128xi32, #tpu.memory_space<vmem>>
        %dma_wait3A_314 = tpu.memref_squeeze %dma_wait3A_313 : memref<1x128xi32, #tpu.memory_space<vmem>> -> memref<128xi32, #tpu.memory_space<vmem>>
        %dma_wait3A_315 = arith.constant 0 : i32
        %dma_wait3A_316 = arith.constant 0 : i32
        %dma_wait3A_317 = tpu.memref_slice %arg12[%dma_wait3A_315, %dma_wait3A_316] : memref<10112x128xf32, #tpu.memory_space<vmem_shared>> -> memref<10112x128xf32, #tpu.memory_space<vmem_shared>>
        tpu.wait_indirect_dma semaphore(%run_scoped3A_305 : memref<!tpu.dma_semaphore, #tpu.memory_space<semaphore_mem>>) src(%arg10 : memref<128x128xf32, #tpu.memory_space<vmem>>) dst(%dma_wait3A_317 : memref<10112x128xf32, #tpu.memory_space<vmem_shared>>)
        tpu.yield
      }) : () -> ()
      %lt3A_287 = arith.constant 9 : i32
      %lt3A_288 = arith.cmpi slt, %scan3A_52, %lt3A_287 : i32
      %convert_element_type3A_289 = arith.extui %lt3A_288 : i1 to i32
      %cond3A_290 = arith.constant 0 : i32
      %cond3A_291 = arith.cmpi ne, %convert_element_type3A_289, %cond3A_290 : i32
      scf.if %cond3A_291 {
        %dma_wait3A_305 = arith.constant 0 : i32
        %dma_wait3A_306 = tpu.memref_slice %arg3[%mul3A_2, %dma_wait3A_305] : memref<5120x128xi32, #tpu.memory_space<hbm>> -> memref<8x128xi32, #tpu.memory_space<hbm>>
        %dma_wait3A_307 = arith.constant 0 : i32
        %dma_wait3A_308 = tpu.memref_slice %arg3[%mul3A_2, %dma_wait3A_307] : memref<5120x128xi32, #tpu.memory_space<hbm>> -> memref<8x128xi32, #tpu.memory_space<hbm>>
        tpu.wait_dma2 semaphore(%arg13 : memref<!tpu.dma_semaphore, #tpu.memory_space<semaphore_mem>>) src(%dma_wait3A_308 : memref<8x128xi32, #tpu.memory_space<hbm>>) dst(%arg6 : memref<8x128xi32, #tpu.memory_space<vmem>>)
        %dma_wait3A_309 = arith.constant 0 : i32
        %dma_wait3A_310 = tpu.memref_slice %arg4[%mul3A_4, %dma_wait3A_309] : memref<2560x128xi32, #tpu.memory_space<hbm>> -> memref<8x128xi32, #tpu.memory_space<hbm>>
        %dma_wait3A_311 = arith.constant 0 : i32
        %dma_wait3A_312 = tpu.memref_slice %arg4[%mul3A_4, %dma_wait3A_311] : memref<2560x128xi32, #tpu.memory_space<hbm>> -> memref<8x128xi32, #tpu.memory_space<hbm>>
        tpu.wait_dma2 semaphore(%arg13 : memref<!tpu.dma_semaphore, #tpu.memory_space<semaphore_mem>>) src(%dma_wait3A_312 : memref<8x128xi32, #tpu.memory_space<hbm>>) dst(%arg7 : memref<8x128xi32, #tpu.memory_space<vmem>>)
        %dma_start3A_313 = arith.constant 0 : i32
        %dma_start3A_314 = arith.constant 0 : i32
        %dma_start3A_315 = tpu.memref_slice %arg6[%dma_start3A_313, %dma_start3A_314] : memref<8x128xi32, #tpu.memory_space<vmem>> -> memref<1x128xi32, #tpu.memory_space<vmem>>
        %dma_start3A_316 = tpu.memref_squeeze %dma_start3A_315 : memref<1x128xi32, #tpu.memory_space<vmem>> -> memref<128xi32, #tpu.memory_space<vmem>>
        %dma_start3A_317 = arith.constant 0 : i32
        %dma_start3A_318 = arith.constant 0 : i32
        %dma_start3A_319 = tpu.memref_slice %arg2[%dma_start3A_317, %dma_start3A_318] : memref<20224x128xf32, #tpu.memory_space<hbm>> -> memref<20224x128xf32, #tpu.memory_space<hbm>>
        tpu.enqueue_indirect_dma source(%dma_start3A_319 : memref<20224x128xf32, #tpu.memory_space<hbm>>) target(%arg10 : memref<128x128xf32, #tpu.memory_space<vmem>>) offsets(%dma_start3A_316 : memref<128xi32, #tpu.memory_space<vmem>>) semaphore(%arg15 : memref<!tpu.dma_semaphore, #tpu.memory_space<semaphore_mem>>)
      } else {
      }
      %dma_wait3A_292 = arith.constant 0 : i32
      %dma_wait3A_293 = arith.constant 0 : i32
      %dma_wait3A_294 = tpu.memref_slice %arg6[%dma_wait3A_292, %dma_wait3A_293] : memref<8x128xi32, #tpu.memory_space<vmem>> -> memref<1x128xi32, #tpu.memory_space<vmem>>
      %dma_wait3A_295 = tpu.memref_squeeze %dma_wait3A_294 : memref<1x128xi32, #tpu.memory_space<vmem>> -> memref<128xi32, #tpu.memory_space<vmem>>
      %dma_wait3A_296 = arith.constant 0 : i32
      %dma_wait3A_297 = arith.constant 0 : i32
      %dma_wait3A_298 = tpu.memref_slice %arg2[%dma_wait3A_296, %dma_wait3A_297] : memref<20224x128xf32, #tpu.memory_space<hbm>> -> memref<20224x128xf32, #tpu.memory_space<hbm>>
      tpu.wait_indirect_dma semaphore(%arg16 : memref<!tpu.dma_semaphore, #tpu.memory_space<semaphore_mem>>) src(%dma_wait3A_298 : memref<20224x128xf32, #tpu.memory_space<hbm>>) dst(%arg11 : memref<128x128xf32, #tpu.memory_space<vmem>>)
      %run_scoped3A_299 = arith.constant 7 : i32
      "tpu.region"() ({
        %run_scoped3A_305 = tpu.sem_alloc : memref<!tpu.dma_semaphore, #tpu.memory_space<semaphore_mem>>
        %dma_start3A_306 = arith.constant 0 : i32
        %dma_start3A_307 = tpu.memref_slice %arg9[%run_scoped3A_299, %dma_start3A_306] : memref<8x128xi32, #tpu.memory_space<vmem>> -> memref<1x128xi32, #tpu.memory_space<vmem>>
        %dma_start3A_308 = tpu.memref_squeeze %dma_start3A_307 : memref<1x128xi32, #tpu.memory_space<vmem>> -> memref<128xi32, #tpu.memory_space<vmem>>
        %dma_start3A_309 = arith.constant 0 : i32
        %dma_start3A_310 = arith.constant 0 : i32
        %dma_start3A_311 = tpu.memref_slice %arg12[%dma_start3A_309, %dma_start3A_310] : memref<10112x128xf32, #tpu.memory_space<vmem_shared>> -> memref<10112x128xf32, #tpu.memory_space<vmem_shared>>
        tpu.enqueue_indirect_dma source(%arg11 : memref<128x128xf32, #tpu.memory_space<vmem>>) target(%dma_start3A_311 : memref<10112x128xf32, #tpu.memory_space<vmem_shared>>) offsets(%dma_start3A_308 : memref<128xi32, #tpu.memory_space<vmem>>) semaphore(%run_scoped3A_305 : memref<!tpu.dma_semaphore, #tpu.memory_space<semaphore_mem>>) {add = true}
        %dma_wait3A_312 = arith.constant 0 : i32
        %dma_wait3A_313 = tpu.memref_slice %arg9[%run_scoped3A_299, %dma_wait3A_312] : memref<8x128xi32, #tpu.memory_space<vmem>> -> memref<1x128xi32, #tpu.memory_space<vmem>>
        %dma_wait3A_314 = tpu.memref_squeeze %dma_wait3A_313 : memref<1x128xi32, #tpu.memory_space<vmem>> -> memref<128xi32, #tpu.memory_space<vmem>>
        %dma_wait3A_315 = arith.constant 0 : i32
        %dma_wait3A_316 = arith.constant 0 : i32
        %dma_wait3A_317 = tpu.memref_slice %arg12[%dma_wait3A_315, %dma_wait3A_316] : memref<10112x128xf32, #tpu.memory_space<vmem_shared>> -> memref<10112x128xf32, #tpu.memory_space<vmem_shared>>
        tpu.wait_indirect_dma semaphore(%run_scoped3A_305 : memref<!tpu.dma_semaphore, #tpu.memory_space<semaphore_mem>>) src(%arg11 : memref<128x128xf32, #tpu.memory_space<vmem>>) dst(%dma_wait3A_317 : memref<10112x128xf32, #tpu.memory_space<vmem_shared>>)
        tpu.yield
      }) : () -> ()
      %lt3A_300 = arith.constant 9 : i32
      %lt3A_301 = arith.cmpi slt, %scan3A_52, %lt3A_300 : i32
      %convert_element_type3A_302 = arith.extui %lt3A_301 : i1 to i32
      %cond3A_303 = arith.constant 0 : i32
      %cond3A_304 = arith.cmpi ne, %convert_element_type3A_302, %cond3A_303 : i32
      scf.if %cond3A_304 {
        %mul3A_305 = arith.constant 2 : i32
        %mul3A_306 = arith.muli %mul3A_305, %scan3A_52 : i32
        %add3A_307 = arith.constant 3 : i32
        %add3A_308 = arith.addi %mul3A_306, %add3A_307 : i32
        %mul3A_309 = arith.constant 8 : i32
        %mul3A_310 = arith.muli %add3A_308, %mul3A_309 : i32
        %add3A_311 = arith.addi %mul3A_2, %mul3A_310 : i32
        %dma_start3A_312 = arith.constant 0 : i32
        %dma_start3A_313 = tpu.memref_slice %arg3[%add3A_311, %dma_start3A_312] : memref<5120x128xi32, #tpu.memory_space<hbm>> -> memref<8x128xi32, #tpu.memory_space<hbm>>
        %dma_start3A_314 = arith.constant 0 : i32
        %dma_start3A_315 = tpu.memref_slice %arg3[%add3A_311, %dma_start3A_314] : memref<5120x128xi32, #tpu.memory_space<hbm>> -> memref<8x128xi32, #tpu.memory_space<hbm>>
        tpu.enqueue_dma source(%dma_start3A_315 : memref<8x128xi32, #tpu.memory_space<hbm>>) target(%arg8 : memref<8x128xi32, #tpu.memory_space<vmem>>) target_semaphore(%arg14 : memref<!tpu.dma_semaphore, #tpu.memory_space<semaphore_mem>>)
        %add3A_316 = arith.addi %mul3A_4, %mul3A_310 : i32
        %dma_start3A_317 = arith.constant 0 : i32
        %dma_start3A_318 = tpu.memref_slice %arg4[%add3A_316, %dma_start3A_317] : memref<2560x128xi32, #tpu.memory_space<hbm>> -> memref<8x128xi32, #tpu.memory_space<hbm>>
        %dma_start3A_319 = arith.constant 0 : i32
        %dma_start3A_320 = tpu.memref_slice %arg4[%add3A_316, %dma_start3A_319] : memref<2560x128xi32, #tpu.memory_space<hbm>> -> memref<8x128xi32, #tpu.memory_space<hbm>>
        tpu.enqueue_dma source(%dma_start3A_320 : memref<8x128xi32, #tpu.memory_space<hbm>>) target(%arg9 : memref<8x128xi32, #tpu.memory_space<vmem>>) target_semaphore(%arg14 : memref<!tpu.dma_semaphore, #tpu.memory_space<semaphore_mem>>)
      } else {
      }
    }
    %scan3A_47 = arith.constant 10 : i32
    %barrier3A_48 = arith.constant 0 : index
    tpu.barrier barrier_id(%barrier3A_48)
    %mul3A_49 = arith.constant 10112 : i32
    %mul3A_50 = arith.muli %arg0, %mul3A_49 : i32
    %add3A_51 = arith.addi %mul3A_50, %mul3A_6 : i32
    "tpu.region"() ({
      %run_scoped3A = tpu.sem_alloc : memref<!tpu.dma_semaphore, #tpu.memory_space<semaphore_mem>>
      %dma_start3A_52 = arith.constant 0 : i32
      %dma_start3A_53 = tpu.memref_slice %arg5[%add3A_51, %dma_start3A_52] : memref<20224x128xf32, #tpu.memory_space<hbm>> -> memref<632x128xf32, #tpu.memory_space<hbm>>
      %dma_start3A_54 = arith.constant 0 : i32
      %dma_start3A_55 = tpu.memref_slice %arg12[%mul3A_6, %dma_start3A_54] : memref<10112x128xf32, #tpu.memory_space<vmem_shared>> -> memref<632x128xf32, #tpu.memory_space<vmem_shared>>
      tpu.enqueue_dma source(%dma_start3A_55 : memref<632x128xf32, #tpu.memory_space<vmem_shared>>) target(%dma_start3A_53 : memref<632x128xf32, #tpu.memory_space<hbm>>) target_semaphore(%run_scoped3A : memref<!tpu.dma_semaphore, #tpu.memory_space<semaphore_mem>>)
      %dma_wait3A_56 = arith.constant 0 : i32
      %dma_wait3A_57 = tpu.memref_slice %arg5[%add3A_51, %dma_wait3A_56] : memref<20224x128xf32, #tpu.memory_space<hbm>> -> memref<632x128xf32, #tpu.memory_space<hbm>>
      %dma_wait3A_58 = arith.constant 0 : i32
      %dma_wait3A_59 = tpu.memref_slice %arg12[%mul3A_6, %dma_wait3A_58] : memref<10112x128xf32, #tpu.memory_space<vmem_shared>> -> memref<632x128xf32, #tpu.memory_space<vmem_shared>>
      tpu.wait_dma2 semaphore(%run_scoped3A : memref<!tpu.dma_semaphore, #tpu.memory_space<semaphore_mem>>) src(%dma_wait3A_59 : memref<632x128xf32, #tpu.memory_space<vmem_shared>>) dst(%dma_wait3A_57 : memref<632x128xf32, #tpu.memory_space<hbm>>)
      tpu.yield
    }) : () -> ()
    return
  }
}

module attributes {stable_mosaic.version = 14 : i64} {
  func.func @_tc1_body(%arg0: memref<10112x128xf32, #tpu.memory_space<vmem>>, %arg1: memref<128x256xf32, #tpu.memory_space<vmem>>, %arg2: memref<2x10112x16xf32, #tpu.memory_space<vmem>>, %arg3: memref<2x10112x128xf32, #tpu.memory_space<vmem>>) attributes {dimension_semantics = [], scalar_prefetch = 0 : i64, scratch_operands = 0 : i64, tpu.core_type = #tpu.core_type<tc>} {
    %get3A = arith.constant 0 : index
    %get3A_0 = arith.constant 0 : index
    %get3A_1 = arith.constant 0 : index
    %get3A_2 = vector.load %arg2[%get3A, %get3A_0, %get3A_1] : memref<2x10112x16xf32, #tpu.memory_space<vmem>>, vector<1x10112x16xf32>
    %get3A_3 = vector.shape_cast %get3A_2 : vector<1x10112x16xf32> to vector<10112x16xf32>
    %get3A_4 = arith.constant 1 : index
    %get3A_5 = arith.constant 0 : index
    %get3A_6 = arith.constant 0 : index
    %get3A_7 = vector.load %arg2[%get3A_4, %get3A_5, %get3A_6] : memref<2x10112x16xf32, #tpu.memory_space<vmem>>, vector<1x10112x16xf32>
    %get3A_8 = vector.shape_cast %get3A_7 : vector<1x10112x16xf32> to vector<10112x16xf32>
    %add3A = arith.addf %get3A_3, %get3A_8 : vector<10112x16xf32>
    %add3A_9 = arith.constant 1.000000e+00 : f32
    %add3A_10 = vector.broadcast %add3A_9 : f32 to vector<10112x16xf32>
    %add3A_11 = arith.addf %add3A, %add3A_10 : vector<10112x16xf32>
    %iota3A = tpu.iota {dimensions = array<i32: 0>} : vector<10112x1xi32>
    %lt3A = arith.constant 10000 : i32
    %lt3A_12 = vector.broadcast %lt3A : i32 to vector<10112x1xi32>
    %lt3A_13 = arith.cmpi slt, %iota3A, %lt3A_12 : vector<10112x1xi32>
    %slice3A = vector.extract_strided_slice %add3A_11 {offsets = [0, 0], sizes = [10112, 1], strides = [1, 1]} : vector<10112x16xf32> to vector<10112x1xf32>
    %rsqrt3A = math.rsqrt %slice3A : vector<10112x1xf32>
    %jit3A = arith.constant 0.000000e+00 : f32
    %broadcast_in_dim3A = vector.broadcast %jit3A : f32 to vector<10112x1xf32>
    %select_n3A = arith.select %lt3A_13, %rsqrt3A, %broadcast_in_dim3A : vector<10112x1xi1>, vector<10112x1xf32>
    %get3A_14 = arith.constant 0 : index
    %get3A_15 = arith.constant 0 : index
    %get3A_16 = vector.load %arg0[%get3A_14, %get3A_15] : memref<10112x128xf32, #tpu.memory_space<vmem>>, vector<10112x128xf32>
    %get3A_17 = arith.constant 0 : index
    %get3A_18 = arith.constant 0 : index
    %get3A_19 = vector.load %arg1[%get3A_17, %get3A_18] : memref<128x256xf32, #tpu.memory_space<vmem>>, vector<128x256xf32>
    %dot_general3A = arith.constant dense<0.000000e+00> : vector<10112x256xf32>
    %dot_general3A_20 = tpu.matmul %get3A_16, %get3A_19, %dot_general3A {dimension_numbers = #tpu.dot_dimension_numbers<[1], [0], [0], [1], [0, 0, 1, 1], [], []>, transpose_lhs_hint = false} : vector<10112x128xf32>, vector<128x256xf32>, vector<10112x256xf32> -> vector<10112x256xf32>
    %mul3A = vector.broadcast %select_n3A : vector<10112x1xf32> to vector<10112x256xf32>
    %mul3A_21 = arith.mulf %dot_general3A_20, %mul3A : vector<10112x256xf32>
    %slice3A_22 = vector.extract_strided_slice %mul3A_21 {offsets = [0, 0], sizes = [10112, 128], strides = [1, 1]} : vector<10112x256xf32> to vector<10112x128xf32>
    %swap3A = arith.constant 0 : index
    %swap3A_23 = arith.constant 0 : index
    %swap3A_24 = arith.constant 0 : index
    %swap3A_25 = vector.load %arg3[%swap3A, %swap3A_23, %swap3A_24] : memref<2x10112x128xf32, #tpu.memory_space<vmem>>, vector<1x10112x128xf32>
    %swap3A_26 = vector.shape_cast %swap3A_25 : vector<1x10112x128xf32> to vector<10112x128xf32>
    %swap3A_27 = vector.shape_cast %slice3A_22 : vector<10112x128xf32> to vector<1x10112x128xf32>
    tpu.vector_store %arg3[%swap3A, %swap3A_23, %swap3A_24], %swap3A_27 {strides = array<i32>} : memref<2x10112x128xf32, #tpu.memory_space<vmem>>, vector<1x10112x128xf32>,
    %slice3A_28 = vector.extract_strided_slice %mul3A_21 {offsets = [0, 128], sizes = [10112, 128], strides = [1, 1]} : vector<10112x256xf32> to vector<10112x128xf32>
    %swap3A_29 = arith.constant 1 : index
    %swap3A_30 = arith.constant 0 : index
    %swap3A_31 = arith.constant 0 : index
    %swap3A_32 = vector.load %arg3[%swap3A_29, %swap3A_30, %swap3A_31] : memref<2x10112x128xf32, #tpu.memory_space<vmem>>, vector<1x10112x128xf32>
    %swap3A_33 = vector.shape_cast %swap3A_32 : vector<1x10112x128xf32> to vector<10112x128xf32>
    %swap3A_34 = vector.shape_cast %slice3A_28 : vector<10112x128xf32> to vector<1x10112x128xf32>
    tpu.vector_store %arg3[%swap3A_29, %swap3A_30, %swap3A_31], %swap3A_34 {strides = array<i32>} : memref<2x10112x128xf32, #tpu.memory_space<vmem>>, vector<1x10112x128xf32>,
    return
  }
}

module attributes {stable_mosaic.version = 14 : i64} {
  func.func @_tc2_body(%arg0: memref<2x10112x128xf32, #tpu.memory_space<vmem>>, %arg1: memref<2x10112x16xf32, #tpu.memory_space<vmem>>, %arg2: memref<1x256xf32, #tpu.memory_space<vmem>>, %arg3: memref<1x256xf32, #tpu.memory_space<vmem>>, %arg4: memref<256x256xf32, #tpu.memory_space<vmem>>, %arg5: memref<2x10112x128xf32, #tpu.memory_space<vmem>>) attributes {dimension_semantics = [], scalar_prefetch = 0 : i64, scratch_operands = 0 : i64, tpu.core_type = #tpu.core_type<tc>} {
    %get3A = arith.constant 0 : index
    %get3A_0 = arith.constant 0 : index
    %get3A_1 = arith.constant 0 : index
    %get3A_2 = vector.load %arg1[%get3A, %get3A_0, %get3A_1] : memref<2x10112x16xf32, #tpu.memory_space<vmem>>, vector<1x10112x16xf32>
    %get3A_3 = vector.shape_cast %get3A_2 : vector<1x10112x16xf32> to vector<10112x16xf32>
    %get3A_4 = arith.constant 1 : index
    %get3A_5 = arith.constant 0 : index
    %get3A_6 = arith.constant 0 : index
    %get3A_7 = vector.load %arg1[%get3A_4, %get3A_5, %get3A_6] : memref<2x10112x16xf32, #tpu.memory_space<vmem>>, vector<1x10112x16xf32>
    %get3A_8 = vector.shape_cast %get3A_7 : vector<1x10112x16xf32> to vector<10112x16xf32>
    %add3A = arith.addf %get3A_3, %get3A_8 : vector<10112x16xf32>
    %add3A_9 = arith.constant 1.000000e+00 : f32
    %add3A_10 = vector.broadcast %add3A_9 : f32 to vector<10112x16xf32>
    %add3A_11 = arith.addf %add3A, %add3A_10 : vector<10112x16xf32>
    %iota3A = tpu.iota {dimensions = array<i32: 0>} : vector<10112x1xi32>
    %lt3A = arith.constant 10000 : i32
    %lt3A_12 = vector.broadcast %lt3A : i32 to vector<10112x1xi32>
    %lt3A_13 = arith.cmpi slt, %iota3A, %lt3A_12 : vector<10112x1xi32>
    %slice3A = vector.extract_strided_slice %add3A_11 {offsets = [0, 0], sizes = [10112, 1], strides = [1, 1]} : vector<10112x16xf32> to vector<10112x1xf32>
    %rsqrt3A = math.rsqrt %slice3A : vector<10112x1xf32>
    %jit3A = arith.constant 0.000000e+00 : f32
    %broadcast_in_dim3A = vector.broadcast %jit3A : f32 to vector<10112x1xf32>
    %select_n3A = arith.select %lt3A_13, %rsqrt3A, %broadcast_in_dim3A : vector<10112x1xi1>, vector<10112x1xf32>
    %get3A_14 = arith.constant 0 : index
    %get3A_15 = arith.constant 0 : index
    %get3A_16 = arith.constant 0 : index
    %get3A_17 = vector.load %arg0[%get3A_14, %get3A_15, %get3A_16] : memref<2x10112x128xf32, #tpu.memory_space<vmem>>, vector<1x10112x128xf32>
    %get3A_18 = vector.shape_cast %get3A_17 : vector<1x10112x128xf32> to vector<10112x128xf32>
    %mul3A = vector.broadcast %select_n3A : vector<10112x1xf32> to vector<10112x128xf32>
    %mul3A_19 = arith.mulf %get3A_18, %mul3A : vector<10112x128xf32>
    %get3A_20 = arith.constant 0 : index
    %get3A_21 = arith.constant 0 : index
    %get3A_22 = vector.load %arg2[%get3A_20, %get3A_21] : memref<1x256xf32, #tpu.memory_space<vmem>>, vector<1x128xf32>
    %get3A_23 = arith.constant 0 : index
    %get3A_24 = arith.constant 0 : index
    %get3A_25 = vector.load %arg3[%get3A_23, %get3A_24] : memref<1x256xf32, #tpu.memory_space<vmem>>, vector<1x128xf32>
    %reduce_sum3A = arith.constant dense<0.000000e+00> : vector<128xf32>
    %reduce_sum3A_26 = vector.multi_reduction <add>, %mul3A_19, %reduce_sum3A [0] : vector<10112x128xf32> to vector<128xf32>
    %broadcast_in_dim3A_27 = vector.shape_cast %reduce_sum3A_26 : vector<128xf32> to vector<1x128xf32>
    %mul3A_28 = arith.constant 9.99999974E-5 : f32
    %mul3A_29 = vector.broadcast %mul3A_28 : f32 to vector<1x128xf32>
    %mul3A_30 = arith.mulf %broadcast_in_dim3A_27, %mul3A_29 : vector<1x128xf32>
    %mul3A_31 = arith.mulf %mul3A_19, %mul3A_19 : vector<10112x128xf32>
    %reduce_sum3A_32 = arith.constant dense<0.000000e+00> : vector<128xf32>
    %reduce_sum3A_33 = vector.multi_reduction <add>, %mul3A_31, %reduce_sum3A_32 [0] : vector<10112x128xf32> to vector<128xf32>
    %broadcast_in_dim3A_34 = vector.shape_cast %reduce_sum3A_33 : vector<128xf32> to vector<1x128xf32>
    %mul3A_35 = arith.constant 9.99999974E-5 : f32
    %mul3A_36 = vector.broadcast %mul3A_35 : f32 to vector<1x128xf32>
    %mul3A_37 = arith.mulf %broadcast_in_dim3A_34, %mul3A_36 : vector<1x128xf32>
    %mul3A_38 = arith.mulf %mul3A_30, %mul3A_30 : vector<1x128xf32>
    %sub3A = arith.subf %mul3A_37, %mul3A_38 : vector<1x128xf32>
    %sub3A_39 = vector.broadcast %mul3A_30 : vector<1x128xf32> to vector<10112x128xf32>
    %sub3A_40 = arith.subf %mul3A_19, %sub3A_39 : vector<10112x128xf32>
    %add3A_41 = arith.constant 9.99999974E-6 : f32
    %add3A_42 = vector.broadcast %add3A_41 : f32 to vector<1x128xf32>
    %add3A_43 = arith.addf %sub3A, %add3A_42 : vector<1x128xf32>
    %rsqrt3A_44 = math.rsqrt %add3A_43 : vector<1x128xf32>
    %mul3A_45 = vector.broadcast %rsqrt3A_44 : vector<1x128xf32> to vector<10112x128xf32>
    %mul3A_46 = arith.mulf %sub3A_40, %mul3A_45 : vector<10112x128xf32>
    %mul3A_47 = vector.broadcast %get3A_22 : vector<1x128xf32> to vector<10112x128xf32>
    %mul3A_48 = arith.mulf %mul3A_46, %mul3A_47 : vector<10112x128xf32>
    %add3A_49 = vector.broadcast %get3A_25 : vector<1x128xf32> to vector<10112x128xf32>
    %add3A_50 = arith.addf %mul3A_48, %add3A_49 : vector<10112x128xf32>
    %max3A = arith.constant 0.000000e+00 : f32
    %max3A_51 = vector.broadcast %max3A : f32 to vector<10112x128xf32>
    %max3A_52 = arith.maximumf %add3A_50, %max3A_51 : vector<10112x128xf32>
    %get3A_53 = arith.constant 1 : index
    %get3A_54 = arith.constant 0 : index
    %get3A_55 = arith.constant 0 : index
    %get3A_56 = vector.load %arg0[%get3A_53, %get3A_54, %get3A_55] : memref<2x10112x128xf32, #tpu.memory_space<vmem>>, vector<1x10112x128xf32>
    %get3A_57 = vector.shape_cast %get3A_56 : vector<1x10112x128xf32> to vector<10112x128xf32>
    %mul3A_58 = vector.broadcast %select_n3A : vector<10112x1xf32> to vector<10112x128xf32>
    %mul3A_59 = arith.mulf %get3A_57, %mul3A_58 : vector<10112x128xf32>
    %get3A_60 = arith.constant 0 : index
    %get3A_61 = arith.constant 128 : index
    %get3A_62 = vector.load %arg2[%get3A_60, %get3A_61] : memref<1x256xf32, #tpu.memory_space<vmem>>, vector<1x128xf32>
    %get3A_63 = arith.constant 0 : index
    %get3A_64 = arith.constant 128 : index
    %get3A_65 = vector.load %arg3[%get3A_63, %get3A_64] : memref<1x256xf32, #tpu.memory_space<vmem>>, vector<1x128xf32>
    %reduce_sum3A_66 = arith.constant dense<0.000000e+00> : vector<128xf32>
    %reduce_sum3A_67 = vector.multi_reduction <add>, %mul3A_59, %reduce_sum3A_66 [0] : vector<10112x128xf32> to vector<128xf32>
    %broadcast_in_dim3A_68 = vector.shape_cast %reduce_sum3A_67 : vector<128xf32> to vector<1x128xf32>
    %mul3A_69 = arith.constant 9.99999974E-5 : f32
    %mul3A_70 = vector.broadcast %mul3A_69 : f32 to vector<1x128xf32>
    %mul3A_71 = arith.mulf %broadcast_in_dim3A_68, %mul3A_70 : vector<1x128xf32>
    %mul3A_72 = arith.mulf %mul3A_59, %mul3A_59 : vector<10112x128xf32>
    %reduce_sum3A_73 = arith.constant dense<0.000000e+00> : vector<128xf32>
    %reduce_sum3A_74 = vector.multi_reduction <add>, %mul3A_72, %reduce_sum3A_73 [0] : vector<10112x128xf32> to vector<128xf32>
    %broadcast_in_dim3A_75 = vector.shape_cast %reduce_sum3A_74 : vector<128xf32> to vector<1x128xf32>
    %mul3A_76 = arith.constant 9.99999974E-5 : f32
    %mul3A_77 = vector.broadcast %mul3A_76 : f32 to vector<1x128xf32>
    %mul3A_78 = arith.mulf %broadcast_in_dim3A_75, %mul3A_77 : vector<1x128xf32>
    %mul3A_79 = arith.mulf %mul3A_71, %mul3A_71 : vector<1x128xf32>
    %sub3A_80 = arith.subf %mul3A_78, %mul3A_79 : vector<1x128xf32>
    %sub3A_81 = vector.broadcast %mul3A_71 : vector<1x128xf32> to vector<10112x128xf32>
    %sub3A_82 = arith.subf %mul3A_59, %sub3A_81 : vector<10112x128xf32>
    %add3A_83 = arith.constant 9.99999974E-6 : f32
    %add3A_84 = vector.broadcast %add3A_83 : f32 to vector<1x128xf32>
    %add3A_85 = arith.addf %sub3A_80, %add3A_84 : vector<1x128xf32>
    %rsqrt3A_86 = math.rsqrt %add3A_85 : vector<1x128xf32>
    %mul3A_87 = vector.broadcast %rsqrt3A_86 : vector<1x128xf32> to vector<10112x128xf32>
    %mul3A_88 = arith.mulf %sub3A_82, %mul3A_87 : vector<10112x128xf32>
    %mul3A_89 = vector.broadcast %get3A_62 : vector<1x128xf32> to vector<10112x128xf32>
    %mul3A_90 = arith.mulf %mul3A_88, %mul3A_89 : vector<10112x128xf32>
    %add3A_91 = vector.broadcast %get3A_65 : vector<1x128xf32> to vector<10112x128xf32>
    %add3A_92 = arith.addf %mul3A_90, %add3A_91 : vector<10112x128xf32>
    %max3A_93 = arith.constant 0.000000e+00 : f32
    %max3A_94 = vector.broadcast %max3A_93 : f32 to vector<10112x128xf32>
    %max3A_95 = arith.maximumf %add3A_92, %max3A_94 : vector<10112x128xf32>
    %get3A_96 = arith.constant 0 : index
    %get3A_97 = arith.constant 0 : index
    %get3A_98 = vector.load %arg4[%get3A_96, %get3A_97] : memref<256x256xf32, #tpu.memory_space<vmem>>, vector<128x256xf32>
    %dot_general3A = arith.constant dense<0.000000e+00> : vector<10112x256xf32>
    %dot_general3A_99 = tpu.matmul %max3A_52, %get3A_98, %dot_general3A {dimension_numbers = #tpu.dot_dimension_numbers<[1], [0], [0], [1], [0, 0, 1, 1], [], []>, transpose_lhs_hint = false} : vector<10112x128xf32>, vector<128x256xf32>, vector<10112x256xf32> -> vector<10112x256xf32>
    %get3A_100 = arith.constant 128 : index
    %get3A_101 = arith.constant 0 : index
    %get3A_102 = vector.load %arg4[%get3A_100, %get3A_101] : memref<256x256xf32, #tpu.memory_space<vmem>>, vector<128x256xf32>
    %dot_general3A_103 = arith.constant dense<0.000000e+00> : vector<10112x256xf32>
    %dot_general3A_104 = tpu.matmul %max3A_95, %get3A_102, %dot_general3A_103 {dimension_numbers = #tpu.dot_dimension_numbers<[1], [0], [0], [1], [0, 0, 1, 1], [], []>, transpose_lhs_hint = false} : vector<10112x128xf32>, vector<128x256xf32>, vector<10112x256xf32> -> vector<10112x256xf32>
    %add3A_105 = arith.addf %dot_general3A_99, %dot_general3A_104 : vector<10112x256xf32>
    %mul3A_106 = vector.broadcast %select_n3A : vector<10112x1xf32> to vector<10112x256xf32>
    %mul3A_107 = arith.mulf %add3A_105, %mul3A_106 : vector<10112x256xf32>
    %slice3A_108 = vector.extract_strided_slice %mul3A_107 {offsets = [0, 0], sizes = [10112, 128], strides = [1, 1]} : vector<10112x256xf32> to vector<10112x128xf32>
    %swap3A = arith.constant 0 : index
    %swap3A_109 = arith.constant 0 : index
    %swap3A_110 = arith.constant 0 : index
    %swap3A_111 = vector.load %arg5[%swap3A, %swap3A_109, %swap3A_110] : memref<2x10112x128xf32, #tpu.memory_space<vmem>>, vector<1x10112x128xf32>
    %swap3A_112 = vector.shape_cast %swap3A_111 : vector<1x10112x128xf32> to vector<10112x128xf32>
    %swap3A_113 = vector.shape_cast %slice3A_108 : vector<10112x128xf32> to vector<1x10112x128xf32>
    tpu.vector_store %arg5[%swap3A, %swap3A_109, %swap3A_110], %swap3A_113 {strides = array<i32>} : memref<2x10112x128xf32, #tpu.memory_space<vmem>>, vector<1x10112x128xf32>,
    %slice3A_114 = vector.extract_strided_slice %mul3A_107 {offsets = [0, 128], sizes = [10112, 128], strides = [1, 1]} : vector<10112x256xf32> to vector<10112x128xf32>
    %swap3A_115 = arith.constant 1 : index
    %swap3A_116 = arith.constant 0 : index
    %swap3A_117 = arith.constant 0 : index
    %swap3A_118 = vector.load %arg5[%swap3A_115, %swap3A_116, %swap3A_117] : memref<2x10112x128xf32, #tpu.memory_space<vmem>>, vector<1x10112x128xf32>
    %swap3A_119 = vector.shape_cast %swap3A_118 : vector<1x10112x128xf32> to vector<10112x128xf32>
    %swap3A_120 = vector.shape_cast %slice3A_114 : vector<10112x128xf32> to vector<1x10112x128xf32>
    tpu.vector_store %arg5[%swap3A_115, %swap3A_116, %swap3A_117], %swap3A_120 {strides = array<i32>} : memref<2x10112x128xf32, #tpu.memory_space<vmem>>, vector<1x10112x128xf32>,
    return
  }
}

module attributes {stable_mosaic.version = 14 : i64} {
  func.func @_tc3_body(%arg0: memref<2x10112x128xf32, #tpu.memory_space<vmem>>, %arg1: memref<2x10112x16xf32, #tpu.memory_space<vmem>>, %arg2: memref<1x256xf32, #tpu.memory_space<vmem>>, %arg3: memref<1x256xf32, #tpu.memory_space<vmem>>, %arg4: memref<1x10112xi32, #tpu.memory_space<vmem>>, %arg5: memref<256x10xf32, #tpu.memory_space<vmem>>, %arg6: memref<1x10xf32, #tpu.memory_space<vmem>>, %arg7: memref<64x10xf32, #tpu.memory_space<vmem>>) attributes {dimension_semantics = [], scalar_prefetch = 0 : i64, scratch_operands = 0 : i64, tpu.core_type = #tpu.core_type<tc>} {
    %get3A = arith.constant 0 : index
    %get3A_0 = arith.constant 0 : index
    %get3A_1 = arith.constant 0 : index
    %get3A_2 = vector.load %arg1[%get3A, %get3A_0, %get3A_1] : memref<2x10112x16xf32, #tpu.memory_space<vmem>>, vector<1x10112x16xf32>
    %get3A_3 = vector.shape_cast %get3A_2 : vector<1x10112x16xf32> to vector<10112x16xf32>
    %get3A_4 = arith.constant 1 : index
    %get3A_5 = arith.constant 0 : index
    %get3A_6 = arith.constant 0 : index
    %get3A_7 = vector.load %arg1[%get3A_4, %get3A_5, %get3A_6] : memref<2x10112x16xf32, #tpu.memory_space<vmem>>, vector<1x10112x16xf32>
    %get3A_8 = vector.shape_cast %get3A_7 : vector<1x10112x16xf32> to vector<10112x16xf32>
    %add3A = arith.addf %get3A_3, %get3A_8 : vector<10112x16xf32>
    %add3A_9 = arith.constant 1.000000e+00 : f32
    %add3A_10 = vector.broadcast %add3A_9 : f32 to vector<10112x16xf32>
    %add3A_11 = arith.addf %add3A, %add3A_10 : vector<10112x16xf32>
    %iota3A = tpu.iota {dimensions = array<i32: 0>} : vector<10112x1xi32>
    %lt3A = arith.constant 10000 : i32
    %lt3A_12 = vector.broadcast %lt3A : i32 to vector<10112x1xi32>
    %lt3A_13 = arith.cmpi slt, %iota3A, %lt3A_12 : vector<10112x1xi32>
    %slice3A = vector.extract_strided_slice %add3A_11 {offsets = [0, 0], sizes = [10112, 1], strides = [1, 1]} : vector<10112x16xf32> to vector<10112x1xf32>
    %rsqrt3A = math.rsqrt %slice3A : vector<10112x1xf32>
    %jit3A = arith.constant 0.000000e+00 : f32
    %broadcast_in_dim3A = vector.broadcast %jit3A : f32 to vector<10112x1xf32>
    %select_n3A = arith.select %lt3A_13, %rsqrt3A, %broadcast_in_dim3A : vector<10112x1xi1>, vector<10112x1xf32>
    %get3A_14 = arith.constant 0 : index
    %get3A_15 = arith.constant 0 : index
    %get3A_16 = arith.constant 0 : index
    %get3A_17 = vector.load %arg0[%get3A_14, %get3A_15, %get3A_16] : memref<2x10112x128xf32, #tpu.memory_space<vmem>>, vector<1x10112x128xf32>
    %get3A_18 = vector.shape_cast %get3A_17 : vector<1x10112x128xf32> to vector<10112x128xf32>
    %mul3A = vector.broadcast %select_n3A : vector<10112x1xf32> to vector<10112x128xf32>
    %mul3A_19 = arith.mulf %get3A_18, %mul3A : vector<10112x128xf32>
    %get3A_20 = arith.constant 0 : index
    %get3A_21 = arith.constant 0 : index
    %get3A_22 = vector.load %arg2[%get3A_20, %get3A_21] : memref<1x256xf32, #tpu.memory_space<vmem>>, vector<1x128xf32>
    %get3A_23 = arith.constant 0 : index
    %get3A_24 = arith.constant 0 : index
    %get3A_25 = vector.load %arg3[%get3A_23, %get3A_24] : memref<1x256xf32, #tpu.memory_space<vmem>>, vector<1x128xf32>
    %reduce_sum3A = arith.constant dense<0.000000e+00> : vector<128xf32>
    %reduce_sum3A_26 = vector.multi_reduction <add>, %mul3A_19, %reduce_sum3A [0] : vector<10112x128xf32> to vector<128xf32>
    %broadcast_in_dim3A_27 = vector.shape_cast %reduce_sum3A_26 : vector<128xf32> to vector<1x128xf32>
    %mul3A_28 = arith.constant 9.99999974E-5 : f32
    %mul3A_29 = vector.broadcast %mul3A_28 : f32 to vector<1x128xf32>
    %mul3A_30 = arith.mulf %broadcast_in_dim3A_27, %mul3A_29 : vector<1x128xf32>
    %mul3A_31 = arith.mulf %mul3A_19, %mul3A_19 : vector<10112x128xf32>
    %reduce_sum3A_32 = arith.constant dense<0.000000e+00> : vector<128xf32>
    %reduce_sum3A_33 = vector.multi_reduction <add>, %mul3A_31, %reduce_sum3A_32 [0] : vector<10112x128xf32> to vector<128xf32>
    %broadcast_in_dim3A_34 = vector.shape_cast %reduce_sum3A_33 : vector<128xf32> to vector<1x128xf32>
    %mul3A_35 = arith.constant 9.99999974E-5 : f32
    %mul3A_36 = vector.broadcast %mul3A_35 : f32 to vector<1x128xf32>
    %mul3A_37 = arith.mulf %broadcast_in_dim3A_34, %mul3A_36 : vector<1x128xf32>
    %mul3A_38 = arith.mulf %mul3A_30, %mul3A_30 : vector<1x128xf32>
    %sub3A = arith.subf %mul3A_37, %mul3A_38 : vector<1x128xf32>
    %sub3A_39 = vector.broadcast %mul3A_30 : vector<1x128xf32> to vector<10112x128xf32>
    %sub3A_40 = arith.subf %mul3A_19, %sub3A_39 : vector<10112x128xf32>
    %add3A_41 = arith.constant 9.99999974E-6 : f32
    %add3A_42 = vector.broadcast %add3A_41 : f32 to vector<1x128xf32>
    %add3A_43 = arith.addf %sub3A, %add3A_42 : vector<1x128xf32>
    %rsqrt3A_44 = math.rsqrt %add3A_43 : vector<1x128xf32>
    %mul3A_45 = vector.broadcast %rsqrt3A_44 : vector<1x128xf32> to vector<10112x128xf32>
    %mul3A_46 = arith.mulf %sub3A_40, %mul3A_45 : vector<10112x128xf32>
    %mul3A_47 = vector.broadcast %get3A_22 : vector<1x128xf32> to vector<10112x128xf32>
    %mul3A_48 = arith.mulf %mul3A_46, %mul3A_47 : vector<10112x128xf32>
    %add3A_49 = vector.broadcast %get3A_25 : vector<1x128xf32> to vector<10112x128xf32>
    %add3A_50 = arith.addf %mul3A_48, %add3A_49 : vector<10112x128xf32>
    %max3A = arith.constant 0.000000e+00 : f32
    %max3A_51 = vector.broadcast %max3A : f32 to vector<10112x128xf32>
    %max3A_52 = arith.maximumf %add3A_50, %max3A_51 : vector<10112x128xf32>
    %get3A_53 = arith.constant 1 : index
    %get3A_54 = arith.constant 0 : index
    %get3A_55 = arith.constant 0 : index
    %get3A_56 = vector.load %arg0[%get3A_53, %get3A_54, %get3A_55] : memref<2x10112x128xf32, #tpu.memory_space<vmem>>, vector<1x10112x128xf32>
    %get3A_57 = vector.shape_cast %get3A_56 : vector<1x10112x128xf32> to vector<10112x128xf32>
    %mul3A_58 = vector.broadcast %select_n3A : vector<10112x1xf32> to vector<10112x128xf32>
    %mul3A_59 = arith.mulf %get3A_57, %mul3A_58 : vector<10112x128xf32>
    %get3A_60 = arith.constant 0 : index
    %get3A_61 = arith.constant 128 : index
    %get3A_62 = vector.load %arg2[%get3A_60, %get3A_61] : memref<1x256xf32, #tpu.memory_space<vmem>>, vector<1x128xf32>
    %get3A_63 = arith.constant 0 : index
    %get3A_64 = arith.constant 128 : index
    %get3A_65 = vector.load %arg3[%get3A_63, %get3A_64] : memref<1x256xf32, #tpu.memory_space<vmem>>, vector<1x128xf32>
    %reduce_sum3A_66 = arith.constant dense<0.000000e+00> : vector<128xf32>
    %reduce_sum3A_67 = vector.multi_reduction <add>, %mul3A_59, %reduce_sum3A_66 [0] : vector<10112x128xf32> to vector<128xf32>
    %broadcast_in_dim3A_68 = vector.shape_cast %reduce_sum3A_67 : vector<128xf32> to vector<1x128xf32>
    %mul3A_69 = arith.constant 9.99999974E-5 : f32
    %mul3A_70 = vector.broadcast %mul3A_69 : f32 to vector<1x128xf32>
    %mul3A_71 = arith.mulf %broadcast_in_dim3A_68, %mul3A_70 : vector<1x128xf32>
    %mul3A_72 = arith.mulf %mul3A_59, %mul3A_59 : vector<10112x128xf32>
    %reduce_sum3A_73 = arith.constant dense<0.000000e+00> : vector<128xf32>
    %reduce_sum3A_74 = vector.multi_reduction <add>, %mul3A_72, %reduce_sum3A_73 [0] : vector<10112x128xf32> to vector<128xf32>
    %broadcast_in_dim3A_75 = vector.shape_cast %reduce_sum3A_74 : vector<128xf32> to vector<1x128xf32>
    %mul3A_76 = arith.constant 9.99999974E-5 : f32
    %mul3A_77 = vector.broadcast %mul3A_76 : f32 to vector<1x128xf32>
    %mul3A_78 = arith.mulf %broadcast_in_dim3A_75, %mul3A_77 : vector<1x128xf32>
    %mul3A_79 = arith.mulf %mul3A_71, %mul3A_71 : vector<1x128xf32>
    %sub3A_80 = arith.subf %mul3A_78, %mul3A_79 : vector<1x128xf32>
    %sub3A_81 = vector.broadcast %mul3A_71 : vector<1x128xf32> to vector<10112x128xf32>
    %sub3A_82 = arith.subf %mul3A_59, %sub3A_81 : vector<10112x128xf32>
    %add3A_83 = arith.constant 9.99999974E-6 : f32
    %add3A_84 = vector.broadcast %add3A_83 : f32 to vector<1x128xf32>
    %add3A_85 = arith.addf %sub3A_80, %add3A_84 : vector<1x128xf32>
    %rsqrt3A_86 = math.rsqrt %add3A_85 : vector<1x128xf32>
    %mul3A_87 = vector.broadcast %rsqrt3A_86 : vector<1x128xf32> to vector<10112x128xf32>
    %mul3A_88 = arith.mulf %sub3A_82, %mul3A_87 : vector<10112x128xf32>
    %mul3A_89 = vector.broadcast %get3A_62 : vector<1x128xf32> to vector<10112x128xf32>
    %mul3A_90 = arith.mulf %mul3A_88, %mul3A_89 : vector<10112x128xf32>
    %add3A_91 = vector.broadcast %get3A_65 : vector<1x128xf32> to vector<10112x128xf32>
    %add3A_92 = arith.addf %mul3A_90, %add3A_91 : vector<10112x128xf32>
    %max3A_93 = arith.constant 0.000000e+00 : f32
    %max3A_94 = vector.broadcast %max3A_93 : f32 to vector<10112x128xf32>
    %max3A_95 = arith.maximumf %add3A_92, %max3A_94 : vector<10112x128xf32>
    %iota3A_96 = tpu.iota {dimensions = array<i32: 0>} : vector<64x10112xi32>
    %get3A_97 = arith.constant 0 : index
    %get3A_98 = arith.constant 0 : index
    %get3A_99 = vector.load %arg4[%get3A_97, %get3A_98] : memref<1x10112xi32, #tpu.memory_space<vmem>>, vector<1x10112xi32>
    %eq3A = vector.broadcast %get3A_99 : vector<1x10112xi32> to vector<64x10112xi32>
    %eq3A_100 = arith.cmpi eq, %eq3A, %iota3A_96 : vector<64x10112xi32>
    %jit3A_101 = arith.constant 1.000000e+00 : f32
    %jit3A_102 = arith.constant 0.000000e+00 : f32
    %broadcast_in_dim3A_103 = vector.broadcast %jit3A_101 : f32 to vector<64x10112xf32>
    %broadcast_in_dim3A_104 = vector.broadcast %jit3A_102 : f32 to vector<64x10112xf32>
    %select_n3A_105 = arith.select %eq3A_100, %broadcast_in_dim3A_103, %broadcast_in_dim3A_104 : vector<64x10112xi1>, vector<64x10112xf32>
    %dot_general3A = arith.constant dense<0.000000e+00> : vector<64x128xf32>
    %dot_general3A_106 = tpu.matmul %select_n3A_105, %max3A_52, %dot_general3A {dimension_numbers = #tpu.dot_dimension_numbers<[1], [0], [0], [1], [0, 0, 1, 1], [], []>, transpose_lhs_hint = false} : vector<64x10112xf32>, vector<10112x128xf32>, vector<64x128xf32> -> vector<64x128xf32>
    %dot_general3A_107 = arith.constant dense<0.000000e+00> : vector<64x128xf32>
    %dot_general3A_108 = tpu.matmul %select_n3A_105, %max3A_95, %dot_general3A_107 {dimension_numbers = #tpu.dot_dimension_numbers<[1], [0], [0], [1], [0, 0, 1, 1], [], []>, transpose_lhs_hint = false} : vector<64x10112xf32>, vector<10112x128xf32>, vector<64x128xf32> -> vector<64x128xf32>
    %get3A_109 = arith.constant 0 : index
    %get3A_110 = arith.constant 0 : index
    %get3A_111 = vector.load %arg5[%get3A_109, %get3A_110] : memref<256x10xf32, #tpu.memory_space<vmem>>, vector<128x10xf32>
    %dot_general3A_112 = arith.constant dense<0.000000e+00> : vector<64x10xf32>
    %dot_general3A_113 = tpu.matmul %dot_general3A_106, %get3A_111, %dot_general3A_112 {dimension_numbers = #tpu.dot_dimension_numbers<[1], [0], [0], [1], [0, 0, 1, 1], [], []>, transpose_lhs_hint = false} : vector<64x128xf32>, vector<128x10xf32>, vector<64x10xf32> -> vector<64x10xf32>
    %get3A_114 = arith.constant 128 : index
    %get3A_115 = arith.constant 0 : index
    %get3A_116 = vector.load %arg5[%get3A_114, %get3A_115] : memref<256x10xf32, #tpu.memory_space<vmem>>, vector<128x10xf32>
    %dot_general3A_117 = arith.constant dense<0.000000e+00> : vector<64x10xf32>
    %dot_general3A_118 = tpu.matmul %dot_general3A_108, %get3A_116, %dot_general3A_117 {dimension_numbers = #tpu.dot_dimension_numbers<[1], [0], [0], [1], [0, 0, 1, 1], [], []>, transpose_lhs_hint = false} : vector<64x128xf32>, vector<128x10xf32>, vector<64x10xf32> -> vector<64x10xf32>
    %add3A_119 = arith.addf %dot_general3A_113, %dot_general3A_118 : vector<64x10xf32>
    %get3A_120 = arith.constant 0 : index
    %get3A_121 = arith.constant 0 : index
    %get3A_122 = vector.load %arg6[%get3A_120, %get3A_121] : memref<1x10xf32, #tpu.memory_space<vmem>>, vector<1x10xf32>
    %add3A_123 = vector.broadcast %get3A_122 : vector<1x10xf32> to vector<64x10xf32>
    %add3A_124 = arith.addf %add3A_119, %add3A_123 : vector<64x10xf32>
    %swap3A = arith.constant 0 : index
    %swap3A_125 = arith.constant 0 : index
    %swap3A_126 = vector.load %arg7[%swap3A, %swap3A_125] : memref<64x10xf32, #tpu.memory_space<vmem>>, vector<64x10xf32>
    tpu.vector_store %arg7[%swap3A, %swap3A_125], %add3A_124 {strides = array<i32>} : memref<64x10xf32, #tpu.memory_space<vmem>>, vector<64x10xf32>,
    return
  }
}

</mosaic_0001>

<sc_bundles>
// kernel: kernel.10.cloned.1.call-start
scs
__scs_entry_jumppad:
0x0: {  	(pc) =	sbr.rel $0x88, $3  }
0x1: {  	(tag) =	ssettag $0x0;
	lr =	simm.s32 $0x1  }
0x2: {  	[smem:$0x3F96] =	sst lr;
	_ =	strace $0xD0000000  }
0x3: {  	_ = 	snop  }
0x4: {  	_ = 	snop  }
0x5: {  	_ = 	snop  }
0x6: {  	_ = 	snop  }
0x7: {  	_ = 	snop  }
__scs_overlays_trampoline_lowered:
0x8: {  	[smem:$0x3FA5] =	sst s0  }
0x9: {  	[smem:$0x3FA6] =	sst s1  }
0xa: {  	[smem:$0x3FA7] =	sst s2  }
0xb: {  	[smem:$0x3FA8] =	sst s3  }
0xc: {  	[smem:$0x3FA9] =	sst s4  }
0xd: {  	[smem:$0x3FAA] =	sst s5  }
0xe: {  	[smem:$0x3FAB] =	sst s6  }
0xf: {  	[smem:$0x3FAC] =	sst s7  }
0x10: {  	[smem:$0x3FAD] =	sst s8  }
0x11: {  	[smem:$0x3FAE] =	sst s9;
	s0 =	simm.s32 @!p0 $0x0  }
0x12: {  	s1 =	sld [smem:$0x3F94];
	s0 =	simm.s32 @p0 $0x1  }
0x13: {  	[smem:$0x3FAF] =	sst s0;
	s0 =	simm.s32 @!p1 $0x0  }
0x14: {  	s2 =	sld [smem:$0x3F93];
	s0 =	simm.s32 @p1 $0x1  }
0x15: {  	[smem:$0x3FB0] =	sst s0;
	s0 =	simm.s32 @!p2 $0x0  }
0x16: {  	s3 =	sld [smem:$0x3FDB];
	s0 =	simm.s32 @p2 $0x1  }
0x17: {  	s4 =	simm.s32 $0x1BF5;
	[smem:$0x3FB2] =	sst s0  }
0x18: {  	s0 =	sld [smem:$0x3F95];
	_ =	swait.ge [sflag:s4], $0x0  }
0x19: {  	s7 =	sld [smem:$0x3F96]  }
0x1a: {  	s8 =	sadd.s32 $0xFFFFE003, lr  }
0x1b: {  	s9 =	sadd.s32 $0xFFFFFEF7, lr;
	s5 =	simm.s32 $0xFFFFFFFF;
	p2 =	slt.u32 s8, $0xFFFFF086  }
0x1c: {  	p1 =	slt.u32 s9, $0xF7A;
	s5 =	simm.s32 @!p2 $0x0  }
0x1d: {  	s5 =	simm.s32 @p1 $0x1;
	p0 =	seq.s32 s7, s2  }
0x1e: {  	s7 =	smul.u32 @!p0 $0xF7A, s2;
	p2 =	seq.s32 @!p0 s5, $0x0  }
0x1f: {  	s9 =	smul.u32 $0xF7A, s1;
	s8 =	simm.s32 @!p0 $0x1BF5;
	p2 =	por !p2, p0  }
0x20: {  	[sflag:s8] =	ssyncset.s32 @!p0 $0xFFFFF086;
	s6 =	sadd.s32 @!p0 s3, s7;
	s7 =	simm.s32 @!p0 $0x108  }
0x21: {  	s3 =	sadd.s32 s3, s9;
	s6 =	sadd.s32 @!p0 $0x88, s6;
	s7 =	simm.s32 @p2 $0x1082  }
0x22: {  	[simem:s7], [sflag:s8] =	dma.local @!p0 [hbm:s6], $0xF7A  }
0x23: {  	s9 =	sor.u32 $0xD0000000, s2;
	s6 =	simm.s32 $0x108;
	_ =	swait.ge @!p0 [sflag:s8], $0x0  }
0x24: {  	s3 =	sadd.s32 $0x88, s3;
	s6 =	simm.s32 @!p1 $0x1082;
	[sflag:s4] =	ssyncset.s32 $0xFFFFF086  }
0x25: {  	[simem:s6], [sflag:s4] =	dma.local [hbm:s3], $0xF7A  }
0x26: {  	[smem:$0x3F96] =	sst s1;
	(tag) =	ssettag s2;
	_ =	strace s9  }
0x27: {  	s1 =	sld [smem:$0x3FA6]  }
0x28: {  	s2 =	sld [smem:$0x3FA7]  }
0x29: {  	s4 =	sld [smem:$0x3FA9]  }
0x2a: {  	p0 =	seq.s32 s5, $0x0;
	s5 =	sld [smem:$0x3FAA]  }
0x2b: {  	s6 =	sld [smem:$0x3FAB]  }
0x2c: {  	s7 =	sld [smem:$0x3FAC]  }
0x2d: {  	s3 =	simm.s32 $0x108;
	s8 =	sld [smem:$0x3FAD]  }
0x2e: {  	s3 =	simm.s32 @!p0 $0x1082;
	s9 =	sld [smem:$0x3FAE]  }
0x2f: {  	lr =	sadd.s32 s0, s3;
	s0 =	sld [smem:$0x3FA5]  }
0x30: {  	s3 =	sld [smem:$0x3FA8]  }
0x31: {  	[smem:$0x3FB1] =	sst s10  }
0x32: {  	s10 =	sld [smem:$0x3FAF];
	_ =	sdelay $0x3  }
0x33: {  	p0 =	seq.s32 s10, $0x1;
	s10 =	sld [smem:$0x3FB1];
	_ =	sdelay $0x3  }
0x34: {  	[smem:$0x3FB1] =	sst s10  }
0x35: {  	s10 =	sld [smem:$0x3FB0];
	_ =	sdelay $0x3  }
0x36: {  	p1 =	seq.s32 s10, $0x1;
	s10 =	sld [smem:$0x3FB1];
	_ =	sdelay $0x3  }
0x37: {  	[smem:$0x3FB1] =	sst s10  }
0x38: {  	s10 =	sld [smem:$0x3FB2]  }
0x39: {  	_ = 	snop;
	(pc) =	sbr.ind lr, $3  }
0x3a: {  	_ = 	snop  }
0x3b: {  	_ = 	snop  }
0x3c: {  	p2 =	seq.s32 s10, $0x1;
	s10 =	sld [smem:$0x3FB1]  }
0x3d: {  	_ =	shalt  }
0x3e: {  	_ =	shalt  }
0x3f: {  	_ =	shalt  }
0x40: {  	_ =	shalt  }
0x41: {  	_ =	shalt  }
0x42: {  	_ =	shalt  }
0x43: {  	_ =	shalt  }
0x44: {  	_ =	shalt  }
0x45: {  	_ =	shalt  }
0x46: {  	_ =	shalt  }
0x47: {  	_ =	shalt  }
0x48: {  	_ =	shalt  }
0x49: {  	_ =	shalt  }
0x4a: {  	_ =	shalt  }
0x4b: {  	_ =	shalt  }
0x4c: {  	_ =	shalt  }
0x4d: {  	_ =	shalt  }
0x4e: {  	_ =	shalt  }
0x4f: {  	_ =	shalt  }
0x50: {  	_ =	shalt  }
0x51: {  	_ =	shalt  }
0x52: {  	_ =	shalt  }
0x53: {  	_ =	shalt  }
0x54: {  	_ =	shalt  }
0x55: {  	_ =	shalt  }
0x56: {  	_ =	shalt  }
0x57: {  	_ =	shalt  }
0x58: {  	_ =	shalt  }
0x59: {  	_ =	shalt  }
0x5a: {  	_ =	shalt  }
0x5b: {  	_ =	shalt  }
0x5c: {  	_ =	shalt  }
0x5d: {  	_ =	shalt  }
0x5e: {  	_ =	shalt  }
0x5f: {  	_ =	shalt  }
0x60: {  	_ =	shalt  }
0x61: {  	_ =	shalt  }
0x62: {  	_ =	shalt  }
0x63: {  	_ =	shalt  }
0x64: {  	_ =	shalt  }
0x65: {  	_ =	shalt  }
0x66: {  	_ =	shalt  }
0x67: {  	_ =	shalt  }
0x68: {  	_ =	shalt  }
0x69: {  	_ =	shalt  }
0x6a: {  	_ =	shalt  }
0x6b: {  	_ =	shalt  }
0x6c: {  	_ =	shalt  }
0x6d: {  	_ =	shalt  }
0x6e: {  	_ =	shalt  }
0x6f: {  	_ =	shalt  }
0x70: {  	_ =	shalt  }
0x71: {  	_ =	shalt  }
0x72: {  	_ =	shalt  }
0x73: {  	_ =	shalt  }
0x74: {  	_ =	shalt  }
0x75: {  	_ =	shalt  }
0x76: {  	_ =	shalt  }
0x77: {  	_ =	shalt  }
0x78: {  	_ =	shalt  }
0x79: {  	_ =	shalt  }
0x7a: {  	_ =	shalt  }
0x7b: {  	_ =	shalt  }
0x7c: {  	_ =	shalt  }
0x7d: {  	_ =	shalt  }
0x7e: {  	_ =	shalt  }
0x7f: {  	_ =	shalt  }
0x80: {  	_ =	shalt  }
0x81: {  	_ =	shalt  }
0x82: {  	_ =	shalt  }
0x83: {  	_ =	shalt  }
0x84: {  	_ =	shalt  }
0x85: {  	_ =	shalt  }
0x86: {  	_ =	shalt  }
0x87: {  	_ =	shalt  }
.Lfunc_end0:
.L_simem_size_0:
called_computation.2_lowered:
.L_overlay_start_0:
0x88: {  	s2 =	sld [smem:$0x3FD9]  }
0x89: {  	s3 =	sld [smem:$0x3FFE];
	_ =	sdelay $0x1  }
0x8a: {  	s1 =	srdreg.scid  }
0x8b: {  	s0 =	sand.u32 $0x1, s1  }
0x8c: {  	s16 =	sshll.u32 s0, $0xA;
	s2 =	sadd.s32 s3, s2  }
0x8d: {  	s2 =	sadd.s32 s2, s16  }
0x8e: {  	[smem:$0x3FBD] =	sst s2  }
0x8f: {  	_ = 	snop  }
0x90: {  	(tm) =	ssettm $0x1  }
0x91: {  	s17 =	sld [smem:$0x3FFB];
	_ =	sdelay $0x3  }
0x92: {  	_ =	strace s17  }
0x93: {  	s2 =	sld [smem:$0x3FFC];
	_ =	sdelay $0x3  }
0x94: {  	_ =	strace s2  }
0x95: {  	s2 =	sld [smem:$0x3FFD];
	_ =	sdelay $0x3  }
0x96: {  	_ =	strace s2  }
0x97: {  	_ =	strace $0x8FFFFFFF  }
0x98: {  	s18 =	sld [smem:$0x3FDB];
	_ =	sdelay $0x1  }
0x99: {  	s19 =	simm.s32 $_scs_section_size  }
0x9a: {  	s4 =	simm.s32 $_size__tile_overlayer_lowered;
	s5 =	simm.s32 $_tile_overlayer_lowered  }
0x9b: {  	s22 =	simm.s32 $0x1BFF;
	s21 =	sshll.u32 s5, $0x1;
	s2 =	sadd.s32 s19, s18  }
0x9c: {  	s6 =	simm.s32 $0x0;
	s20 =	sshll.u32 s4, $0x1;
	s4 =	sadd.s32 s21, s2  }
0x9d: {  	[timem:s6], [sflag:s22] =	dma.local [hbm:s4], s20  }
0x9e: {  	_ =	swait.ge [sflag:s22], s20  }
0x9f: {  	s3 =	ssub.s32 $0x0, s20;
	[sflag:s22] =	ssyncset.done $0x0  }
0xa0: {  	[sflag:s22] =	ssyncadd.s32 s3;
	_ =	sdelay $0x1  }
0xa1: {  	s23 =	simm.s32 $0x1B8B  }
0xa2: {  	_ =	swait.ge [sflag:s23], $0x1  }
0xa3: {  	[sflag:s23] =	ssyncset.done $0x0  }
0xa4: {  	s25 =	simm.s32 $0x1B8E;
	s24 =	sld [smem:$0x3FFE];
	[sflag:s23] =	ssyncadd.s32 $0xFFFFFFFF  }
0xa5: {  	s26 =	simm.s32 $execute0_lowered;
	[smem:$0x3FD2] =	sst s25  }
0xa6: {  	s4 =	sshll.u32 s26, $0x1;
	_ =	strace $0x8000004C;
	[dreg:$0x1] =	wrdreg $0xFFFFFFFF  }
0xa7: {  	s28 =	simm.s32 $_size_execute0_lowered;
	s2 =	sadd.s32 s2, s4;
	[dreg:$0x0] =	wrdreg $0x0  }
0xa8: {  	s4 =	sshll.u32 s28, $0x1;
	[dreg:$0x2] =	wrdreg s2  }
0xa9: {  	[dreg:$0x3] =	wrdreg s4  }
0xaa: {  	[dreg:$0x4] =	wrdreg $0xC0  }
0xab: {  	_ =	task [dreg:s6], $0x5FFFF  }
0xac: {  	[dreg:$0x1] =	wrdreg $0xFFFFFFFF  }
0xad: {  	[dreg:$0x0] =	wrdreg $0x60  }
0xae: {  	[dreg:$0x2] =	wrdreg s24  }
0xaf: {  	[dreg:$0x3] =	wrdreg $0x90000  }
0xb0: {  	[dreg:$0x4] =	wrdreg $0x9  }
0xb1: {  	_ =	task.clear_ibuf [dreg:s6], $0x5FFFF;
	_ =	strace $0x9000004C  }
0xb2: {  	s29 =	simm.s32 $0x9;
	_ =	strace $0x8000004E  }
0xb3: {  	_ =	swait.ge [sflag:s29], $0x1  }
0xb4: {  	[sflag:s29] =	ssyncadd.s32 $0xFFFFFFFF  }
0xb5: {  	_ =	strace $0x9000004E  }
0xb6: {  	_ =	sfence  }
0xb7: {  	s30 =	sld [smem:$0x0];
	_ =	sdelay $0x2  }
0xb8: {  	s31 =	sshll.u32 s1, $0xD;
	s1 =	sshrl.u32 s1, $0x2  }
0xb9: {  	s3 =	sand.u32 $0x4000, s31;
	s1 =	sadd.s32 s1, s30  }
0xba: {  	s0 =	sor.u32 s3, s0;
	s1 =	sshll.u32 s1, $0x11  }
0xbb: {  	s0 =	sor.u32 s1, s0  }
0xbc: {  	s0 =	sadd.s32 $0x8F2B, s0  }
0xbd: {  	[sflag:s0] =	ssyncadd.remote.s32 $0x1  }
0xbe: {  	_ =	sfence.sel $0xFFFF  }
0xbf: {  	[dreg:$0x0] =	wrdreg $0xFFFFFFFF;
	(pc) =	sbr.abs _section_cstart, $3  }
0xc0: {  	[dreg:$0x1] =	wrdreg $0xFFFFFFFF  }
0xc1: {  	_ =	task.clear_ibuf [dreg:s6], $0x2FFFF;
	_ =	strace $0x9FFFFFFF  }
0xc2: {  	(tm) =	ssettm $0x7FFFFFFF  }
0xc3: {  	_ =	shalt  }
tec
execute0_lowered:
.L_overlay_start_1:
0x0: {  	(tag) =	ssettag $0x1  }
0x1: {  	s0 =	rddreg [dreg:$0x0];
	s13 =	stileid.u32  }
0x2: {  	s1 =	srdreg.scid;
	s2 =	rddreg [dreg:$0x1];
	s3 =	simm.s32 $0x0  }
0x3: {  	s15 =	simm.s32 $0x5;
	s17 =	simm.s32 $0x800;
	s18 =	simm.s32 $0xC00  }
0x4: {  	s19 =	simm.s32 $0x1;
	s16 =	simm.s32 $0xC80;
	s28 =	simm.s32 $0xA00  }
0x5: {  	s29 =	simm.s32 $0xD80;
	s30 =	simm.s32 $0xA80;
	s5 =	smul.u32 $0xA00, s13  }
0x6: {  	s31 =	simm.s32 $0xE00;
	s1 =	sand.u32 $0x1, s1;
	s7 =	smul.u32 $0x278, s13  }
0x7: {  	[smem:$0x7FF] =	sst s3;
	s4 =	sadd.s32 $0xB5400, s0;
	s8 =	smul.u32 $0x4F000, s13  }
0x8: {  	s9 =	sadd.s32 $0xCA00, s0;
	s22 =	sshll.u32 s13, $0x6;
	s6 =	smul.u32 $0x2780, s1  }
0x9: {  	_ =	strace $0x8000004D;
	s20 =	sshll.u32 s1, $0x4;
	s11 =	ssub.s32 $0x2, s1  }
0xa: {  	s1 =	smul.u32 $0xA000, s1;
	s14 =	sor.u32 $0x1C05, s22;
	s22 =	simm.s32 $0x5000  }
0xb: {  	s10 =	sadd.s32 s5, s0;
	s12 =	sshrl.u32 s11, $0x1;
	s8 =	sshrl.u32 s8, $0x2  }
0xc: {  	[dreg:$0x5] =	wrdreg s14;
	s6 =	sadd.s32 s7, s6;
	s7 =	sor.u32 s13, s20  }
0xd: {  	s11 =	ssub.s32 s11, s12;
	s21 =	sadd.s32 s8, s2;
	s8 =	sadd.s32 $0x5C400, s10  }
0xe: {  	s24 =	sadd.s32 $0x5C480, s10;
	s25 =	sadd.s32 s1, s9;
	s20 =	simm.s32 $0x80  }
0xf: {  	s1 =	simm.s32 $0xB00;
	s10 =	simm.s32 $0xF80;
	s12 =	simm.s32 $0x0  }
0x10: {  	s6 =	sshll.u32 s6, $0x4;
	s7 =	smul.u32 $0xA00, s7;
	[dreg:$0x7] =	wrdreg s24  }
0x11: {  	s26 =	smax.u32 s11, $0x1;
	s13 =	sadd.s32 s5, s25;
	s11 =	sshrl.u32 s21, $0x3  }
0x12: {  	s21 =	simm.s32 $0x1000;
	s25 =	simm.s32 $0x4;
	s24 =	simm.s32 $0x980  }
0x13: {  	s5 =	simm.s32 $0xB80;
	s0 =	sadd.s32 s6, s0;
	[dreg:$0x9] =	wrdreg s26  }
.Ltmp0:
0x14: {  	s6 =	sadd.s32 s4, s6;
	[dreg:$0xa] =	wrdreg s11;
	(pc) =	sbr.rel .LBB2_1-.Ltmp0, $4  }
0x15: {  	s26 =	simm.s32 $0xD00;
	[dreg:$0x3] =	wrdreg s6;
	s7 =	sadd.s32 s9, s7  }
0x16: {  	s0 =	sadd.s32 $0x104400, s0;
	s6 =	simm.s32 $0x2;
	[dreg:$0x4] =	wrdreg s7  }
0x17: {  	s9 =	simm.s32 $0xF00;
	s23 =	sadd.s32 $0x80, s7;
	[dreg:$0x8] =	wrdreg s0  }
0x18: {  	s0 =	simm.s32 $0xE80;
	[dreg:$0x6] =	wrdreg s23;
	s23 =	simm.s32 $0x3  }
.LBB2_4:
0x19: {  	_ =	swait.ge [sflag:s25], $0x4000  }
0x1a: {  	[sflag:s25] =	ssyncset.done $0x0  }
0x1b: {  	[sflag:s25] =	ssyncadd.s32 $0xFFFFC000  }
0x1c: {  	[spmem:s2] =	stream.indirect.scatter.add.f32 [tilespmem:s22], [sflag:$0x5], $0x80, s10, s20, $0xb8;
	[tilespmem:$0x1CC00] =	vst v63  }
0x1d: {  	_ =	swait.ge [sflag:s15], $0x4000  }
0x1e: {  	[sflag:s15] =	ssyncset.done $0x0  }
0x1f: {  	[sflag:s15] =	ssyncadd.s32 $0xFFFFC000  }
0x20: {  	[bflag:$0x0] =	sbarrier.arrive $0xFFFF  }
0x21: {  	s14 =	rddreg [dreg:$0x5]  }
0x22: {  	s7 =	rddreg [dreg:$0x8]  }
0x23: {  	s11 =	rddreg [dreg:$0xa]  }
0x24: {  	[hbm:s7], [sflag:s14] =	dma.local [spmem:s11], $0x2780  }
0x25: {  	_ =	swait.ge [sflag:s15], $0x2780  }
0x26: {  	s12 =	rddreg [dreg:$0xb]  }
0x27: {  	s7 =	rddreg [dreg:$0x9];
	s12 =	sadd.s32 $0x1, s12  }
0x28: {  	p0 =	sne.s32 s12, s7  }
.Ltmp1:
0x29: {  	_ = 	snop;
	(pc) =	sbr.rel @!p0 .LBB2_5-.Ltmp1, $3  }
0x2a: {  	_ =	sdelay $0x1  }
0x2b: {  	[sflag:s15] =	ssyncset.done $0x0  }
0x2c: {  	[sflag:s15] =	ssyncadd.s32 $0xFFFFD880  }
.LBB2_1:
0x2d: {  	[dreg:$0xb] =	wrdreg s12  }
0x2e: {  	s7 =	rddreg [dreg:$0x3]  }
0x2f: {  	[spmem:s11], [sflag:s14] =	dma.local [hbm:s7], $0x2780  }
0x30: {  	_ =	swait.ge [sflag:s15], $0x2780  }
0x31: {  	[sflag:s15] =	ssyncset.done $0x0  }
0x32: {  	s14 =	rddreg [dreg:$0x4];
	[sflag:s15] =	ssyncadd.s32 $0xFFFFD880  }
0x33: {  	[tilespmem:s3], [sflag:$0x1] =	stream.linear.gather [hbm4b:s14+s3], $0x400, $0x38;
	[tilespmem:$0x1CC00] =	vst v63  }
0x34: {  	s11 =	simm.s32 $0x400  }
0x35: {  	[tilespmem:s11], [sflag:$0x1] =	stream.linear.gather [hbm4b:s8+s3], $0x400, $0x38;
	[tilespmem:$0x1CC00] =	vst v63  }
0x36: {  	s12 =	rddreg [dreg:$0x6]  }
0x37: {  	[tilespmem:s17], [sflag:$0x2] =	stream.linear.gather [hbm4b:s12+s3], $0x400, $0x38;
	[tilespmem:$0x1CC00] =	vst v63  }
0x38: {  	s14 =	rddreg [dreg:$0x7]  }
0x39: {  	[tilespmem:s18], [sflag:$0x2] =	stream.linear.gather [hbm4b:s14+s3], $0x400, $0x38;
	[tilespmem:$0x1CC00] =	vst v63  }
0x3a: {  	[bflag:$0x0] =	sbarrier.arrive $0xFFFF  }
0x3b: {  	_ =	swait.ge [sflag:s19], $0x400  }
0x3c: {  	[sflag:s19] =	ssyncset.done $0x0  }
0x3d: {  	[sflag:s19] =	ssyncadd.s32 $0xFFFFFC00  }
0x3e: {  	_ =	swait.ge [sflag:s19], $0x400  }
0x3f: {  	[sflag:s19] =	ssyncset.done $0x0  }
0x40: {  	s11 =	simm.s32 $0x0;
	[sflag:s19] =	ssyncadd.s32 $0xFFFFFC00  }
0x41: {  	[tilespmem:s21], [sflag:$0x3] =	stream.indirect.gather [hbm4b:s4+s20], $0x80, s3, s20, $0xb8;
	[tilespmem:$0x1CC00] =	vst v63  }
.LBB2_2:
0x42: {  	[tilespmem:s22], [sflag:$0x4] =	stream.indirect.gather [hbm4b:s4+s20], $0x80, s20, s20, $0xb8;
	[tilespmem:$0x1CC00] =	vst v63  }
0x43: {  	_ =	swait.ge [sflag:s23], $0x4000  }
0x44: {  	[sflag:s23] =	ssyncset.done $0x0  }
0x45: {  	s7 =	simm.s32 $0x400;
	[sflag:s23] =	ssyncadd.s32 $0xFFFFC000  }
0x46: {  	[spmem:s2] =	stream.indirect.scatter.add.f32 [tilespmem:s21], [sflag:$0x5], $0x80, s7, s20, $0xb8;
	[tilespmem:$0x1CC00] =	vst v63  }
0x47: {  	_ =	swait.ge [sflag:s15], $0x4000  }
0x48: {  	[sflag:s15] =	ssyncset.done $0x0  }
0x49: {  	s14 =	simm.s32 $0x100;
	[sflag:s15] =	ssyncadd.s32 $0xFFFFC000  }
0x4a: {  	[tilespmem:s21], [sflag:$0x3] =	stream.indirect.gather [hbm4b:s4+s20], $0x80, s14, s20, $0xb8;
	[tilespmem:$0x1CC00] =	vst v63  }
0x4b: {  	_ =	swait.ge [sflag:s25], $0x4000  }
0x4c: {  	[sflag:s25] =	ssyncset.done $0x0  }
0x4d: {  	s12 =	simm.s32 $0x480;
	[sflag:s25] =	ssyncadd.s32 $0xFFFFC000  }
0x4e: {  	[spmem:s2] =	stream.indirect.scatter.add.f32 [tilespmem:s22], [sflag:$0x5], $0x80, s12, s20, $0xb8;
	[tilespmem:$0x1CC00] =	vst v63  }
0x4f: {  	_ =	swait.ge [sflag:s15], $0x4000  }
0x50: {  	[sflag:s15] =	ssyncset.done $0x0  }
0x51: {  	s14 =	simm.s32 $0x180;
	[sflag:s15] =	ssyncadd.s32 $0xFFFFC000  }
0x52: {  	[tilespmem:s22], [sflag:$0x4] =	stream.indirect.gather [hbm4b:s4+s20], $0x80, s14, s20, $0xb8;
	[tilespmem:$0x1CC00] =	vst v63  }
0x53: {  	_ =	swait.ge [sflag:s23], $0x4000  }
0x54: {  	[sflag:s23] =	ssyncset.done $0x0  }
0x55: {  	s12 =	simm.s32 $0x500;
	[sflag:s23] =	ssyncadd.s32 $0xFFFFC000  }
0x56: {  	[spmem:s2] =	stream.indirect.scatter.add.f32 [tilespmem:s21], [sflag:$0x5], $0x80, s12, s20, $0xb8;
	[tilespmem:$0x1CC00] =	vst v63  }
0x57: {  	_ =	swait.ge [sflag:s15], $0x4000  }
0x58: {  	[sflag:s15] =	ssyncset.done $0x0  }
0x59: {  	s14 =	simm.s32 $0x200;
	[sflag:s15] =	ssyncadd.s32 $0xFFFFC000  }
0x5a: {  	[tilespmem:s21], [sflag:$0x3] =	stream.indirect.gather [hbm4b:s4+s20], $0x80, s14, s20, $0xb8;
	[tilespmem:$0x1CC00] =	vst v63  }
0x5b: {  	_ =	swait.ge [sflag:s25], $0x4000  }
0x5c: {  	[sflag:s25] =	ssyncset.done $0x0  }
0x5d: {  	s12 =	simm.s32 $0x580;
	[sflag:s25] =	ssyncadd.s32 $0xFFFFC000  }
0x5e: {  	[spmem:s2] =	stream.indirect.scatter.add.f32 [tilespmem:s22], [sflag:$0x5], $0x80, s12, s20, $0xb8;
	[tilespmem:$0x1CC00] =	vst v63  }
0x5f: {  	_ =	swait.ge [sflag:s15], $0x4000  }
0x60: {  	[sflag:s15] =	ssyncset.done $0x0  }
0x61: {  	s14 =	simm.s32 $0x280;
	[sflag:s15] =	ssyncadd.s32 $0xFFFFC000  }
0x62: {  	[tilespmem:s22], [sflag:$0x4] =	stream.indirect.gather [hbm4b:s4+s20], $0x80, s14, s20, $0xb8;
	[tilespmem:$0x1CC00] =	vst v63  }
0x63: {  	_ =	swait.ge [sflag:s23], $0x4000  }
0x64: {  	[sflag:s23] =	ssyncset.done $0x0  }
0x65: {  	s12 =	simm.s32 $0x600;
	[sflag:s23] =	ssyncadd.s32 $0xFFFFC000  }
0x66: {  	[spmem:s2] =	stream.indirect.scatter.add.f32 [tilespmem:s21], [sflag:$0x5], $0x80, s12, s20, $0xb8;
	[tilespmem:$0x1CC00] =	vst v63  }
0x67: {  	_ =	swait.ge [sflag:s15], $0x4000  }
0x68: {  	[sflag:s15] =	ssyncset.done $0x0  }
0x69: {  	s14 =	simm.s32 $0x300;
	[sflag:s15] =	ssyncadd.s32 $0xFFFFC000  }
0x6a: {  	[tilespmem:s21], [sflag:$0x3] =	stream.indirect.gather [hbm4b:s4+s20], $0x80, s14, s20, $0xb8;
	[tilespmem:$0x1CC00] =	vst v63  }
0x6b: {  	_ =	swait.ge [sflag:s25], $0x4000  }
0x6c: {  	[sflag:s25] =	ssyncset.done $0x0  }
0x6d: {  	s12 =	simm.s32 $0x680;
	[sflag:s25] =	ssyncadd.s32 $0xFFFFC000  }
0x6e: {  	[spmem:s2] =	stream.indirect.scatter.add.f32 [tilespmem:s22], [sflag:$0x5], $0x80, s12, s20, $0xb8;
	[tilespmem:$0x1CC00] =	vst v63  }
0x6f: {  	_ =	swait.ge [sflag:s15], $0x4000  }
0x70: {  	[sflag:s15] =	ssyncset.done $0x0  }
0x71: {  	s14 =	simm.s32 $0x380;
	[sflag:s15] =	ssyncadd.s32 $0xFFFFC000  }
0x72: {  	[tilespmem:s22], [sflag:$0x4] =	stream.indirect.gather [hbm4b:s4+s20], $0x80, s14, s20, $0xb8;
	[tilespmem:$0x1CC00] =	vst v63  }
0x73: {  	_ =	swait.ge [sflag:s23], $0x4000  }
0x74: {  	[sflag:s23] =	ssyncset.done $0x0  }
0x75: {  	s12 =	simm.s32 $0x700;
	[sflag:s23] =	ssyncadd.s32 $0xFFFFC000  }
0x76: {  	[spmem:s2] =	stream.indirect.scatter.add.f32 [tilespmem:s21], [sflag:$0x5], $0x80, s12, s20, $0xb8;
	[tilespmem:$0x1CC00] =	vst v63  }
0x77: {  	_ =	swait.ge [sflag:s15], $0x4000  }
0x78: {  	[sflag:s15] =	ssyncset.done $0x0  }
0x79: {  	[sflag:s15] =	ssyncadd.s32 $0xFFFFC000  }
0x7a: {  	_ =	swait.ge [sflag:s6], $0x400  }
0x7b: {  	[sflag:s6] =	ssyncset.done $0x0  }
0x7c: {  	[sflag:s6] =	ssyncadd.s32 $0xFFFFFC00  }
0x7d: {  	_ =	swait.ge [sflag:s6], $0x400  }
0x7e: {  	[sflag:s6] =	ssyncset.done $0x0  }
0x7f: {  	[sflag:s6] =	ssyncadd.s32 $0xFFFFFC00  }
0x80: {  	[tilespmem:s21], [sflag:$0x3] =	stream.indirect.gather [hbm4b:s4+s20], $0x80, s17, s20, $0xb8;
	[tilespmem:$0x1CC00] =	vst v63  }
0x81: {  	_ =	swait.ge [sflag:s25], $0x4000  }
0x82: {  	[sflag:s25] =	ssyncset.done $0x0  }
0x83: {  	s14 =	simm.s32 $0x780;
	[sflag:s25] =	ssyncadd.s32 $0xFFFFC000  }
0x84: {  	[spmem:s2] =	stream.indirect.scatter.add.f32 [tilespmem:s22], [sflag:$0x5], $0x80, s14, s20, $0xb8;
	[tilespmem:$0x1CC00] =	vst v63  }
0x85: {  	p0 =	seq.s32 s11, $0x900;
	_ =	swait.ge [sflag:s15], $0x4000  }
0x86: {  	s12 =	sadd.s32 @!p0 s11, s13;
	[sflag:s15] =	ssyncset.done $0x0  }
0x87: {  	s7 =	simm.s32 @!p0 $0x0;
	s12 =	sadd.s32 @!p0 $0x100, s12;
	[sflag:s15] =	ssyncadd.s32 $0xFFFFC000  }
0x88: {  	[tilespmem:s7], [sflag:$0x1] =	stream.linear.gather @!p0 [hbm4b:s12+s7], $0x400, $0x38;
	[tilespmem:$0x1CC00] =	vst v63  }
0x89: {  	s12 =	sadd.s32 @!p0 s11, s8  }
0x8a: {  	s14 =	simm.s32 @!p0 $0x400;
	s12 =	sadd.s32 @!p0 $0x100, s12  }
0x8b: {  	[tilespmem:s14], [sflag:$0x1] =	stream.linear.gather @!p0 [hbm4b:s12+s7], $0x400, $0x38;
	[tilespmem:$0x1CC00] =	vst v63  }
0x8c: {  	s12 =	simm.s32 $0x880  }
0x8d: {  	[tilespmem:s22], [sflag:$0x4] =	stream.indirect.gather [hbm4b:s4+s20], $0x80, s12, s20, $0xb8;
	[tilespmem:$0x1CC00] =	vst v63  }
0x8e: {  	_ =	swait.ge [sflag:s23], $0x4000  }
0x8f: {  	[sflag:s23] =	ssyncset.done $0x0  }
0x90: {  	[sflag:s23] =	ssyncadd.s32 $0xFFFFC000  }
0x91: {  	[spmem:s2] =	stream.indirect.scatter.add.f32 [tilespmem:s21], [sflag:$0x5], $0x80, s18, s20, $0xb8;
	[tilespmem:$0x1CC00] =	vst v63  }
0x92: {  	_ =	swait.ge [sflag:s15], $0x4000  }
0x93: {  	[sflag:s15] =	ssyncset.done $0x0  }
0x94: {  	s14 =	simm.s32 $0x900;
	[sflag:s15] =	ssyncadd.s32 $0xFFFFC000  }
0x95: {  	[tilespmem:s21], [sflag:$0x3] =	stream.indirect.gather [hbm4b:s4+s20], $0x80, s14, s20, $0xb8;
	[tilespmem:$0x1CC00] =	vst v63  }
0x96: {  	_ =	swait.ge [sflag:s25], $0x4000  }
0x97: {  	[sflag:s25] =	ssyncset.done $0x0  }
0x98: {  	[sflag:s25] =	ssyncadd.s32 $0xFFFFC000  }
0x99: {  	[spmem:s2] =	stream.indirect.scatter.add.f32 [tilespmem:s22], [sflag:$0x5], $0x80, s16, s20, $0xb8;
	[tilespmem:$0x1CC00] =	vst v63  }
0x9a: {  	_ =	swait.ge [sflag:s15], $0x4000  }
0x9b: {  	[sflag:s15] =	ssyncset.done $0x0  }
0x9c: {  	[sflag:s15] =	ssyncadd.s32 $0xFFFFC000  }
0x9d: {  	[tilespmem:s22], [sflag:$0x4] =	stream.indirect.gather [hbm4b:s4+s20], $0x80, s24, s20, $0xb8;
	[tilespmem:$0x1CC00] =	vst v63  }
0x9e: {  	_ =	swait.ge [sflag:s23], $0x4000  }
0x9f: {  	[sflag:s23] =	ssyncset.done $0x0  }
0xa0: {  	[sflag:s23] =	ssyncadd.s32 $0xFFFFC000  }
0xa1: {  	[spmem:s2] =	stream.indirect.scatter.add.f32 [tilespmem:s21], [sflag:$0x5], $0x80, s26, s20, $0xb8;
	[tilespmem:$0x1CC00] =	vst v63  }
0xa2: {  	_ =	swait.ge [sflag:s15], $0x4000  }
0xa3: {  	[sflag:s15] =	ssyncset.done $0x0  }
0xa4: {  	[sflag:s15] =	ssyncadd.s32 $0xFFFFC000  }
0xa5: {  	[tilespmem:s21], [sflag:$0x3] =	stream.indirect.gather [hbm4b:s4+s20], $0x80, s28, s20, $0xb8;
	[tilespmem:$0x1CC00] =	vst v63  }
0xa6: {  	_ =	swait.ge [sflag:s25], $0x4000  }
0xa7: {  	[sflag:s25] =	ssyncset.done $0x0  }
0xa8: {  	[sflag:s25] =	ssyncadd.s32 $0xFFFFC000  }
0xa9: {  	[spmem:s2] =	stream.indirect.scatter.add.f32 [tilespmem:s22], [sflag:$0x5], $0x80, s29, s20, $0xb8;
	[tilespmem:$0x1CC00] =	vst v63  }
0xaa: {  	_ =	swait.ge [sflag:s15], $0x4000  }
0xab: {  	[sflag:s15] =	ssyncset.done $0x0  }
0xac: {  	[sflag:s15] =	ssyncadd.s32 $0xFFFFC000  }
0xad: {  	[tilespmem:s22], [sflag:$0x4] =	stream.indirect.gather [hbm4b:s4+s20], $0x80, s30, s20, $0xb8;
	[tilespmem:$0x1CC00] =	vst v63  }
0xae: {  	_ =	swait.ge [sflag:s23], $0x4000  }
0xaf: {  	[sflag:s23] =	ssyncset.done $0x0  }
0xb0: {  	[sflag:s23] =	ssyncadd.s32 $0xFFFFC000  }
0xb1: {  	[spmem:s2] =	stream.indirect.scatter.add.f32 [tilespmem:s21], [sflag:$0x5], $0x80, s31, s20, $0xb8;
	[tilespmem:$0x1CC00] =	vst v63  }
0xb2: {  	_ =	swait.ge [sflag:s15], $0x4000  }
0xb3: {  	[sflag:s15] =	ssyncset.done $0x0  }
0xb4: {  	[sflag:s15] =	ssyncadd.s32 $0xFFFFC000  }
0xb5: {  	[tilespmem:s21], [sflag:$0x3] =	stream.indirect.gather [hbm4b:s4+s20], $0x80, s1, s20, $0xb8;
	[tilespmem:$0x1CC00] =	vst v63  }
0xb6: {  	_ =	swait.ge [sflag:s25], $0x4000  }
0xb7: {  	[sflag:s25] =	ssyncset.done $0x0  }
0xb8: {  	[sflag:s25] =	ssyncadd.s32 $0xFFFFC000  }
0xb9: {  	[spmem:s2] =	stream.indirect.scatter.add.f32 [tilespmem:s22], [sflag:$0x5], $0x80, s0, s20, $0xb8;
	[tilespmem:$0x1CC00] =	vst v63  }
0xba: {  	_ =	swait.ge [sflag:s15], $0x4000  }
0xbb: {  	[sflag:s15] =	ssyncset.done $0x0  }
0xbc: {  	[sflag:s15] =	ssyncadd.s32 $0xFFFFC000  }
0xbd: {  	[tilespmem:s22], [sflag:$0x4] =	stream.indirect.gather [hbm4b:s4+s20], $0x80, s5, s20, $0xb8;
	[tilespmem:$0x1CC00] =	vst v63  }
0xbe: {  	_ =	swait.ge [sflag:s23], $0x4000  }
0xbf: {  	[sflag:s23] =	ssyncset.done $0x0  }
.Ltmp2:
0xc0: {  	[sflag:s23] =	ssyncadd.s32 $0xFFFFC000;
	(pc) =	sbr.rel @p0 .LBB2_4-.Ltmp2, $4  }
0xc1: {  	[spmem:s2] =	stream.indirect.scatter.add.f32 [tilespmem:s21], [sflag:$0x5], $0x80, s9, s20, $0xb8;
	[tilespmem:$0x1CC00] =	vst v63  }
0xc2: {  	_ =	swait.ge [sflag:s15], $0x4000  }
0xc3: {  	[sflag:s15] =	ssyncset.done $0x0  }
0xc4: {  	[sflag:s15] =	ssyncadd.s32 $0xFFFFC000  }
0xc5: {  	_ =	swait.ge [sflag:s19], $0x400  }
0xc6: {  	[sflag:s19] =	ssyncset.done $0x0  }
0xc7: {  	[sflag:s19] =	ssyncadd.s32 $0xFFFFFC00  }
0xc8: {  	_ =	swait.ge [sflag:s19], $0x400  }
0xc9: {  	[sflag:s19] =	ssyncset.done $0x0  }
0xca: {  	[sflag:s19] =	ssyncadd.s32 $0xFFFFFC00  }
0xcb: {  	[tilespmem:s21], [sflag:$0x3] =	stream.indirect.gather [hbm4b:s4+s20], $0x80, s3, s20, $0xb8;
	[tilespmem:$0x1CC00] =	vst v63  }
0xcc: {  	_ =	swait.ge [sflag:s25], $0x4000  }
0xcd: {  	[sflag:s25] =	ssyncset.done $0x0  }
0xce: {  	[sflag:s25] =	ssyncadd.s32 $0xFFFFC000  }
0xcf: {  	[spmem:s2] =	stream.indirect.scatter.add.f32 [tilespmem:s22], [sflag:$0x5], $0x80, s10, s20, $0xb8;
	[tilespmem:$0x1CC00] =	vst v63  }
0xd0: {  	_ =	swait.ge [sflag:s15], $0x4000  }
.Ltmp3:
0xd1: {  	s7 =	sadd.s32 s11, s13;
	[sflag:s15] =	ssyncset.done $0x0;
	(pc) =	sbr.rel .LBB2_2-.Ltmp3, $4  }
0xd2: {  	s14 =	sadd.s32 s11, s8;
	s7 =	sadd.s32 $0x180, s7;
	[sflag:s15] =	ssyncadd.s32 $0xFFFFC000  }
0xd3: {  	[tilespmem:s17], [sflag:$0x2] =	stream.linear.gather [hbm4b:s7+s3], $0x400, $0x38;
	[tilespmem:$0x1CC00] =	vst v63  }
0xd4: {  	s11 =	sadd.s32 $0x100, s11;
	s7 =	sadd.s32 $0x180, s14  }
0xd5: {  	[tilespmem:s18], [sflag:$0x2] =	stream.linear.gather [hbm4b:s7+s3], $0x400, $0x38;
	[tilespmem:$0x1CC00] =	vst v63  }
.LBB2_5:
0xd6: {  	_ =	sfence.sel $0x180000  }
0xd7: {  	[bflag:$0x0] =	sbarrier.arrive $0xFFFF  }
0xd8: {  	_ =	strace $0x9000004D  }
0xd9: {  	s0 =	stileid.u32;
	[bflag:$0x2] =	sbarrier.arrive $0xFFFF  }
0xda: {  	p0 =	sne.s32 s0, $0x0;
	s0 =	rddreg [dreg:$0x2]  }
0xdb: {  	s0 =	sadd.s32 @!p0 $0x100000, s0  }
0xdc: {  	[sflag:s0] =	ssyncadd.tile.s32 @!p0 $0x1;
	_ =	shalt  }
.Lfunc_end2:
_tile_overlayer_lowered:
.L_overlay_start_2:
0xdd: {  	(tag) =	ssettag $0x2  }
0xde: {  	s0 =	rddreg [dreg:$0x0];
	s2 =	stileid.u32  }
0xdf: {  	s1 =	rddreg [dreg:$0x1];
	p0 =	sne.s32 s2, $0x0  }
0xe0: {  	s3 =	rddreg [dreg:$0x2];
	[bflag:$0x3] =	sbarrier.arrive $0xFFFF;
	s2 =	simm.s32 @!p0 $0x1C05  }
0xe1: {  	[timem:s3], [sflag:s2] =	dma.local @!p0 [hbm:s0], s1  }
0xe2: {  	s0 =	simm.s32 @!p0 $0x5  }
0xe3: {  	_ =	swait.ge @!p0 [sflag:s0], s1  }
0xe4: {  	s1 =	ssub.s32 @!p0 $0x0, s1;
	[sflag:s0] =	ssyncset.done @!p0 $0x0  }
0xe5: {  	[sflag:s0] =	ssyncadd.s32 @!p0 s1  }
0xe6: {  	[bflag:$0x3] =	sbarrier.arrive $0xFFFF  }
0xe7: {  	_ =	shalt  }

// kernel: kernel.7.cloned.1.call-start
scs
__scs_entry_jumppad:
0x0: {  	(pc) =	sbr.rel $0x88, $3  }
0x1: {  	(tag) =	ssettag $0x0;
	lr =	simm.s32 $0x1  }
0x2: {  	[smem:$0x3F96] =	sst lr;
	_ =	strace $0xD0000000  }
0x3: {  	_ = 	snop  }
0x4: {  	_ = 	snop  }
0x5: {  	_ = 	snop  }
0x6: {  	_ = 	snop  }
0x7: {  	_ = 	snop  }
__scs_overlays_trampoline_lowered:
0x8: {  	[smem:$0x3FA5] =	sst s0  }
0x9: {  	[smem:$0x3FA6] =	sst s1  }
0xa: {  	[smem:$0x3FA7] =	sst s2  }
0xb: {  	[smem:$0x3FA8] =	sst s3  }
0xc: {  	[smem:$0x3FA9] =	sst s4  }
0xd: {  	[smem:$0x3FAA] =	sst s5  }
0xe: {  	[smem:$0x3FAB] =	sst s6  }
0xf: {  	[smem:$0x3FAC] =	sst s7  }
0x10: {  	[smem:$0x3FAD] =	sst s8  }
0x11: {  	[smem:$0x3FAE] =	sst s9;
	s0 =	simm.s32 @!p0 $0x0  }
0x12: {  	s1 =	sld [smem:$0x3F94];
	s0 =	simm.s32 @p0 $0x1  }
0x13: {  	[smem:$0x3FAF] =	sst s0;
	s0 =	simm.s32 @!p1 $0x0  }
0x14: {  	s2 =	sld [smem:$0x3F93];
	s0 =	simm.s32 @p1 $0x1  }
0x15: {  	[smem:$0x3FB0] =	sst s0;
	s0 =	simm.s32 @!p2 $0x0  }
0x16: {  	s3 =	sld [smem:$0x3FDB];
	s0 =	simm.s32 @p2 $0x1  }
0x17: {  	s4 =	simm.s32 $0x1BF5;
	[smem:$0x3FB2] =	sst s0  }
0x18: {  	s0 =	sld [smem:$0x3F95];
	_ =	swait.ge [sflag:s4], $0x0  }
0x19: {  	s7 =	sld [smem:$0x3F96]  }
0x1a: {  	s8 =	sadd.s32 $0xFFFFE003, lr  }
0x1b: {  	s9 =	sadd.s32 $0xFFFFFEF7, lr;
	s5 =	simm.s32 $0xFFFFFFFF;
	p2 =	slt.u32 s8, $0xFFFFF086  }
0x1c: {  	p1 =	slt.u32 s9, $0xF7A;
	s5 =	simm.s32 @!p2 $0x0  }
0x1d: {  	s5 =	simm.s32 @p1 $0x1;
	p0 =	seq.s32 s7, s2  }
0x1e: {  	s7 =	smul.u32 @!p0 $0xF7A, s2;
	p2 =	seq.s32 @!p0 s5, $0x0  }
0x1f: {  	s9 =	smul.u32 $0xF7A, s1;
	s8 =	simm.s32 @!p0 $0x1BF5;
	p2 =	por !p2, p0  }
0x20: {  	[sflag:s8] =	ssyncset.s32 @!p0 $0xFFFFF086;
	s6 =	sadd.s32 @!p0 s3, s7;
	s7 =	simm.s32 @!p0 $0x108  }
0x21: {  	s3 =	sadd.s32 s3, s9;
	s6 =	sadd.s32 @!p0 $0x88, s6;
	s7 =	simm.s32 @p2 $0x1082  }
0x22: {  	[simem:s7], [sflag:s8] =	dma.local @!p0 [hbm:s6], $0xF7A  }
0x23: {  	s9 =	sor.u32 $0xD0000000, s2;
	s6 =	simm.s32 $0x108;
	_ =	swait.ge @!p0 [sflag:s8], $0x0  }
0x24: {  	s3 =	sadd.s32 $0x88, s3;
	s6 =	simm.s32 @!p1 $0x1082;
	[sflag:s4] =	ssyncset.s32 $0xFFFFF086  }
0x25: {  	[simem:s6], [sflag:s4] =	dma.local [hbm:s3], $0xF7A  }
0x26: {  	[smem:$0x3F96] =	sst s1;
	(tag) =	ssettag s2;
	_ =	strace s9  }
0x27: {  	s1 =	sld [smem:$0x3FA6]  }
0x28: {  	s2 =	sld [smem:$0x3FA7]  }
0x29: {  	s4 =	sld [smem:$0x3FA9]  }
0x2a: {  	p0 =	seq.s32 s5, $0x0;
	s5 =	sld [smem:$0x3FAA]  }
0x2b: {  	s6 =	sld [smem:$0x3FAB]  }
0x2c: {  	s7 =	sld [smem:$0x3FAC]  }
0x2d: {  	s3 =	simm.s32 $0x108;
	s8 =	sld [smem:$0x3FAD]  }
0x2e: {  	s3 =	simm.s32 @!p0 $0x1082;
	s9 =	sld [smem:$0x3FAE]  }
0x2f: {  	lr =	sadd.s32 s0, s3;
	s0 =	sld [smem:$0x3FA5]  }
0x30: {  	s3 =	sld [smem:$0x3FA8]  }
0x31: {  	[smem:$0x3FB1] =	sst s10  }
0x32: {  	s10 =	sld [smem:$0x3FAF];
	_ =	sdelay $0x3  }
0x33: {  	p0 =	seq.s32 s10, $0x1;
	s10 =	sld [smem:$0x3FB1];
	_ =	sdelay $0x3  }
0x34: {  	[smem:$0x3FB1] =	sst s10  }
0x35: {  	s10 =	sld [smem:$0x3FB0];
	_ =	sdelay $0x3  }
0x36: {  	p1 =	seq.s32 s10, $0x1;
	s10 =	sld [smem:$0x3FB1];
	_ =	sdelay $0x3  }
0x37: {  	[smem:$0x3FB1] =	sst s10  }
0x38: {  	s10 =	sld [smem:$0x3FB2]  }
0x39: {  	_ = 	snop;
	(pc) =	sbr.ind lr, $3  }
0x3a: {  	_ = 	snop  }
0x3b: {  	_ = 	snop  }
0x3c: {  	p2 =	seq.s32 s10, $0x1;
	s10 =	sld [smem:$0x3FB1]  }
0x3d: {  	_ =	shalt  }
0x3e: {  	_ =	shalt  }
0x3f: {  	_ =	shalt  }
0x40: {  	_ =	shalt  }
0x41: {  	_ =	shalt  }
0x42: {  	_ =	shalt  }
0x43: {  	_ =	shalt  }
0x44: {  	_ =	shalt  }
0x45: {  	_ =	shalt  }
0x46: {  	_ =	shalt  }
0x47: {  	_ =	shalt  }
0x48: {  	_ =	shalt  }
0x49: {  	_ =	shalt  }
0x4a: {  	_ =	shalt  }
0x4b: {  	_ =	shalt  }
0x4c: {  	_ =	shalt  }
0x4d: {  	_ =	shalt  }
0x4e: {  	_ =	shalt  }
0x4f: {  	_ =	shalt  }
0x50: {  	_ =	shalt  }
0x51: {  	_ =	shalt  }
0x52: {  	_ =	shalt  }
0x53: {  	_ =	shalt  }
0x54: {  	_ =	shalt  }
0x55: {  	_ =	shalt  }
0x56: {  	_ =	shalt  }
0x57: {  	_ =	shalt  }
0x58: {  	_ =	shalt  }
0x59: {  	_ =	shalt  }
0x5a: {  	_ =	shalt  }
0x5b: {  	_ =	shalt  }
0x5c: {  	_ =	shalt  }
0x5d: {  	_ =	shalt  }
0x5e: {  	_ =	shalt  }
0x5f: {  	_ =	shalt  }
0x60: {  	_ =	shalt  }
0x61: {  	_ =	shalt  }
0x62: {  	_ =	shalt  }
0x63: {  	_ =	shalt  }
0x64: {  	_ =	shalt  }
0x65: {  	_ =	shalt  }
0x66: {  	_ =	shalt  }
0x67: {  	_ =	shalt  }
0x68: {  	_ =	shalt  }
0x69: {  	_ =	shalt  }
0x6a: {  	_ =	shalt  }
0x6b: {  	_ =	shalt  }
0x6c: {  	_ =	shalt  }
0x6d: {  	_ =	shalt  }
0x6e: {  	_ =	shalt  }
0x6f: {  	_ =	shalt  }
0x70: {  	_ =	shalt  }
0x71: {  	_ =	shalt  }
0x72: {  	_ =	shalt  }
0x73: {  	_ =	shalt  }
0x74: {  	_ =	shalt  }
0x75: {  	_ =	shalt  }
0x76: {  	_ =	shalt  }
0x77: {  	_ =	shalt  }
0x78: {  	_ =	shalt  }
0x79: {  	_ =	shalt  }
0x7a: {  	_ =	shalt  }
0x7b: {  	_ =	shalt  }
0x7c: {  	_ =	shalt  }
0x7d: {  	_ =	shalt  }
0x7e: {  	_ =	shalt  }
0x7f: {  	_ =	shalt  }
0x80: {  	_ =	shalt  }
0x81: {  	_ =	shalt  }
0x82: {  	_ =	shalt  }
0x83: {  	_ =	shalt  }
0x84: {  	_ =	shalt  }
0x85: {  	_ =	shalt  }
0x86: {  	_ =	shalt  }
0x87: {  	_ =	shalt  }
.Lfunc_end0:
.L_simem_size_0:
called_computation.1_lowered:
.L_overlay_start_0:
0x88: {  	s2 =	sld [smem:$0x3FD9]  }
0x89: {  	s3 =	sld [smem:$0x3FFE];
	_ =	sdelay $0x1  }
0x8a: {  	s1 =	srdreg.scid  }
0x8b: {  	s0 =	sand.u32 $0x1, s1  }
0x8c: {  	s16 =	sshll.u32 s0, $0xA;
	s2 =	sadd.s32 s3, s2  }
0x8d: {  	s2 =	sadd.s32 s2, s16  }
0x8e: {  	[smem:$0x3FBD] =	sst s2  }
0x8f: {  	_ = 	snop  }
0x90: {  	(tm) =	ssettm $0x1  }
0x91: {  	s17 =	sld [smem:$0x3FFB];
	_ =	sdelay $0x3  }
0x92: {  	_ =	strace s17  }
0x93: {  	s2 =	sld [smem:$0x3FFC];
	_ =	sdelay $0x3  }
0x94: {  	_ =	strace s2  }
0x95: {  	s2 =	sld [smem:$0x3FFD];
	_ =	sdelay $0x3  }
0x96: {  	_ =	strace s2  }
0x97: {  	_ =	strace $0x8FFFFFFF  }
0x98: {  	s18 =	sld [smem:$0x3FDB];
	_ =	sdelay $0x1  }
0x99: {  	s19 =	simm.s32 $_scs_section_size  }
0x9a: {  	s4 =	simm.s32 $_size__tile_overlayer_lowered;
	s5 =	simm.s32 $_tile_overlayer_lowered  }
0x9b: {  	s22 =	simm.s32 $0x1BFF;
	s21 =	sshll.u32 s5, $0x1;
	s2 =	sadd.s32 s19, s18  }
0x9c: {  	s6 =	simm.s32 $0x0;
	s20 =	sshll.u32 s4, $0x1;
	s4 =	sadd.s32 s21, s2  }
0x9d: {  	[timem:s6], [sflag:s22] =	dma.local [hbm:s4], s20  }
0x9e: {  	_ =	swait.ge [sflag:s22], s20  }
0x9f: {  	s3 =	ssub.s32 $0x0, s20;
	[sflag:s22] =	ssyncset.done $0x0  }
0xa0: {  	[sflag:s22] =	ssyncadd.s32 s3;
	_ =	sdelay $0x1  }
0xa1: {  	s23 =	simm.s32 $0x1B8B  }
0xa2: {  	_ =	swait.ge [sflag:s23], $0x1  }
0xa3: {  	[sflag:s23] =	ssyncset.done $0x0  }
0xa4: {  	s25 =	simm.s32 $0x1B8E;
	s24 =	sld [smem:$0x3FFE];
	[sflag:s23] =	ssyncadd.s32 $0xFFFFFFFF  }
0xa5: {  	s26 =	simm.s32 $execute0_lowered;
	[smem:$0x3FD2] =	sst s25  }
0xa6: {  	s4 =	sshll.u32 s26, $0x1;
	_ =	strace $0x80000049;
	[dreg:$0x1] =	wrdreg $0xFFFFFFFF  }
0xa7: {  	s28 =	simm.s32 $_size_execute0_lowered;
	s2 =	sadd.s32 s2, s4;
	[dreg:$0x0] =	wrdreg $0x0  }
0xa8: {  	s4 =	sshll.u32 s28, $0x1;
	[dreg:$0x2] =	wrdreg s2  }
0xa9: {  	[dreg:$0x3] =	wrdreg s4  }
0xaa: {  	[dreg:$0x4] =	wrdreg $0xC0  }
0xab: {  	_ =	task [dreg:s6], $0x5FFFF  }
0xac: {  	[dreg:$0x1] =	wrdreg $0xFFFFFFFF  }
0xad: {  	[dreg:$0x0] =	wrdreg $0x60  }
0xae: {  	[dreg:$0x2] =	wrdreg s24  }
0xaf: {  	[dreg:$0x3] =	wrdreg $0x90000  }
0xb0: {  	[dreg:$0x4] =	wrdreg $0x9  }
0xb1: {  	_ =	task.clear_ibuf [dreg:s6], $0x5FFFF;
	_ =	strace $0x90000049  }
0xb2: {  	s29 =	simm.s32 $0x9;
	_ =	strace $0x8000004B  }
0xb3: {  	_ =	swait.ge [sflag:s29], $0x1  }
0xb4: {  	[sflag:s29] =	ssyncadd.s32 $0xFFFFFFFF  }
0xb5: {  	_ =	strace $0x9000004B  }
0xb6: {  	_ =	sfence  }
0xb7: {  	s30 =	sld [smem:$0x0];
	_ =	sdelay $0x2  }
0xb8: {  	s31 =	sshll.u32 s1, $0xD;
	s1 =	sshrl.u32 s1, $0x2  }
0xb9: {  	s3 =	sand.u32 $0x4000, s31;
	s1 =	sadd.s32 s1, s30  }
0xba: {  	s0 =	sor.u32 s3, s0;
	s1 =	sshll.u32 s1, $0x11  }
0xbb: {  	s0 =	sor.u32 s1, s0  }
0xbc: {  	s0 =	sadd.s32 $0x8F2B, s0  }
0xbd: {  	[sflag:s0] =	ssyncadd.remote.s32 $0x1  }
0xbe: {  	_ =	sfence.sel $0xFFFF  }
0xbf: {  	[dreg:$0x0] =	wrdreg $0xFFFFFFFF;
	(pc) =	sbr.abs _section_cstart, $3  }
0xc0: {  	[dreg:$0x1] =	wrdreg $0xFFFFFFFF  }
0xc1: {  	_ =	task.clear_ibuf [dreg:s6], $0x2FFFF;
	_ =	strace $0x9FFFFFFF  }
0xc2: {  	(tm) =	ssettm $0x7FFFFFFF  }
0xc3: {  	_ =	shalt  }
tec
execute0_lowered:
.L_overlay_start_1:
0x0: {  	(tag) =	ssettag $0x1  }
0x1: {  	s0 =	rddreg [dreg:$0x0];
	s13 =	stileid.u32  }
0x2: {  	s1 =	srdreg.scid;
	s2 =	rddreg [dreg:$0x1];
	s3 =	simm.s32 $0x0  }
0x3: {  	s15 =	simm.s32 $0x5;
	s17 =	simm.s32 $0x800;
	s18 =	simm.s32 $0xC00  }
0x4: {  	s19 =	simm.s32 $0x1;
	s16 =	simm.s32 $0xC80;
	s28 =	simm.s32 $0xA00  }
0x5: {  	s29 =	simm.s32 $0xD80;
	s30 =	simm.s32 $0xA80;
	s5 =	smul.u32 $0xA00, s13  }
0x6: {  	s31 =	simm.s32 $0xE00;
	s1 =	sand.u32 $0x1, s1;
	s7 =	smul.u32 $0x278, s13  }
0x7: {  	[smem:$0x7FF] =	sst s3;
	s4 =	sadd.s32 $0xB5400, s0;
	s8 =	smul.u32 $0x4F000, s13  }
0x8: {  	s9 =	sadd.s32 $0xCA00, s0;
	s22 =	sshll.u32 s13, $0x6;
	s6 =	smul.u32 $0x2780, s1  }
0x9: {  	_ =	strace $0x8000004A;
	s20 =	sshll.u32 s1, $0x4;
	s11 =	ssub.s32 $0x2, s1  }
0xa: {  	s1 =	smul.u32 $0xA000, s1;
	s14 =	sor.u32 $0x1C05, s22;
	s22 =	simm.s32 $0x5000  }
0xb: {  	s10 =	sadd.s32 s5, s0;
	s12 =	sshrl.u32 s11, $0x1;
	s8 =	sshrl.u32 s8, $0x2  }
0xc: {  	[dreg:$0x5] =	wrdreg s14;
	s6 =	sadd.s32 s7, s6;
	s7 =	sor.u32 s13, s20  }
0xd: {  	s11 =	ssub.s32 s11, s12;
	s21 =	sadd.s32 s8, s2;
	s8 =	sadd.s32 $0x5C400, s10  }
0xe: {  	s24 =	sadd.s32 $0x5C480, s10;
	s25 =	sadd.s32 s1, s9;
	s20 =	simm.s32 $0x80  }
0xf: {  	s1 =	simm.s32 $0xB00;
	s10 =	simm.s32 $0xF80;
	s12 =	simm.s32 $0x0  }
0x10: {  	s6 =	sshll.u32 s6, $0x4;
	s7 =	smul.u32 $0xA00, s7;
	[dreg:$0x7] =	wrdreg s24  }
0x11: {  	s26 =	smax.u32 s11, $0x1;
	s13 =	sadd.s32 s5, s25;
	s11 =	sshrl.u32 s21, $0x3  }
0x12: {  	s21 =	simm.s32 $0x1000;
	s25 =	simm.s32 $0x4;
	s24 =	simm.s32 $0x980  }
0x13: {  	s5 =	simm.s32 $0xB80;
	s0 =	sadd.s32 s6, s0;
	[dreg:$0x9] =	wrdreg s26  }
.Ltmp0:
0x14: {  	s6 =	sadd.s32 s4, s6;
	[dreg:$0xa] =	wrdreg s11;
	(pc) =	sbr.rel .LBB2_1-.Ltmp0, $4  }
0x15: {  	s26 =	simm.s32 $0xD00;
	[dreg:$0x3] =	wrdreg s6;
	s7 =	sadd.s32 s9, s7  }
0x16: {  	s0 =	sadd.s32 $0x104400, s0;
	s6 =	simm.s32 $0x2;
	[dreg:$0x4] =	wrdreg s7  }
0x17: {  	s9 =	simm.s32 $0xF00;
	s23 =	sadd.s32 $0x80, s7;
	[dreg:$0x8] =	wrdreg s0  }
0x18: {  	s0 =	simm.s32 $0xE80;
	[dreg:$0x6] =	wrdreg s23;
	s23 =	simm.s32 $0x3  }
.LBB2_4:
0x19: {  	_ =	swait.ge [sflag:s25], $0x4000  }
0x1a: {  	[sflag:s25] =	ssyncset.done $0x0  }
0x1b: {  	[sflag:s25] =	ssyncadd.s32 $0xFFFFC000  }
0x1c: {  	[spmem:s2] =	stream.indirect.scatter.add.f32 [tilespmem:s22], [sflag:$0x5], $0x80, s10, s20, $0xb8;
	[tilespmem:$0x1CC00] =	vst v63  }
0x1d: {  	_ =	swait.ge [sflag:s15], $0x4000  }
0x1e: {  	[sflag:s15] =	ssyncset.done $0x0  }
0x1f: {  	[sflag:s15] =	ssyncadd.s32 $0xFFFFC000  }
0x20: {  	[bflag:$0x0] =	sbarrier.arrive $0xFFFF  }
0x21: {  	s14 =	rddreg [dreg:$0x5]  }
0x22: {  	s7 =	rddreg [dreg:$0x8]  }
0x23: {  	s11 =	rddreg [dreg:$0xa]  }
0x24: {  	[hbm:s7], [sflag:s14] =	dma.local [spmem:s11], $0x2780  }
0x25: {  	_ =	swait.ge [sflag:s15], $0x2780  }
0x26: {  	s12 =	rddreg [dreg:$0xb]  }
0x27: {  	s7 =	rddreg [dreg:$0x9];
	s12 =	sadd.s32 $0x1, s12  }
0x28: {  	p0 =	sne.s32 s12, s7  }
.Ltmp1:
0x29: {  	_ = 	snop;
	(pc) =	sbr.rel @!p0 .LBB2_5-.Ltmp1, $3  }
0x2a: {  	_ =	sdelay $0x1  }
0x2b: {  	[sflag:s15] =	ssyncset.done $0x0  }
0x2c: {  	[sflag:s15] =	ssyncadd.s32 $0xFFFFD880  }
.LBB2_1:
0x2d: {  	[dreg:$0xb] =	wrdreg s12  }
0x2e: {  	s7 =	rddreg [dreg:$0x3]  }
0x2f: {  	[spmem:s11], [sflag:s14] =	dma.local [hbm:s7], $0x2780  }
0x30: {  	_ =	swait.ge [sflag:s15], $0x2780  }
0x31: {  	[sflag:s15] =	ssyncset.done $0x0  }
0x32: {  	s14 =	rddreg [dreg:$0x4];
	[sflag:s15] =	ssyncadd.s32 $0xFFFFD880  }
0x33: {  	[tilespmem:s3], [sflag:$0x1] =	stream.linear.gather [hbm4b:s14+s3], $0x400, $0x38;
	[tilespmem:$0x1CC00] =	vst v63  }
0x34: {  	s11 =	simm.s32 $0x400  }
0x35: {  	[tilespmem:s11], [sflag:$0x1] =	stream.linear.gather [hbm4b:s8+s3], $0x400, $0x38;
	[tilespmem:$0x1CC00] =	vst v63  }
0x36: {  	s12 =	rddreg [dreg:$0x6]  }
0x37: {  	[tilespmem:s17], [sflag:$0x2] =	stream.linear.gather [hbm4b:s12+s3], $0x400, $0x38;
	[tilespmem:$0x1CC00] =	vst v63  }
0x38: {  	s14 =	rddreg [dreg:$0x7]  }
0x39: {  	[tilespmem:s18], [sflag:$0x2] =	stream.linear.gather [hbm4b:s14+s3], $0x400, $0x38;
	[tilespmem:$0x1CC00] =	vst v63  }
0x3a: {  	[bflag:$0x0] =	sbarrier.arrive $0xFFFF  }
0x3b: {  	_ =	swait.ge [sflag:s19], $0x400  }
0x3c: {  	[sflag:s19] =	ssyncset.done $0x0  }
0x3d: {  	[sflag:s19] =	ssyncadd.s32 $0xFFFFFC00  }
0x3e: {  	_ =	swait.ge [sflag:s19], $0x400  }
0x3f: {  	[sflag:s19] =	ssyncset.done $0x0  }
0x40: {  	s11 =	simm.s32 $0x0;
	[sflag:s19] =	ssyncadd.s32 $0xFFFFFC00  }
0x41: {  	[tilespmem:s21], [sflag:$0x3] =	stream.indirect.gather [hbm4b:s4+s20], $0x80, s3, s20, $0xb8;
	[tilespmem:$0x1CC00] =	vst v63  }
.LBB2_2:
0x42: {  	[tilespmem:s22], [sflag:$0x4] =	stream.indirect.gather [hbm4b:s4+s20], $0x80, s20, s20, $0xb8;
	[tilespmem:$0x1CC00] =	vst v63  }
0x43: {  	_ =	swait.ge [sflag:s23], $0x4000  }
0x44: {  	[sflag:s23] =	ssyncset.done $0x0  }
0x45: {  	s7 =	simm.s32 $0x400;
	[sflag:s23] =	ssyncadd.s32 $0xFFFFC000  }
0x46: {  	[spmem:s2] =	stream.indirect.scatter.add.f32 [tilespmem:s21], [sflag:$0x5], $0x80, s7, s20, $0xb8;
	[tilespmem:$0x1CC00] =	vst v63  }
0x47: {  	_ =	swait.ge [sflag:s15], $0x4000  }
0x48: {  	[sflag:s15] =	ssyncset.done $0x0  }
0x49: {  	s14 =	simm.s32 $0x100;
	[sflag:s15] =	ssyncadd.s32 $0xFFFFC000  }
0x4a: {  	[tilespmem:s21], [sflag:$0x3] =	stream.indirect.gather [hbm4b:s4+s20], $0x80, s14, s20, $0xb8;
	[tilespmem:$0x1CC00] =	vst v63  }
0x4b: {  	_ =	swait.ge [sflag:s25], $0x4000  }
0x4c: {  	[sflag:s25] =	ssyncset.done $0x0  }
0x4d: {  	s12 =	simm.s32 $0x480;
	[sflag:s25] =	ssyncadd.s32 $0xFFFFC000  }
0x4e: {  	[spmem:s2] =	stream.indirect.scatter.add.f32 [tilespmem:s22], [sflag:$0x5], $0x80, s12, s20, $0xb8;
	[tilespmem:$0x1CC00] =	vst v63  }
0x4f: {  	_ =	swait.ge [sflag:s15], $0x4000  }
0x50: {  	[sflag:s15] =	ssyncset.done $0x0  }
0x51: {  	s14 =	simm.s32 $0x180;
	[sflag:s15] =	ssyncadd.s32 $0xFFFFC000  }
0x52: {  	[tilespmem:s22], [sflag:$0x4] =	stream.indirect.gather [hbm4b:s4+s20], $0x80, s14, s20, $0xb8;
	[tilespmem:$0x1CC00] =	vst v63  }
0x53: {  	_ =	swait.ge [sflag:s23], $0x4000  }
0x54: {  	[sflag:s23] =	ssyncset.done $0x0  }
0x55: {  	s12 =	simm.s32 $0x500;
	[sflag:s23] =	ssyncadd.s32 $0xFFFFC000  }
0x56: {  	[spmem:s2] =	stream.indirect.scatter.add.f32 [tilespmem:s21], [sflag:$0x5], $0x80, s12, s20, $0xb8;
	[tilespmem:$0x1CC00] =	vst v63  }
0x57: {  	_ =	swait.ge [sflag:s15], $0x4000  }
0x58: {  	[sflag:s15] =	ssyncset.done $0x0  }
0x59: {  	s14 =	simm.s32 $0x200;
	[sflag:s15] =	ssyncadd.s32 $0xFFFFC000  }
0x5a: {  	[tilespmem:s21], [sflag:$0x3] =	stream.indirect.gather [hbm4b:s4+s20], $0x80, s14, s20, $0xb8;
	[tilespmem:$0x1CC00] =	vst v63  }
0x5b: {  	_ =	swait.ge [sflag:s25], $0x4000  }
0x5c: {  	[sflag:s25] =	ssyncset.done $0x0  }
0x5d: {  	s12 =	simm.s32 $0x580;
	[sflag:s25] =	ssyncadd.s32 $0xFFFFC000  }
0x5e: {  	[spmem:s2] =	stream.indirect.scatter.add.f32 [tilespmem:s22], [sflag:$0x5], $0x80, s12, s20, $0xb8;
	[tilespmem:$0x1CC00] =	vst v63  }
0x5f: {  	_ =	swait.ge [sflag:s15], $0x4000  }
0x60: {  	[sflag:s15] =	ssyncset.done $0x0  }
0x61: {  	s14 =	simm.s32 $0x280;
	[sflag:s15] =	ssyncadd.s32 $0xFFFFC000  }
0x62: {  	[tilespmem:s22], [sflag:$0x4] =	stream.indirect.gather [hbm4b:s4+s20], $0x80, s14, s20, $0xb8;
	[tilespmem:$0x1CC00] =	vst v63  }
0x63: {  	_ =	swait.ge [sflag:s23], $0x4000  }
0x64: {  	[sflag:s23] =	ssyncset.done $0x0  }
0x65: {  	s12 =	simm.s32 $0x600;
	[sflag:s23] =	ssyncadd.s32 $0xFFFFC000  }
0x66: {  	[spmem:s2] =	stream.indirect.scatter.add.f32 [tilespmem:s21], [sflag:$0x5], $0x80, s12, s20, $0xb8;
	[tilespmem:$0x1CC00] =	vst v63  }
0x67: {  	_ =	swait.ge [sflag:s15], $0x4000  }
0x68: {  	[sflag:s15] =	ssyncset.done $0x0  }
0x69: {  	s14 =	simm.s32 $0x300;
	[sflag:s15] =	ssyncadd.s32 $0xFFFFC000  }
0x6a: {  	[tilespmem:s21], [sflag:$0x3] =	stream.indirect.gather [hbm4b:s4+s20], $0x80, s14, s20, $0xb8;
	[tilespmem:$0x1CC00] =	vst v63  }
0x6b: {  	_ =	swait.ge [sflag:s25], $0x4000  }
0x6c: {  	[sflag:s25] =	ssyncset.done $0x0  }
0x6d: {  	s12 =	simm.s32 $0x680;
	[sflag:s25] =	ssyncadd.s32 $0xFFFFC000  }
0x6e: {  	[spmem:s2] =	stream.indirect.scatter.add.f32 [tilespmem:s22], [sflag:$0x5], $0x80, s12, s20, $0xb8;
	[tilespmem:$0x1CC00] =	vst v63  }
0x6f: {  	_ =	swait.ge [sflag:s15], $0x4000  }
0x70: {  	[sflag:s15] =	ssyncset.done $0x0  }
0x71: {  	s14 =	simm.s32 $0x380;
	[sflag:s15] =	ssyncadd.s32 $0xFFFFC000  }
0x72: {  	[tilespmem:s22], [sflag:$0x4] =	stream.indirect.gather [hbm4b:s4+s20], $0x80, s14, s20, $0xb8;
	[tilespmem:$0x1CC00] =	vst v63  }
0x73: {  	_ =	swait.ge [sflag:s23], $0x4000  }
0x74: {  	[sflag:s23] =	ssyncset.done $0x0  }
0x75: {  	s12 =	simm.s32 $0x700;
	[sflag:s23] =	ssyncadd.s32 $0xFFFFC000  }
0x76: {  	[spmem:s2] =	stream.indirect.scatter.add.f32 [tilespmem:s21], [sflag:$0x5], $0x80, s12, s20, $0xb8;
	[tilespmem:$0x1CC00] =	vst v63  }
0x77: {  	_ =	swait.ge [sflag:s15], $0x4000  }
0x78: {  	[sflag:s15] =	ssyncset.done $0x0  }
0x79: {  	[sflag:s15] =	ssyncadd.s32 $0xFFFFC000  }
0x7a: {  	_ =	swait.ge [sflag:s6], $0x400  }
0x7b: {  	[sflag:s6] =	ssyncset.done $0x0  }
0x7c: {  	[sflag:s6] =	ssyncadd.s32 $0xFFFFFC00  }
0x7d: {  	_ =	swait.ge [sflag:s6], $0x400  }
0x7e: {  	[sflag:s6] =	ssyncset.done $0x0  }
0x7f: {  	[sflag:s6] =	ssyncadd.s32 $0xFFFFFC00  }
0x80: {  	[tilespmem:s21], [sflag:$0x3] =	stream.indirect.gather [hbm4b:s4+s20], $0x80, s17, s20, $0xb8;
	[tilespmem:$0x1CC00] =	vst v63  }
0x81: {  	_ =	swait.ge [sflag:s25], $0x4000  }
0x82: {  	[sflag:s25] =	ssyncset.done $0x0  }
0x83: {  	s14 =	simm.s32 $0x780;
	[sflag:s25] =	ssyncadd.s32 $0xFFFFC000  }
0x84: {  	[spmem:s2] =	stream.indirect.scatter.add.f32 [tilespmem:s22], [sflag:$0x5], $0x80, s14, s20, $0xb8;
	[tilespmem:$0x1CC00] =	vst v63  }
0x85: {  	p0 =	seq.s32 s11, $0x900;
	_ =	swait.ge [sflag:s15], $0x4000  }
0x86: {  	s12 =	sadd.s32 @!p0 s11, s13;
	[sflag:s15] =	ssyncset.done $0x0  }
0x87: {  	s7 =	simm.s32 @!p0 $0x0;
	s12 =	sadd.s32 @!p0 $0x100, s12;
	[sflag:s15] =	ssyncadd.s32 $0xFFFFC000  }
0x88: {  	[tilespmem:s7], [sflag:$0x1] =	stream.linear.gather @!p0 [hbm4b:s12+s7], $0x400, $0x38;
	[tilespmem:$0x1CC00] =	vst v63  }
0x89: {  	s12 =	sadd.s32 @!p0 s11, s8  }
0x8a: {  	s14 =	simm.s32 @!p0 $0x400;
	s12 =	sadd.s32 @!p0 $0x100, s12  }
0x8b: {  	[tilespmem:s14], [sflag:$0x1] =	stream.linear.gather @!p0 [hbm4b:s12+s7], $0x400, $0x38;
	[tilespmem:$0x1CC00] =	vst v63  }
0x8c: {  	s12 =	simm.s32 $0x880  }
0x8d: {  	[tilespmem:s22], [sflag:$0x4] =	stream.indirect.gather [hbm4b:s4+s20], $0x80, s12, s20, $0xb8;
	[tilespmem:$0x1CC00] =	vst v63  }
0x8e: {  	_ =	swait.ge [sflag:s23], $0x4000  }
0x8f: {  	[sflag:s23] =	ssyncset.done $0x0  }
0x90: {  	[sflag:s23] =	ssyncadd.s32 $0xFFFFC000  }
0x91: {  	[spmem:s2] =	stream.indirect.scatter.add.f32 [tilespmem:s21], [sflag:$0x5], $0x80, s18, s20, $0xb8;
	[tilespmem:$0x1CC00] =	vst v63  }
0x92: {  	_ =	swait.ge [sflag:s15], $0x4000  }
0x93: {  	[sflag:s15] =	ssyncset.done $0x0  }
0x94: {  	s14 =	simm.s32 $0x900;
	[sflag:s15] =	ssyncadd.s32 $0xFFFFC000  }
0x95: {  	[tilespmem:s21], [sflag:$0x3] =	stream.indirect.gather [hbm4b:s4+s20], $0x80, s14, s20, $0xb8;
	[tilespmem:$0x1CC00] =	vst v63  }
0x96: {  	_ =	swait.ge [sflag:s25], $0x4000  }
0x97: {  	[sflag:s25] =	ssyncset.done $0x0  }
0x98: {  	[sflag:s25] =	ssyncadd.s32 $0xFFFFC000  }
0x99: {  	[spmem:s2] =	stream.indirect.scatter.add.f32 [tilespmem:s22], [sflag:$0x5], $0x80, s16, s20, $0xb8;
	[tilespmem:$0x1CC00] =	vst v63  }
0x9a: {  	_ =	swait.ge [sflag:s15], $0x4000  }
0x9b: {  	[sflag:s15] =	ssyncset.done $0x0  }
0x9c: {  	[sflag:s15] =	ssyncadd.s32 $0xFFFFC000  }
0x9d: {  	[tilespmem:s22], [sflag:$0x4] =	stream.indirect.gather [hbm4b:s4+s20], $0x80, s24, s20, $0xb8;
	[tilespmem:$0x1CC00] =	vst v63  }
0x9e: {  	_ =	swait.ge [sflag:s23], $0x4000  }
0x9f: {  	[sflag:s23] =	ssyncset.done $0x0  }
0xa0: {  	[sflag:s23] =	ssyncadd.s32 $0xFFFFC000  }
0xa1: {  	[spmem:s2] =	stream.indirect.scatter.add.f32 [tilespmem:s21], [sflag:$0x5], $0x80, s26, s20, $0xb8;
	[tilespmem:$0x1CC00] =	vst v63  }
0xa2: {  	_ =	swait.ge [sflag:s15], $0x4000  }
0xa3: {  	[sflag:s15] =	ssyncset.done $0x0  }
0xa4: {  	[sflag:s15] =	ssyncadd.s32 $0xFFFFC000  }
0xa5: {  	[tilespmem:s21], [sflag:$0x3] =	stream.indirect.gather [hbm4b:s4+s20], $0x80, s28, s20, $0xb8;
	[tilespmem:$0x1CC00] =	vst v63  }
0xa6: {  	_ =	swait.ge [sflag:s25], $0x4000  }
0xa7: {  	[sflag:s25] =	ssyncset.done $0x0  }
0xa8: {  	[sflag:s25] =	ssyncadd.s32 $0xFFFFC000  }
0xa9: {  	[spmem:s2] =	stream.indirect.scatter.add.f32 [tilespmem:s22], [sflag:$0x5], $0x80, s29, s20, $0xb8;
	[tilespmem:$0x1CC00] =	vst v63  }
0xaa: {  	_ =	swait.ge [sflag:s15], $0x4000  }
0xab: {  	[sflag:s15] =	ssyncset.done $0x0  }
0xac: {  	[sflag:s15] =	ssyncadd.s32 $0xFFFFC000  }
0xad: {  	[tilespmem:s22], [sflag:$0x4] =	stream.indirect.gather [hbm4b:s4+s20], $0x80, s30, s20, $0xb8;
	[tilespmem:$0x1CC00] =	vst v63  }
0xae: {  	_ =	swait.ge [sflag:s23], $0x4000  }
0xaf: {  	[sflag:s23] =	ssyncset.done $0x0  }
0xb0: {  	[sflag:s23] =	ssyncadd.s32 $0xFFFFC000  }
0xb1: {  	[spmem:s2] =	stream.indirect.scatter.add.f32 [tilespmem:s21], [sflag:$0x5], $0x80, s31, s20, $0xb8;
	[tilespmem:$0x1CC00] =	vst v63  }
0xb2: {  	_ =	swait.ge [sflag:s15], $0x4000  }
0xb3: {  	[sflag:s15] =	ssyncset.done $0x0  }
0xb4: {  	[sflag:s15] =	ssyncadd.s32 $0xFFFFC000  }
0xb5: {  	[tilespmem:s21], [sflag:$0x3] =	stream.indirect.gather [hbm4b:s4+s20], $0x80, s1, s20, $0xb8;
	[tilespmem:$0x1CC00] =	vst v63  }
0xb6: {  	_ =	swait.ge [sflag:s25], $0x4000  }
0xb7: {  	[sflag:s25] =	ssyncset.done $0x0  }
0xb8: {  	[sflag:s25] =	ssyncadd.s32 $0xFFFFC000  }
0xb9: {  	[spmem:s2] =	stream.indirect.scatter.add.f32 [tilespmem:s22], [sflag:$0x5], $0x80, s0, s20, $0xb8;
	[tilespmem:$0x1CC00] =	vst v63  }
0xba: {  	_ =	swait.ge [sflag:s15], $0x4000  }
0xbb: {  	[sflag:s15] =	ssyncset.done $0x0  }
0xbc: {  	[sflag:s15] =	ssyncadd.s32 $0xFFFFC000  }
0xbd: {  	[tilespmem:s22], [sflag:$0x4] =	stream.indirect.gather [hbm4b:s4+s20], $0x80, s5, s20, $0xb8;
	[tilespmem:$0x1CC00] =	vst v63  }
0xbe: {  	_ =	swait.ge [sflag:s23], $0x4000  }
0xbf: {  	[sflag:s23] =	ssyncset.done $0x0  }
.Ltmp2:
0xc0: {  	[sflag:s23] =	ssyncadd.s32 $0xFFFFC000;
	(pc) =	sbr.rel @p0 .LBB2_4-.Ltmp2, $4  }
0xc1: {  	[spmem:s2] =	stream.indirect.scatter.add.f32 [tilespmem:s21], [sflag:$0x5], $0x80, s9, s20, $0xb8;
	[tilespmem:$0x1CC00] =	vst v63  }
0xc2: {  	_ =	swait.ge [sflag:s15], $0x4000  }
0xc3: {  	[sflag:s15] =	ssyncset.done $0x0  }
0xc4: {  	[sflag:s15] =	ssyncadd.s32 $0xFFFFC000  }
0xc5: {  	_ =	swait.ge [sflag:s19], $0x400  }
0xc6: {  	[sflag:s19] =	ssyncset.done $0x0  }
0xc7: {  	[sflag:s19] =	ssyncadd.s32 $0xFFFFFC00  }
0xc8: {  	_ =	swait.ge [sflag:s19], $0x400  }
0xc9: {  	[sflag:s19] =	ssyncset.done $0x0  }
0xca: {  	[sflag:s19] =	ssyncadd.s32 $0xFFFFFC00  }
0xcb: {  	[tilespmem:s21], [sflag:$0x3] =	stream.indirect.gather [hbm4b:s4+s20], $0x80, s3, s20, $0xb8;
	[tilespmem:$0x1CC00] =	vst v63  }
0xcc: {  	_ =	swait.ge [sflag:s25], $0x4000  }
0xcd: {  	[sflag:s25] =	ssyncset.done $0x0  }
0xce: {  	[sflag:s25] =	ssyncadd.s32 $0xFFFFC000  }
0xcf: {  	[spmem:s2] =	stream.indirect.scatter.add.f32 [tilespmem:s22], [sflag:$0x5], $0x80, s10, s20, $0xb8;
	[tilespmem:$0x1CC00] =	vst v63  }
0xd0: {  	_ =	swait.ge [sflag:s15], $0x4000  }
.Ltmp3:
0xd1: {  	s7 =	sadd.s32 s11, s13;
	[sflag:s15] =	ssyncset.done $0x0;
	(pc) =	sbr.rel .LBB2_2-.Ltmp3, $4  }
0xd2: {  	s14 =	sadd.s32 s11, s8;
	s7 =	sadd.s32 $0x180, s7;
	[sflag:s15] =	ssyncadd.s32 $0xFFFFC000  }
0xd3: {  	[tilespmem:s17], [sflag:$0x2] =	stream.linear.gather [hbm4b:s7+s3], $0x400, $0x38;
	[tilespmem:$0x1CC00] =	vst v63  }
0xd4: {  	s11 =	sadd.s32 $0x100, s11;
	s7 =	sadd.s32 $0x180, s14  }
0xd5: {  	[tilespmem:s18], [sflag:$0x2] =	stream.linear.gather [hbm4b:s7+s3], $0x400, $0x38;
	[tilespmem:$0x1CC00] =	vst v63  }
.LBB2_5:
0xd6: {  	_ =	sfence.sel $0x180000  }
0xd7: {  	[bflag:$0x0] =	sbarrier.arrive $0xFFFF  }
0xd8: {  	_ =	strace $0x9000004A  }
0xd9: {  	s0 =	stileid.u32;
	[bflag:$0x2] =	sbarrier.arrive $0xFFFF  }
0xda: {  	p0 =	sne.s32 s0, $0x0;
	s0 =	rddreg [dreg:$0x2]  }
0xdb: {  	s0 =	sadd.s32 @!p0 $0x100000, s0  }
0xdc: {  	[sflag:s0] =	ssyncadd.tile.s32 @!p0 $0x1;
	_ =	shalt  }
.Lfunc_end2:
_tile_overlayer_lowered:
.L_overlay_start_2:
0xdd: {  	(tag) =	ssettag $0x2  }
0xde: {  	s0 =	rddreg [dreg:$0x0];
	s2 =	stileid.u32  }
0xdf: {  	s1 =	rddreg [dreg:$0x1];
	p0 =	sne.s32 s2, $0x0  }
0xe0: {  	s3 =	rddreg [dreg:$0x2];
	[bflag:$0x3] =	sbarrier.arrive $0xFFFF;
	s2 =	simm.s32 @!p0 $0x1C05  }
0xe1: {  	[timem:s3], [sflag:s2] =	dma.local @!p0 [hbm:s0], s1  }
0xe2: {  	s0 =	simm.s32 @!p0 $0x5  }
0xe3: {  	_ =	swait.ge @!p0 [sflag:s0], s1  }
0xe4: {  	s1 =	ssub.s32 @!p0 $0x0, s1;
	[sflag:s0] =	ssyncset.done @!p0 $0x0  }
0xe5: {  	[sflag:s0] =	ssyncadd.s32 @!p0 s1  }
0xe6: {  	[bflag:$0x3] =	sbarrier.arrive $0xFFFF  }
0xe7: {  	_ =	shalt  }

// kernel: scatter_offload_async_start
scs
__scs_entry_jumppad:
0x0: {  	(pc) =	sbr.rel $0x88, $3  }
0x1: {  	(tag) =	ssettag $0x0;
	lr =	simm.s32 $0x1  }
0x2: {  	[smem:$0x3F96] =	sst lr;
	_ =	strace $0xD0000000  }
0x3: {  	_ = 	snop  }
0x4: {  	_ = 	snop  }
0x5: {  	_ = 	snop  }
0x6: {  	_ = 	snop  }
0x7: {  	_ = 	snop  }
__scs_overlays_trampoline_lowered:
0x8: {  	[smem:$0x3FA5] =	sst s0  }
0x9: {  	[smem:$0x3FA6] =	sst s1  }
0xa: {  	[smem:$0x3FA7] =	sst s2  }
0xb: {  	[smem:$0x3FA8] =	sst s3  }
0xc: {  	[smem:$0x3FA9] =	sst s4  }
0xd: {  	[smem:$0x3FAA] =	sst s5  }
0xe: {  	[smem:$0x3FAB] =	sst s6  }
0xf: {  	[smem:$0x3FAC] =	sst s7  }
0x10: {  	[smem:$0x3FAD] =	sst s8  }
0x11: {  	[smem:$0x3FAE] =	sst s9;
	s0 =	simm.s32 @!p0 $0x0  }
0x12: {  	s1 =	sld [smem:$0x3F94];
	s0 =	simm.s32 @p0 $0x1  }
0x13: {  	[smem:$0x3FAF] =	sst s0;
	s0 =	simm.s32 @!p1 $0x0  }
0x14: {  	s2 =	sld [smem:$0x3F93];
	s0 =	simm.s32 @p1 $0x1  }
0x15: {  	[smem:$0x3FB0] =	sst s0;
	s0 =	simm.s32 @!p2 $0x0  }
0x16: {  	s3 =	sld [smem:$0x3FDB];
	s0 =	simm.s32 @p2 $0x1  }
0x17: {  	s4 =	simm.s32 $0x1BF5;
	[smem:$0x3FB2] =	sst s0  }
0x18: {  	s0 =	sld [smem:$0x3F95];
	_ =	swait.ge [sflag:s4], $0x0  }
0x19: {  	s7 =	sld [smem:$0x3F96]  }
0x1a: {  	s8 =	sadd.s32 $0xFFFFE003, lr  }
0x1b: {  	s9 =	sadd.s32 $0xFFFFFEF7, lr;
	s5 =	simm.s32 $0xFFFFFFFF;
	p2 =	slt.u32 s8, $0xFFFFF086  }
0x1c: {  	p1 =	slt.u32 s9, $0xF7A;
	s5 =	simm.s32 @!p2 $0x0  }
0x1d: {  	s5 =	simm.s32 @p1 $0x1;
	p0 =	seq.s32 s7, s2  }
0x1e: {  	s7 =	smul.u32 @!p0 $0xF7A, s2;
	p2 =	seq.s32 @!p0 s5, $0x0  }
0x1f: {  	s9 =	smul.u32 $0xF7A, s1;
	s8 =	simm.s32 @!p0 $0x1BF5;
	p2 =	por !p2, p0  }
0x20: {  	[sflag:s8] =	ssyncset.s32 @!p0 $0xFFFFF086;
	s6 =	sadd.s32 @!p0 s3, s7;
	s7 =	simm.s32 @!p0 $0x108  }
0x21: {  	s3 =	sadd.s32 s3, s9;
	s6 =	sadd.s32 @!p0 $0x88, s6;
	s7 =	simm.s32 @p2 $0x1082  }
0x22: {  	[simem:s7], [sflag:s8] =	dma.local @!p0 [hbm:s6], $0xF7A  }
0x23: {  	s9 =	sor.u32 $0xD0000000, s2;
	s6 =	simm.s32 $0x108;
	_ =	swait.ge @!p0 [sflag:s8], $0x0  }
0x24: {  	s3 =	sadd.s32 $0x88, s3;
	s6 =	simm.s32 @!p1 $0x1082;
	[sflag:s4] =	ssyncset.s32 $0xFFFFF086  }
0x25: {  	[simem:s6], [sflag:s4] =	dma.local [hbm:s3], $0xF7A  }
0x26: {  	[smem:$0x3F96] =	sst s1;
	(tag) =	ssettag s2;
	_ =	strace s9  }
0x27: {  	s1 =	sld [smem:$0x3FA6]  }
0x28: {  	s2 =	sld [smem:$0x3FA7]  }
0x29: {  	s4 =	sld [smem:$0x3FA9]  }
0x2a: {  	p0 =	seq.s32 s5, $0x0;
	s5 =	sld [smem:$0x3FAA]  }
0x2b: {  	s6 =	sld [smem:$0x3FAB]  }
0x2c: {  	s7 =	sld [smem:$0x3FAC]  }
0x2d: {  	s3 =	simm.s32 $0x108;
	s8 =	sld [smem:$0x3FAD]  }
0x2e: {  	s3 =	simm.s32 @!p0 $0x1082;
	s9 =	sld [smem:$0x3FAE]  }
0x2f: {  	lr =	sadd.s32 s0, s3;
	s0 =	sld [smem:$0x3FA5]  }
0x30: {  	s3 =	sld [smem:$0x3FA8]  }
0x31: {  	[smem:$0x3FB1] =	sst s10  }
0x32: {  	s10 =	sld [smem:$0x3FAF];
	_ =	sdelay $0x3  }
0x33: {  	p0 =	seq.s32 s10, $0x1;
	s10 =	sld [smem:$0x3FB1];
	_ =	sdelay $0x3  }
0x34: {  	[smem:$0x3FB1] =	sst s10  }
0x35: {  	s10 =	sld [smem:$0x3FB0];
	_ =	sdelay $0x3  }
0x36: {  	p1 =	seq.s32 s10, $0x1;
	s10 =	sld [smem:$0x3FB1];
	_ =	sdelay $0x3  }
0x37: {  	[smem:$0x3FB1] =	sst s10  }
0x38: {  	s10 =	sld [smem:$0x3FB2]  }
0x39: {  	_ = 	snop;
	(pc) =	sbr.ind lr, $3  }
0x3a: {  	_ = 	snop  }
0x3b: {  	_ = 	snop  }
0x3c: {  	p2 =	seq.s32 s10, $0x1;
	s10 =	sld [smem:$0x3FB1]  }
0x3d: {  	_ =	shalt  }
0x3e: {  	_ =	shalt  }
0x3f: {  	_ =	shalt  }
0x40: {  	_ =	shalt  }
0x41: {  	_ =	shalt  }
0x42: {  	_ =	shalt  }
0x43: {  	_ =	shalt  }
0x44: {  	_ =	shalt  }
0x45: {  	_ =	shalt  }
0x46: {  	_ =	shalt  }
0x47: {  	_ =	shalt  }
0x48: {  	_ =	shalt  }
0x49: {  	_ =	shalt  }
0x4a: {  	_ =	shalt  }
0x4b: {  	_ =	shalt  }
0x4c: {  	_ =	shalt  }
0x4d: {  	_ =	shalt  }
0x4e: {  	_ =	shalt  }
0x4f: {  	_ =	shalt  }
0x50: {  	_ =	shalt  }
0x51: {  	_ =	shalt  }
0x52: {  	_ =	shalt  }
0x53: {  	_ =	shalt  }
0x54: {  	_ =	shalt  }
0x55: {  	_ =	shalt  }
0x56: {  	_ =	shalt  }
0x57: {  	_ =	shalt  }
0x58: {  	_ =	shalt  }
0x59: {  	_ =	shalt  }
0x5a: {  	_ =	shalt  }
0x5b: {  	_ =	shalt  }
0x5c: {  	_ =	shalt  }
0x5d: {  	_ =	shalt  }
0x5e: {  	_ =	shalt  }
0x5f: {  	_ =	shalt  }
0x60: {  	_ =	shalt  }
0x61: {  	_ =	shalt  }
0x62: {  	_ =	shalt  }
0x63: {  	_ =	shalt  }
0x64: {  	_ =	shalt  }
0x65: {  	_ =	shalt  }
0x66: {  	_ =	shalt  }
0x67: {  	_ =	shalt  }
0x68: {  	_ =	shalt  }
0x69: {  	_ =	shalt  }
0x6a: {  	_ =	shalt  }
0x6b: {  	_ =	shalt  }
0x6c: {  	_ =	shalt  }
0x6d: {  	_ =	shalt  }
0x6e: {  	_ =	shalt  }
0x6f: {  	_ =	shalt  }
0x70: {  	_ =	shalt  }
0x71: {  	_ =	shalt  }
0x72: {  	_ =	shalt  }
0x73: {  	_ =	shalt  }
0x74: {  	_ =	shalt  }
0x75: {  	_ =	shalt  }
0x76: {  	_ =	shalt  }
0x77: {  	_ =	shalt  }
0x78: {  	_ =	shalt  }
0x79: {  	_ =	shalt  }
0x7a: {  	_ =	shalt  }
0x7b: {  	_ =	shalt  }
0x7c: {  	_ =	shalt  }
0x7d: {  	_ =	shalt  }
0x7e: {  	_ =	shalt  }
0x7f: {  	_ =	shalt  }
0x80: {  	_ =	shalt  }
0x81: {  	_ =	shalt  }
0x82: {  	_ =	shalt  }
0x83: {  	_ =	shalt  }
0x84: {  	_ =	shalt  }
0x85: {  	_ =	shalt  }
0x86: {  	_ =	shalt  }
0x87: {  	_ =	shalt  }
.Lfunc_end0:
.L_simem_size_0:
called_computation_lowered:
.L_overlay_start_0:
0x88: {  	s0 =	sld [smem:$0x3FD9]  }
0x89: {  	s1 =	sld [smem:$0x3FFE];
	_ =	sdelay $0x3  }
0x8a: {  	s0 =	sadd.s32 s1, s0  }
0x8b: {  	[smem:$0x3FBD] =	sst s0  }
0x8c: {  	_ = 	snop  }
0x8d: {  	(tm) =	ssettm $0x1  }
0x8e: {  	s15 =	sld [smem:$0x3FFB];
	_ =	sdelay $0x3  }
0x8f: {  	_ =	strace s15  }
0x90: {  	s0 =	sld [smem:$0x3FFC];
	_ =	sdelay $0x3  }
0x91: {  	_ =	strace s0  }
0x92: {  	s0 =	sld [smem:$0x3FFD];
	_ =	sdelay $0x3  }
0x93: {  	_ =	strace s0  }
0x94: {  	_ =	strace $0x8FFFFFFF  }
0x95: {  	s16 =	sld [smem:$0x3FDB];
	_ =	sdelay $0x1  }
0x96: {  	s17 =	simm.s32 $_scs_section_size  }
0x97: {  	s2 =	simm.s32 $_size__tile_overlayer_lowered;
	s3 =	simm.s32 $_tile_overlayer_lowered  }
0x98: {  	s20 =	simm.s32 $0x1BFF;
	s19 =	sshll.u32 s3, $0x1;
	s0 =	sadd.s32 s17, s16  }
0x99: {  	s4 =	simm.s32 $0x0;
	s18 =	sshll.u32 s2, $0x1;
	s2 =	sadd.s32 s19, s0  }
0x9a: {  	[timem:s4], [sflag:s20] =	dma.local [hbm:s2], s18  }
0x9b: {  	_ =	swait.ge [sflag:s20], s18  }
0x9c: {  	s1 =	ssub.s32 $0x0, s18;
	[sflag:s20] =	ssyncset.done $0x0  }
0x9d: {  	[sflag:s20] =	ssyncadd.s32 s1;
	_ =	sdelay $0x1  }
0x9e: {  	s21 =	simm.s32 $0x1B8B  }
0x9f: {  	_ =	swait.ge [sflag:s21], $0x1  }
0xa0: {  	[sflag:s21] =	ssyncset.done $0x0  }
0xa1: {  	s23 =	simm.s32 $0x1B8E;
	s22 =	sld [smem:$0x3FFE];
	[sflag:s21] =	ssyncadd.s32 $0xFFFFFFFF  }
0xa2: {  	s24 =	simm.s32 $execute0_lowered;
	[smem:$0x3FD2] =	sst s23  }
0xa3: {  	s2 =	sshll.u32 s24, $0x1;
	_ =	strace $0x80000046;
	[dreg:$0x1] =	wrdreg $0xFFFFFFFF  }
0xa4: {  	s25 =	simm.s32 $_size_execute0_lowered;
	s0 =	sadd.s32 s0, s2;
	[dreg:$0x0] =	wrdreg $0x0  }
0xa5: {  	s2 =	sshll.u32 s25, $0x1;
	[dreg:$0x2] =	wrdreg s0  }
0xa6: {  	[dreg:$0x3] =	wrdreg s2  }
0xa7: {  	[dreg:$0x4] =	wrdreg $0xC0  }
0xa8: {  	_ =	task [dreg:s4], $0x5FFFF  }
0xa9: {  	[dreg:$0x1] =	wrdreg $0xFFFFFFFF  }
0xaa: {  	[dreg:$0x0] =	wrdreg $0x60  }
0xab: {  	[dreg:$0x2] =	wrdreg s22  }
0xac: {  	[dreg:$0x3] =	wrdreg $0x9  }
0xad: {  	_ =	task.clear_ibuf [dreg:s4], $0x4FFFF;
	_ =	strace $0x90000046  }
0xae: {  	s26 =	simm.s32 $0x9;
	_ =	strace $0x80000048  }
0xaf: {  	_ =	swait.ge [sflag:s26], $0x1  }
0xb0: {  	[sflag:s26] =	ssyncadd.s32 $0xFFFFFFFF  }
0xb1: {  	_ =	strace $0x90000048  }
0xb2: {  	_ =	sfence  }
0xb3: {  	s28 =	sld [smem:$0x0];
	_ =	sdelay $0x1  }
0xb4: {  	s29 =	srdreg.scid  }
0xb5: {  	s30 =	sshll.u32 s29, $0xD;
	s31 =	sshrl.u32 s29, $0x2  }
0xb6: {  	s1 =	sand.u32 $0x1, s29;
	s2 =	sand.u32 $0x4000, s30;
	s0 =	sadd.s32 s31, s28  }
0xb7: {  	s1 =	sor.u32 s2, s1;
	s0 =	sshll.u32 s0, $0x11  }
0xb8: {  	s0 =	sor.u32 s0, s1  }
0xb9: {  	s0 =	sadd.s32 $0x8F2B, s0  }
0xba: {  	[sflag:s0] =	ssyncadd.remote.s32 $0x1  }
0xbb: {  	_ =	sfence.sel $0xFFFF  }
0xbc: {  	[dreg:$0x0] =	wrdreg $0xFFFFFFFF;
	(pc) =	sbr.abs _section_cstart, $3  }
0xbd: {  	[dreg:$0x1] =	wrdreg $0xFFFFFFFF  }
0xbe: {  	_ =	task.clear_ibuf [dreg:s4], $0x2FFFF;
	_ =	strace $0x9FFFFFFF  }
0xbf: {  	(tm) =	ssettm $0x7FFFFFFF  }
tec
execute0_lowered:
.L_overlay_start_1:
0x0: {  	(tag) =	ssettag $0x1  }
0x1: {  	s0 =	rddreg [dreg:$0x0];
	_ =	strace $0x80000047;
	s15 =	stileid.u32  }
0x2: {  	s2 =	simm.s32 $0x1;
	s1 =	smin.u32 s15, $0x8;
	s3 =	sshll.u32 s15, $0x1  }
0x3: {  	v1 =	vimm.s32 $0xFFFFFFFF;
	[sflag:s2] =	ssyncpa.u1 $0x0;
	s1 =	sadd.s32 s1, s3  }
0x4: {  	p0 =	slt.u32 s15, $0x8;
	[tilespmem:$0x10] =	vst v1;
	s4 =	smul.u32 $0x1F40, s1;
	s1 =	simm.s32 $0x5DC0  }
0x5: {  	v0 =	vimm.f32 $0.0e+00;
	[tilespmem:$0x20] =	vst v1;
	s1 =	simm.s32 @!p0 $0x3E80  }
0x6: {  	[tilespmem:$0x30] =	vst v0;
	s1 =	sadd.s32 s1, s4  }
0x7: {  	[tilespmem:$0x40] =	vst v0;
	s5 =	smin.u32 s1, $0x4E200  }
0x8: {  	s7 =	simm.s32 $0x2;
	s8 =	simm.s32 $0x8;
	[tilespmem:$0x50] =	vst v0;
	s9 =	ssub.s32 s5, s4  }
0x9: {  	s31 =	simm.s32 $0x9;
	s16 =	simm.s32 $0x0;
	[tilespmem:$0x60] =	vst v1;
	p0 =	sgt.s32 s9, $0x0  }
0xa: {  	s17 =	simm.s32 $0xF0;
	s18 =	simm.s32 $0xFFFFFFFF;
	[tilespmem:$0x70] =	vst v1;
	s9 =	simm.s32 @!p0 $0x0  }
0xb: {  	s19 =	simm.s32 $0xFFFFC280;
	s20 =	simm.s32 $0xFFFFFFFE;
	[tilespmem:$0x80] =	vst v1;
	s30 =	smulhi.u32 $0x10624DD3, s9  }
0xc: {  	s21 =	simm.s32 $0xF;
	s25 =	simm.s32 $0x0;
	s24 =	simm.s32 $0x0;
	v1 =	vimm.s32 $0x0;
	[tilespmem:$0xB0] =	vst v0  }
0xd: {  	s6 =	sadd.s32 $0x20A00, s0;
	s15 =	sshllo.u32 s15, $0x1;
	[tilespmem:$0x90] =	vst v1;
	s10 =	sshrl.u32 s30, $0x9  }
0xe: {  	[tilespmem:$0xA0] =	vst v1;
	[sflag:s7] =	ssyncpa.u1 $0x0;
	s7 =	simm.s32 $0x7;
	s11 =	smul.u32 $0x1F40, s10  }
.Ltmp0:
0xf: {  	s13 =	sor.u32 $0x80, s3;
	[sflag:s7] =	ssyncpa.u1 $0x0;
	(pc) =	sbr.rel .LBB2_1-.Ltmp0, $4  }
0x10: {  	s14 =	sor.u32 $0x81, s3;
	[sflag:s8] =	ssyncpa.u1 $0x0;
	p0 =	sne.s32 s9, s11  }
0x11: {  	s23 =	smov.u32 s4;
	s1 =	sadd.s32 $0x5BE00, s0;
	s2 =	simm.s32 @!p0 $0x0  }
0x12: {  	vm0 =	vmmov $0xffff;
	v2 =	vlaneseq.u32;
	[sflag:s31] =	ssyncpa.u1 $0x0;
	s9 =	sadd.s32 $0x2A800, s0;
	s10 =	sadd.s32 s2, s10  }
0x13: {  	vm1 =	vmxor vm1, vm1;
	vm2 =	vmmov $0x1;
	vm3 =	vcmask $0x3F3C;
	p0 =	por $0x0, $0x0;
	s11 =	sadd.s32 $0x1, s10;
	s12 =	sadd.s32 $0x2, s10  }
.LBB2_9:
0x14: {  	p1 =	slt.u32 s24, $0x3  }
0x15: {  	s0 =	simm.s32 @!p1 $0x2  }
0x16: {  	_ =	swait.ge @!p1 [sflag:s0], $0x1F40  }
0x17: {  	[sflag:s0] =	ssyncset.done @!p1 $0x0  }
0x18: {  	[sflag:s0] =	ssyncadd.s32 @!p1 $0xFFFFE0C0;
	s0 =	simm.s32 @!p1 $0x9  }
0x19: {  	_ =	swait.ge @!p1 [sflag:s0], $0x10  }
0x1a: {  	[sflag:s0] =	ssyncset.done @!p1 $0x0  }
0x1b: {  	[sflag:s0] =	ssyncadd.s32 @!p1 $0xFFFFFFF0;
	p1 =	sne.s32 s24, s12  }
.Ltmp1:
0x1c: {  	s2 =	sadd.s32 $0x1F40, s23;
	(pc) =	sbr.rel @!p1 .LBB2_10-.Ltmp1, $4  }
0x1d: {  	s22 =	smov.u32 s4;
	s31 =	sadd.s32 $0x1, s24;
	s17 =	sadd.s32 $0x1F40, s17  }
0x1e: {  	s18 =	sadd.s32 $0x1, s18;
	s25 =	smov.u32 s23;
	p2 =	slt.s32 s2, s5  }
0x1f: {  	p0 =	por !p0, !p0;
	s19 =	sadd.s32 $0x1F40, s19;
	s22 =	smov.u32 @p2 s2  }
0x20: {  	s20 =	sadd.s32 $0x1, s20;
	s23 =	smov.u32 s22;
	s24 =	smov.u32 s31  }
.LBB2_1:
0x21: {  	p1 =	sge.u32 s24, s10  }
0x22: {  	s0 =	smulhi.u32 @!p1 $0xAAAAAAAB, s24;
	_ =	sdelay $0x1  }
0x23: {  	s0 =	sshrl.u32 @!p1 s0, $0x1  }
0x24: {  	s0 =	smul.u32 @!p1 $0x3, s0;
	_ =	sdelay $0x1  }
0x25: {  	s0 =	ssub.s32 @!p1 s24, s0  }
0x26: {  	s0 =	smul.u32 @!p1 $0x7D00, s0;
	_ =	sdelay $0x1  }
0x27: {  	s2 =	sshrl.u32 @!p1 s23, $0x3;
	s0 =	sshrl.u32 @!p1 s0, $0x2  }
0x28: {  	s22 =	sand.u32 @!p1 $0x7, s23;
	s2 =	sadd.s32 @!p1 s6, s2;
	s0 =	sadd.s32 @!p1 $0x100, s0  }
0x29: {  	[tilespmem:s0], [sflag:$0x7] =	stream.linear.gather @!p1 [hbm4b:s2+s22], $0x1F40, $0x38;
	[tilespmem:$0x11A60] =	vst v63  }
0x2a: {  	s0 =	sadd.s32 $0xFFFFFFFF, s24  }
0x2b: {  	p1 =	sge.u32 s0, s10  }
.Ltmp2:
0x2c: {  	_ = 	snop;
	(pc) =	sbr.rel @p1 .LBB2_5-.Ltmp2, $1  }
0x2d: {  	_ =	sdelay $0x3  }
0x2e: {  	s2 =	smulhi.u32 $0xAAAAAAAB, s0;
	_ =	sdelay $0x1  }
0x2f: {  	s2 =	sshrl.u32 s2, $0x1  }
0x30: {  	s2 =	smul.u32 $0x3, s2;
	_ =	sdelay $0x1  }
0x31: {  	s2 =	ssub.s32 s0, s2  }
0x32: {  	s2 =	smul.u32 $0x7D00, s2  }
0x33: {  	_ =	swait.ge [sflag:s7], $0x1F40  }
0x34: {  	[sflag:s7] =	ssyncset.done $0x0;
	s2 =	sshrl.u32 s2, $0x2  }
0x35: {  	[sflag:s7] =	ssyncadd.s32 $0xFFFFE0C0;
	(ifvalue) =	ssetifvalue $0xFFFFFFFF;
	v3 =	vld.msk [tilespmem:s2+$0x100 ss:$0x1], $0xffff;
	_ =	sdelay $0x2  }
0x36: {  	s30 =	smulhi.u32 $0xAAAAAAAB, s18;
	p1 =	sne.s32 s24, $0x1  }
0x37: {  	v4 =	vimm.s32 @!p1 $0x0  }
0x38: {  	s2 =	sshrl.u32 s30, $0x1;
	v4 =	vperm.xlane @!p1 v3, v4  }
0x39: {  	s22 =	sshll.u32 s24, $0x4;
	s2 =	smul.u32 $0xFFFE8900, s2;
	vm4 =	vlt.u32 v3, $0x2800  }
0x3a: {  	s22 =	sand.u32 $0x10, s22;
	v3 =	vnsel vm4, $0xFFFFFFFE, v3;
	vm4 =	vlt.u32 @!p1 v4, $0x2800  }
0x3b: {  	s2 =	sshra.s32 s2, $0x2;
	[tilespmem:s22+$0x60] =	vst v3;
	v3 =	vnsel @!p1 vm4, $0xFFFFFFFE, v4  }
0x3c: {  	s28 =	sadd.s32 s2, s17;
	[tilespmem:$0x80] =	vst @!p1 v3  }
0x3d: {  	v3 =	vld.msk [tilespmem:s28+$0x0 ss:$0x1], $0xffff;
	_ =	sdelay $0x4  }
0x3e: {  	(xrf1) =	vunique.msk.u32 $0xffff, v3;
	_ =	sdelay $0xd  }
0x3f: {  	v4 =	vimm.s32 $0xFFFFFFFF;
	v5, _, _ =	vpop (xrf1)  }
0x40: {  	vm5 =	vne.s32 v3, v4;
	vm4 =	veq.s32 v5, v2  }
0x41: {  	vm6 =	vlt.u32 v3, $0x2800;
	vm4 =	vmand vm5, vm4  }
0x42: {  	vm4 =	vmand vm6, vm4  }
0x43: {  	v4 =	vnsel vm4, $0xFFFFFFFF, v3  }
0x44: {  	s31 =	sand.u32 $0x1, s0  }
0x45: {  	s0 =	simm.s32 $0x1F40;
	p1 =	seq.s32 s31, $0x1  }
0x46: {  	s0 =	simm.s32 @!p1 $0x0  }
0x47: {  	s26 =	sadd.s32 $0x7DF0, s0;
	(ifvalue) =	ssetifvalue $0xFFFFFFFF  }
0x48: {  	v3 =	vperm.xlane v3, v1;
	[tilespmem:s26], [sflag:$0x8] =	stream.indirect_vreg.gather [hbm4b:s1+s16], $0x1, v4, vm0, $0x4038;
	v4 =	vnsel vm6, $0xFFFFFFFE, v4;
	[tilespmem:$0x11A60] =	vst v63  }
0x49: {  	s2 =	simm.s32 $0x0;
	s22 =	sadd.s32 $0xFFFFFFF0, s28;
	[tilespmem:s28+$0x0] =	vst v4  }
.LBB2_3:
0x4a: {  	v4 =	vld.msk [tilespmem:s22+$0x0 ss:$0x1], $0xffff;
	s2 =	sadd.s32 $0x10, s2;
	v5 =	vmov v3;
	s28 =	smov.u32 s22  }
0x4b: {  	p1 =	slt.u32 s2, $0x1F30;
	_ =	sdelay $0x4  }
0x4c: {  	v3 =	vperm.xlane v4, v1;
	(xrf1) =	vunique.msk.u32 $0xffff, v4;
	_ =	sdelay $0xd  }
0x4d: {  	v6, _, _ =	vpop (xrf1)  }
0x4e: {  	vm5 =	vne.s32 v4, v5;
	vm4 =	veq.s32 v6, v2  }
0x4f: {  	vm6 =	vlt.u32 v4, $0x2800;
	vm4 =	vmand vm5, vm4  }
0x50: {  	vm4 =	vmand vm6, vm4  }
0x51: {  	v4 =	vnsel vm4, $0xFFFFFFFF, v4  }
.Ltmp3:
0x52: {  	v5 =	vnsel vm6, $0xFFFFFFFE, v4;
	(pc) =	sbr.rel @p1 .LBB2_3-.Ltmp3, $3  }
0x53: {  	_ =	sdelay $0x1  }
0x54: {  	s22 =	sadd.s32 $0xFFFFFFF0, s22;
	s26 =	sadd.s32 $0xFFFFFFF0, s26;
	(ifvalue) =	ssetifvalue $0xFFFFFFFF  }
0x55: {  	[tilespmem:s26], [sflag:$0x8] =	stream.indirect_vreg.gather [hbm4b:s1+s16], $0x1, v4, vm0, $0x4038;
	[tilespmem:s28+$0x0] =	vst v5  }
0x56: {  	s2 =	sshrl.u32 s25, $0x3  }
0x57: {  	s0 =	sadd.s32 $0x9D40, s0;
	s2 =	sadd.s32 s9, s2  }
0x58: {  	[tilespmem:s0], [sflag:$0x8] =	stream.linear.gather [hbm:s2], $0x1F40, $0x38;
	[tilespmem:$0x11A60] =	vst v63  }
.LBB2_5:
0x59: {  	p1 =	slt.u32 s24, $0x2  }
0x5a: {  	p2 =	sge.u32 @!p1 s24, s12  }
0x5b: {  	p1 =	por p1, p2  }
.Ltmp4:
0x5c: {  	_ = 	snop;
	(pc) =	sbr.rel @p1 .LBB2_9-.Ltmp4, $1  }
0x5d: {  	_ =	sdelay $0x3  }
0x5e: {  	s0 =	sadd.s32 $0xFFFFFFFE, s24  }
0x5f: {  	s2 =	smulhi.u32 $0xAAAAAAAB, s0;
	_ =	sdelay $0x1  }
0x60: {  	s2 =	sshrl.u32 s2, $0x1  }
0x61: {  	s2 =	smul.u32 $0x3, s2;
	_ =	sdelay $0x1  }
0x62: {  	s0 =	ssub.s32 s0, s2  }
0x63: {  	_ =	swait.ge [sflag:s8], $0x3E80;
	s0 =	smul.u32 $0x1F40, s0  }
0x64: {  	p1 =	sne.s32 s24, s11;
	[sflag:s8] =	ssyncset.done $0x0  }
0x65: {  	[sflag:s8] =	ssyncadd.s32 $0xFFFFC180;
	s2 =	sadd.s32 @!p1 $0x203F, s0  }
0x66: {  	[spmem:s14] =	stream.linear.scatter @!p1 [tilespmem:s2], [sflag:$0x1], $0x1, $0x38;
	[tilespmem:$0x11A60] =	vst v63  }
0x67: {  	s2 =	simm.s32 @!p1 $0x1  }
0x68: {  	_ =	swait.ge @!p1 [sflag:s2], $0x1  }
0x69: {  	s22 =	sshll.u32 s24, $0x4;
	[sflag:s2] =	ssyncset.done @!p1 $0x0  }
0x6a: {  	s25 =	sand.u32 $0x10, s22;
	[sflag:s2] =	ssyncadd.s32 @!p1 $0xFFFFFFFF  }
0x6b: {  	s2 =	sxor.u32 $0x10, s25;
	v4 =	vld [tilespmem:s25+$0x10]  }
0x6c: {  	v5 =	vld [tilespmem:s2+$0x60]  }
0x6d: {  	v3 =	vld [tilespmem:$0x80];
	_ =	sdelay $0x2  }
0x6e: {  	(v2sf) =	vpush v4, $0x0  }
0x6f: {  	(v2sf) =	vpush v5, $0x0  }
0x70: {  	(v2sf) =	vpush v3, $0x0;
	_ =	sdelay $0xc  }
0x71: {  	s22 =	spop (v2sf)  }
0x72: {  	s26 =	spop (v2sf)  }
0x73: {  	s28 =	spop (v2sf)  }
0x74: {  	p2 =	seq.s32 s22, s26;
	p3 =	seq.s32 s28, s22  }
0x75: {  	p3 =	por p2, p3  }
0x76: {  	s26 =	sand.u32 $0x1, s24;
	v4 =	vpsel p3, $0xFFFFFFFF, v4  }
0x77: {  	s29 =	smul.u32 $0x1F40, s26;
	[tilespmem:s25+$0x10] =	vst.msk $0x1, v4  }
0x78: {  	v4 =	vld [tilespmem:$0x30]  }
0x79: {  	v5 =	vld [tilespmem:s29+$0x9D40]  }
0x7a: {  	v6 =	vld [tilespmem:s25+$0x40];
	_ =	sdelay $0x3  }
0x7b: {  	vm4 =	vmmov vm1;
	v5 =	vadd.f32 v5, v4  }
0x7c: {  	vm5 =	vmmov vm2;
	vm4 =	vmmov @p2 vm2;
	s22 =	sshll.u32 s26, $0x4;
	v4 =	vadd.f32 v6, v4  }
0x7d: {  	s26 =	sor.u32 $0x11A40, s22;
	vm5 =	vmmov @p3 vm1;
	[tilespmem:s29+$0x9D40] =	vst.msk vm4, v5  }
0x7e: {  	[tilespmem:s26+$0x0] =	vst.msk vm5, v4  }
0x7f: {  	v4 =	vld [tilespmem:s29+$0x7DF0];
	_ =	sdelay $0x3  }
0x80: {  	v5 =	vimm.f32 $0.0e+00  }
0x81: {  	v4 =	vshift.insert v4, v5, s21  }
0x82: {  	s22 =	sor.u32 $0x40, s2  }
0x83: {  	[tilespmem:s22+$0x0] =	vst.msk $0x1, v4  }
0x84: {  	[tilespmem:s29+$0x7DFF] =	vst.msk $0x1, v5  }
0x85: {  	v4 =	vld [tilespmem:s0+$0x2030];
	_ =	sdelay $0x1  }
0x86: {  	s22 =	smulhi.u32 $0xAAAAAAAB, s20;
	s0 =	simm.s32 $0x1  }
0x87: {  	s0 =	simm.s32 @!p0 $0x0  }
0x88: {  	s22 =	sshrl.u32 s22, $0x1;
	s0 =	smul.u32 $0x7D00, s0  }
0x89: {  	s22 =	smul.u32 $0xFFFE8900, s22;
	v4 =	vshift.insert v4, v1, s21  }
0x8a: {  	s0 =	sshrl.u32 s0, $0x2  }
0x8b: {  	s22 =	sshra.s32 s22, $0x2;
	s30 =	sadd.s32 $0x9D40, s0;
	[tilespmem:s2+$0x10] =	vst.msk $0x1, v4  }
0x8c: {  	s22 =	sadd.s32 s22, s19;
	v6 =	vld [tilespmem:s30+$0x0]  }
0x8d: {  	v7 =	vld [tilespmem:s22+$0x0];
	_ =	sdelay $0x3  }
0x8e: {  	v5 =	vadd.f32 v6, v5  }
0x8f: {  	vm4 =	vne.s32 v7, $0xFFFFFFFF  }
0x90: {  	(xrf2) =	vadd.seg.scan.f32 vm4, v5;
	_ =	sdelay $0x3  }
0x91: {  	s31 =	sadd.s32 $0x5EC0, s0;
	v5 =	vperm.xlane v4, v1  }
0x92: {  	v6 =	vld [tilespmem:s31+$0x0]  }
0x93: {  	vm5 =	veq.s32 v7, v3;
	vm6 =	veq.s32 v7, v5  }
0x94: {  	vm7 =	vgt.u32 v7, $0xFFFFFFFD;
	vm6 =	vmor vm6, vm5  }
0x95: {  	vm6 =	vmor vm6, vm7  }
0x96: {  	v9 =	vld [tilespmem:$0xA0];
	v7 =	vsel vm6, $0xFFFFFFFF, v7  }
0x97: {  	v10 =	vld [tilespmem:$0x90];
	v6 =	vsel vm5, $0x0, v6;
	v8, _, _ =	vpop (xrf2)  }
0x98: {  	v6 =	vadd.f32 v8, v6  }
0x99: {  	s0 =	sadd.s32 $0xDBC0, s0  }
0x9a: {  	vm4 =	vmand vm4, vm3;
	[tilespmem:s0+$0x0] =	vst v6;
	(ifvalue) =	ssetifvalue $0xFFFFFFFF  }
0x9b: {  	vm6 =	veq.s32 v9, $0x1;
	[hbm4b:s1+s16] =	stream.indirect_vreg.scatter [tilespmem:s0], [sflag:$0x2], $0x1, v7, vm0, $0x4038;
	v7 =	vsel vm4, $0x0, v8;
	[tilespmem:$0x11A60] =	vst v63  }
0x9c: {  	s2 =	simm.s32 $0x0;
	s22 =	sadd.s32 $0x10, s22;
	vm4 =	vmor vm6, vm5;
	v6 =	vsel vm5, v8, v10;
	v7 =	vshift.insert v7, v0, s21  }
.LBB2_7:
0x9d: {  	v8 =	vld [tilespmem:s22+$0x0];
	s30 =	sadd.s32 $0x10, s30  }
0x9e: {  	s31 =	sadd.s32 $0x10, s31;
	v9 =	vld [tilespmem:s30+$0x0]  }
0x9f: {  	s2 =	sadd.s32 $0x10, s2;
	v10 =	vld [tilespmem:s31+$0x0]  }
0xa0: {  	p2 =	slt.u32 s2, $0x1F30;
	_ =	sdelay $0x2  }
0xa1: {  	v7 =	vadd.f32 v9, v7  }
0xa2: {  	vm5 =	vne.s32 v8, $0xFFFFFFFF  }
0xa3: {  	vm6 =	vmand vm5, vm3;
	(xrf2) =	vadd.seg.scan.f32 vm5, v7;
	_ =	sdelay $0x5  }
0xa4: {  	vm7 =	veq.s32 v8, v5;
	vm5 =	veq.s32 v8, v3  }
0xa5: {  	vm8 =	vgt.u32 v8, $0xFFFFFFFD;
	vm4 =	vmor vm4, vm5;
	vm7 =	vmor vm7, vm5  }
0xa6: {  	vm7 =	vmor vm7, vm8  }
0xa7: {  	v8 =	vsel vm7, $0xFFFFFFFF, v8  }
.Ltmp5:
0xa8: {  	v7 =	vsel vm5, $0x0, v10;
	v9, _, _ =	vpop (xrf2);
	(pc) =	sbr.rel @p2 .LBB2_7-.Ltmp5, $4  }
0xa9: {  	v6 =	vsel vm5, v9, v6;
	v10 =	vadd.f32 v9, v7;
	v7 =	vsel vm6, $0x0, v9  }
0xaa: {  	s0 =	sadd.s32 $0x10, s0;
	v7 =	vshift.insert v7, v0, s21  }
0xab: {  	s22 =	sadd.s32 $0x10, s22;
	[tilespmem:s0+$0x0] =	vst v10;
	(ifvalue) =	ssetifvalue $0xFFFFFFFF  }
0xac: {  	[hbm4b:s1+s16] =	stream.indirect_vreg.scatter [tilespmem:s0], [sflag:$0x2], $0x1, v8, vm0, $0x4038;
	[tilespmem:$0x11A60] =	vst v63  }
0xad: {  	v3 =	vld [tilespmem:s29+$0xFAF0];
	_ =	sdelay $0x4  }
0xae: {  	v3 =	vshift.insert v3, v0, s21  }
0xaf: {  	s0 =	simm.s32 $0x30  }
0xb0: {  	[tilespmem:s0+$0x0] =	vst.msk $0x1, v3  }
0xb1: {  	v3 =	vsel vm4, $0x1, v1;
	[tilespmem:$0x90] =	vst v6  }
0xb2: {  	s0 =	sadd.s32 @!p1 $0xFAFF, s29;
	[tilespmem:$0xA0] =	vst v3  }
0xb3: {  	[spmem:s15] =	stream.linear.scatter @!p1 [tilespmem:s0], [sflag:$0x1], $0x1, $0x38;
	[tilespmem:$0x11A60] =	vst v63  }
0xb4: {  	s0 =	simm.s32 @!p1 $0x1  }
0xb5: {  	v3 =	vmctz.xlane @!p1 vm4;
	_ =	swait.ge @!p1 [sflag:s0], $0x1  }
0xb6: {  	(v2sf) =	vpush @!p1 v4, $0x0  }
0xb7: {  	(v2sf) =	vpush @!p1 v3, $0x0;
	_ =	sdelay $0xd  }
0xb8: {  	s2 =	spop @!p1 (v2sf)  }
0xb9: {  	s22 =	spop @!p1 (v2sf)  }
0xba: {  	p2 =	sne.s32 @!p1 s28, s2;
	p3 =	slt.s32 @!p1 s22, $0xF  }
0xbb: {  	[sflag:s0] =	ssyncset.done @!p1 $0x0;
	p2 =	por p2, p1;
	p3 =	por !p3, p1  }
0xbc: {  	[sflag:s0] =	ssyncadd.s32 @!p1 $0xFFFFFFFF;
	v3 =	vimm.s32 @!p2 $0xFFFFFFFF;
	s22 =	simm.s32 @p3 $0xF  }
0xbd: {  	[tilespmem:$0x80] =	vst @!p2 v3;
	s2 =	sadd.s32 @!p1 $0x90, s22  }
0xbe: {  	[spmem:s3] =	stream.linear.scatter @!p1 [tilespmem:s2], [sflag:$0x1], $0x1, $0x38;
	[tilespmem:$0x11A60] =	vst v63  }
0xbf: {  	_ =	swait.ge @!p1 [sflag:s0], $0x1  }
0xc0: {  	[sflag:s0] =	ssyncset.done @!p1 $0x0  }
0xc1: {  	s2 =	simm.s32 @!p1 $0x80;
	[sflag:s0] =	ssyncadd.s32 @!p1 $0xFFFFFFFF  }
0xc2: {  	[spmem:s13] =	stream.linear.scatter @!p1 [tilespmem:s2], [sflag:$0x1], $0x1, $0x38;
	[tilespmem:$0x11A60] =	vst v63  }
0xc3: {  	_ =	swait.ge @!p1 [sflag:s0], $0x1  }
0xc4: {  	[sflag:s0] =	ssyncset.done @!p1 $0x0  }
0xc5: {  	[sflag:s0] =	ssyncadd.s32 @!p1 $0xFFFFFFFF;
	(ifvalue) =	ssetifvalue $0xFFFFFFFF;
	v3 =	vld [tilespmem:s25+$0x10];
	_ =	sdelay $0x3  }
.Ltmp6:
0xc6: {  	_ = 	snop;
	(pc) =	sbr.rel .LBB2_9-.Ltmp6, $3  }
0xc7: {  	_ =	sdelay $0x1  }
0xc8: {  	(ifvalue) =	ssetifvalue $0xFFFFFFFF  }
0xc9: {  	[hbm4b:s1+s16] =	stream.indirect_vreg.scatter [tilespmem:s26], [sflag:$0x9], $0x1, v3, vm0, $0x4038;
	[tilespmem:$0x11A60] =	vst v63  }
.LBB2_10:
0xca: {  	_ =	sfence.sel $0x180000  }
0xcb: {  	s0 =	simm.s32 $0x7;
	[bflag:$0x0] =	sbarrier.arrive $0xFFFF  }
0xcc: {  	s26 =	simm.s32 $0x8;
	[sflag:s0] =	ssyncpa.u1 $0x1  }
0xcd: {  	s28 =	simm.s32 $0x9;
	[sflag:s26] =	ssyncpa.u1 $0x1  }
0xce: {  	[sflag:s28] =	ssyncpa.u1 $0x1  }
0xcf: {  	_ =	sfence.stream.spmem  }
0xd0: {  	s29 =	simm.s32 $0x3;
	[bflag:$0x0] =	sbarrier.arrive $0xFFFF  }
0xd1: {  	s30 =	simm.s32 $0x4;
	[sflag:s29] =	ssyncpa.u1 $0x1  }
0xd2: {  	s31 =	simm.s32 $0x3C;
	s2 =	stileid.u32;
	[sflag:s30] =	ssyncpa.u1 $0x1  }
0xd3: {  	p0 =	sne.s32 s2, $0x0;
	[sflag:s31] =	ssyncpa.u1 $0x1  }
0xd4: {  	s0 =	simm.s32 @p0 $0x1;
	_ =	sfence @p0  }
0xd5: {  	[sflag:s0] =	ssyncpa.u1 @p0 $0x1;
	s0 =	simm.s32 @p0 $0x2  }
0xd6: {  	[sflag:s0] =	ssyncpa.u1 @p0 $0x1  }
0xd7: {  	_ =	strace @p0 $0x90000047  }
0xd8: {  	[bflag:$0x2] =	sbarrier.arrive @p0 $0xFFFF  }
0xd9: {  	_ =	shalt @p0  }
.LBB2_11:
0xda: {  	_ =	sfence.stream.spmem;
	s0 =	simm.s32 $0x5  }
0xdb: {  	s2 =	simm.s32 $0x80;
	s3 =	simm.s32 $0xC0;
	[sflag:s0] =	ssyncpa.u1 $0x0  }
0xdc: {  	[tilespmem:s3], [sflag:$0x5] =	stream.linear.gather [spmem:s2], $0x20, $0x38;
	[tilespmem:$0x11A60] =	vst v63  }
0xdd: {  	s2 =	simm.s32 $0x0;
	s3 =	simm.s32 $0xE0  }
0xde: {  	[tilespmem:s3], [sflag:$0x5] =	stream.linear.gather [spmem:s2], $0x20, $0x38;
	[tilespmem:$0x11A60] =	vst v63  }
.Ltmp7:
0xdf: {  	_ = 	snop;
	(pc) =	sbr.rel .LBB2_12-.Ltmp7, $4  }
0xe0: {  	_ =	swait.ge [sflag:s0], $0x40  }
0xe1: {  	[sflag:s0] =	ssyncset.done $0x0  }
0xe2: {  	s31 =	simm.s32 $0x6;
	[sflag:s0] =	ssyncadd.s32 $0xFFFFFFC0  }
0xe3: {  	s4 =	simm.s32 $0x0;
	[sflag:s31] =	ssyncpa.u1 $0x0  }
.LBB2_17:
0xe4: {  	p0 =	sgt.u32 s5, $0x27FF  }
0xe5: {  	s0 =	sshrl.u32 @!p0 s5, $0x3  }
0xe6: {  	s5 =	sand.u32 @!p0 $0x7, s5;
	s6 =	simm.s32 @!p0 $0xB0;
	s0 =	sadd.s32 @!p0 s1, s0  }
0xe7: {  	[tilespmem:s6], [sflag:$0x6] =	stream.linear.gather @!p0 [hbm4b:s0+s5], $0x1, $0x38;
	[tilespmem:$0x11A60] =	vst v63  }
0xe8: {  	s0 =	simm.s32 @!p0 $0x6  }
0xe9: {  	_ =	swait.ge @!p0 [sflag:s0], $0x1  }
0xea: {  	[sflag:s0] =	ssyncset.done @!p0 $0x0  }
0xeb: {  	[sflag:s0] =	ssyncadd.s32 @!p0 $0xFFFFFFFF  }
0xec: {  	v2 =	vmov @!p0 s4;
	v1 =	vld.msk @!p0 [tilespmem:$0xB0], $0x1;
	_ =	sdelay $0x3  }
0xed: {  	s0 =	simm.s32 @!p0 $0xE0  }
0xee: {  	[tilespmem:v2+s0+$0x0], v1 =	vst.idx.ret.add.f32.msk @!p0 $0x1, v1  }
0xef: {  	[tilespmem:s2+$0xC0] =	vst.msk $0x1, v0  }
0xf0: {  	v0 =	vld.msk [tilespmem:s4+$0xE0], $0x1;
	_ =	sdelay $0x4  }
0xf1: {  	[tilespmem:s2+$0xE0] =	vst.msk $0x1, v0;
	s2 =	sadd.s32 $0x1, s2  }
.LBB2_19:
0xf2: {  	s4 =	sadd.s32 $0x1, s4  }
0xf3: {  	p0 =	sne.s32 s4, $0x20  }
.Ltmp8:
0xf4: {  	_ = 	snop;
	(pc) =	sbr.rel @!p0 .LBB2_20-.Ltmp8, $1  }
0xf5: {  	_ =	sdelay $0x3  }
.LBB2_12:
0xf6: {  	v0 =	vld.msk [tilespmem:s4+$0xC0], $0x1;
	_ =	sdelay $0x4  }
0xf7: {  	(v2sf) =	vpush v0, $0x0;
	_ =	sdelay $0xe  }
0xf8: {  	s5 =	spop (v2sf)  }
0xf9: {  	p0 =	seq.s32 s5, $0xFFFFFFFF  }
.Ltmp9:
0xfa: {  	_ = 	snop;
	(pc) =	sbr.rel @p0 .LBB2_19-.Ltmp9, $1  }
0xfb: {  	_ =	sdelay $0x3  }
0xfc: {  	p0 =	slt.s32 s2, $0x1  }
.Ltmp10:
0xfd: {  	_ = 	snop;
	(pc) =	sbr.rel @p0 .LBB2_17-.Ltmp10, $1  }
0xfe: {  	_ =	sdelay $0x3  }
0xff: {  	s0 =	simm.s32 $0xC0;
	p0 =	por $0x0, $0x0  }
0x100: {  	v1 =	vld.msk @!p0 [tilespmem:s0+$0x0], $0x1;
	_ =	sdelay $0x4  }
0x101: {  	(v2sf) =	vpush @!p0 v1, $0x0;
	_ =	sdelay $0xd  }
0x102: {  	p2 =	sne.s32 s2, $0x1  }
.Ltmp11:
0x103: {  	s6 =	spop @!p0 (v2sf);
	(pc) =	sbr.rel @!p2 .LBB2_16-.Ltmp11, $4  }
0x104: {  	p1 =	seq.s32 @!p0 s5, s6  }
0x105: {  	s6 =	simm.s32 $0x0;
	p1 =	por !p1, p0  }
0x106: {  	s8 =	simm.s32 $0xFFFFFFFF;
	s6 =	simm.s32 @p1 $0xFFFFFFFF  }
0x107: {  	s7 =	simm.s32 $0x1;
	s6 =	smov.u32 @p0 s8  }
.LBB2_15:
0x108: {  	s8 =	smov.u32 s6;
	p0 =	sne.s32 s6, $0xFFFFFFFF  }
0x109: {  	s0 =	sadd.s32 $0x1, s0;
	s6 =	smov.u32 s7;
	s7 =	sadd.s32 $0x1, s7  }
0x10a: {  	p1 =	sne.s32 s2, s7;
	v1 =	vld.msk @!p0 [tilespmem:s0+$0x0], $0x1;
	_ =	sdelay $0x4  }
0x10b: {  	(v2sf) =	vpush @!p0 v1, $0x0;
	_ =	sdelay $0xe  }
.Ltmp12:
0x10c: {  	s9 =	spop @!p0 (v2sf);
	(pc) =	sbr.rel @p1 .LBB2_15-.Ltmp12, $4  }
0x10d: {  	p2 =	seq.s32 @!p0 s5, s9  }
0x10e: {  	p2 =	por !p2, p0  }
0x10f: {  	s6 =	simm.s32 @p2 $0xFFFFFFFF  }
0x110: {  	s6 =	smov.u32 @p0 s8  }
.LBB2_16:
0x111: {  	p0 =	sne.s32 s6, $0xFFFFFFFF  }
.Ltmp13:
0x112: {  	_ = 	snop;
	(pc) =	sbr.rel @!p0 .LBB2_17-.Ltmp13, $1  }
0x113: {  	_ =	sdelay $0x3  }
0x114: {  	v0 =	vld.msk [tilespmem:s4+$0xE0], $0x1;
	v1 =	vmov s6  }
.Ltmp14:
0x115: {  	_ = 	snop;
	(pc) =	sbr.rel .LBB2_19-.Ltmp14, $2  }
0x116: {  	_ =	sdelay $0x2  }
0x117: {  	[tilespmem:v1+s3+$0x0], v0 =	vst.idx.ret.add.f32.msk $0x1, v0  }
.LBB2_20:
0x118: {  	p0 =	slt.s32 s2, $0x1  }
.Ltmp15:
0x119: {  	_ = 	snop;
	(pc) =	sbr.rel @p0 .LBB2_24-.Ltmp15, $3  }
0x11a: {  	_ =	sdelay $0x1  }
0x11b: {  	s0 =	simm.s32 $0x6  }
0x11c: {  	s3 =	simm.s32 $0x0;
	[sflag:s0] =	ssyncpa.u1 $0x1  }
0x11d: {  	s0 =	simm.s32 $0xC0  }
0x11e: {  	v0 =	vld.msk [tilespmem:s0+$0x0], $0x1;
	_ =	sdelay $0x4  }
0x11f: {  	(v2sf) =	vpush v0, $0x0;
	_ =	sdelay $0xe  }
0x120: {  	s2 =	sadd.s32 $0xFFFFFFFF, s2;
	s4 =	spop (v2sf)  }
0x121: {  	p1 =	sne.s32 s2, $0x0;
	p0 =	sgt.u32 s4, $0x27FF  }
.Ltmp16:
0x122: {  	s5 =	sshrl.u32 @!p0 s4, $0x3;
	(pc) =	sbr.rel @!p1 .LBB2_23-.Ltmp16, $4  }
0x123: {  	s0 =	simm.s32 $0xE0;
	s4 =	sand.u32 @!p0 $0x7, s4;
	s5 =	sadd.s32 @!p0 s1, s5  }
0x124: {  	[hbm4b:s5+s4] =	stream.linear.scatter @!p0 [tilespmem:s0], [sflag:$0x5], $0x1, $0x38;
	[tilespmem:$0x11A60] =	vst v63  }
0x125: {  	s5 =	simm.s32 $0x0  }
0x126: {  	s4 =	simm.s32 $0xC1;
	s5 =	simm.s32 @!p0 $0x4  }
.LBB2_22:
0x127: {  	v0 =	vld.msk [tilespmem:s4+$0x0], $0x1;
	s2 =	sadd.s32 $0xFFFFFFFF, s2;
	s3 =	sadd.s32 s3, s5  }
0x128: {  	p0 =	sne.s32 s2, $0x0;
	_ =	sdelay $0x3  }
0x129: {  	(v2sf) =	vpush v0, $0x0;
	_ =	sdelay $0xe  }
.Ltmp17:
0x12a: {  	s6 =	spop (v2sf);
	(pc) =	sbr.rel @p0 .LBB2_22-.Ltmp17, $4  }
0x12b: {  	s5 =	simm.s32 $0x0;
	p1 =	sgt.u32 s6, $0x27FF  }
0x12c: {  	s0 =	sadd.s32 $0x1, s0;
	s5 =	simm.s32 @!p1 $0x4;
	s7 =	sshrl.u32 @!p1 s6, $0x3  }
0x12d: {  	s4 =	sadd.s32 $0x1, s4;
	s6 =	sand.u32 @!p1 $0x7, s6;
	s7 =	sadd.s32 @!p1 s1, s7  }
0x12e: {  	[hbm4b:s7+s6] =	stream.linear.scatter @!p1 [tilespmem:s0], [sflag:$0x5], $0x1, $0x38;
	[tilespmem:$0x11A60] =	vst v63  }
.LBB2_23:
0x12f: {  	s0 =	sadd.s32 s3, s5  }
0x130: {  	s3 =	sshrl.u32 s0, $0x2  }
.LBB2_24:
0x131: {  	s0 =	simm.s32 $0x5  }
0x132: {  	_ =	swait.ge [sflag:s0], s3  }
0x133: {  	s1 =	ssub.s32 $0x0, s3;
	[sflag:s0] =	ssyncset.done $0x0  }
0x134: {  	[sflag:s0] =	ssyncadd.s32 s1  }
0x135: {  	[sflag:s0] =	ssyncpa.u1 $0x1  }
0x136: {  	s29 =	simm.s32 $0x1;
	_ =	sfence  }
0x137: {  	s30 =	simm.s32 $0x2;
	[sflag:s29] =	ssyncpa.u1 $0x1  }
0x138: {  	[sflag:s30] =	ssyncpa.u1 $0x1  }
0x139: {  	_ =	strace $0x90000047  }
0x13a: {  	[bflag:$0x2] =	sbarrier.arrive $0xFFFF  }
0x13b: {  	s31 =	rddreg [dreg:$0x1]  }
0x13c: {  	s0 =	sadd.s32 $0x100000, s31  }
0x13d: {  	[sflag:s0] =	ssyncadd.tile.s32 $0x1;
	_ =	shalt  }
.Lfunc_end2:
_tile_overlayer_lowered:
.L_overlay_start_2:
0x13e: {  	(tag) =	ssettag $0x2  }
0x13f: {  	s0 =	rddreg [dreg:$0x0];
	s2 =	stileid.u32  }
0x140: {  	s1 =	rddreg [dreg:$0x1];
	p0 =	sne.s32 s2, $0x0  }
0x141: {  	s3 =	rddreg [dreg:$0x2];
	[bflag:$0x3] =	sbarrier.arrive $0xFFFF;
	s2 =	simm.s32 @!p0 $0x1C01  }
0x142: {  	[timem:s3], [sflag:s2] =	dma.local @!p0 [hbm:s0], s1  }
0x143: {  	s0 =	simm.s32 @!p0 $0x1  }
0x144: {  	_ =	swait.ge @!p0 [sflag:s0], s1  }
0x145: {  	s1 =	ssub.s32 @!p0 $0x0, s1;
	[sflag:s0] =	ssyncset.done @!p0 $0x0  }
0x146: {  	[sflag:s0] =	ssyncadd.s32 @!p0 s1  }
0x147: {  	[bflag:$0x3] =	sbarrier.arrive $0xFFFF  }
0x148: {  	_ =	shalt  }

</sc_bundles>
